<compile_context>
chip_gen: v7x
topology: tpu7x:2x2x1
jax: 0.10.2.dev20260603
libtpu: 0.0.44.dev20260713+nightly
codegen_flags: <defaults>
</compile_context>

<pallas_src>
import functools

import jax
import jax.numpy as jnp
from jax import lax
from jax.experimental import pallas as pl
from jax.experimental.pallas import tpu as pltpu
from jax.experimental.pallas import tpu_sc as plsc

N = 10000
NP = 10240
D = 128
NCLS = 40
E = 320000
C = 72
NW = 32
KPT = -(-E // (NW * C))
EP = NW * C * KPT
RPS = NP // 16

_mesh = plsc.VectorSubcoreMesh(core_axis_name="c", subcore_axis_name="s")


@functools.partial(
    pl.kernel,
    out_type=jax.ShapeDtypeStruct((2, NP, D), jnp.float32),
    mesh=_mesh,
    scratch_types=[
        pltpu.VMEM((KPT, C), jnp.int32),
        pltpu.VMEM((C, D), jnp.float32),
        pltpu.VMEM_SHARED((NP, D), jnp.float32),
    ],
)
def _sc_degree(dsts_hbm, ones_hbm, zeros_hbm, out_hbm, dstv, onesv, dsh):
    c = lax.axis_index("c")
    s = lax.axis_index("s")
    w = c * 16 + s
    pltpu.sync_copy(dsts_hbm.at[w], dstv)
    pltpu.sync_copy(ones_hbm, onesv)
    pltpu.sync_copy(zeros_hbm.at[pl.ds(s * RPS, RPS)], dsh.at[pl.ds(s * RPS, RPS)])
    plsc.subcore_barrier()

    def body(j, carry):
        pltpu.sync_copy(onesv, dsh.at[dstv.at[j]], add=True)
        return carry

    lax.fori_loop(0, KPT, body, 0)
    plsc.subcore_barrier()
    pltpu.sync_copy(dsh.at[pl.ds(s * RPS, RPS)], out_hbm.at[c, pl.ds(s * RPS, RPS)])


@functools.partial(
    pl.kernel,
    out_type=jax.ShapeDtypeStruct((2, NP, D), jnp.float32),
    mesh=_mesh,
    scratch_types=[
        pltpu.VMEM((6, C), jnp.int32),
        pltpu.VMEM((6, C), jnp.int32),
        pltpu.VMEM((5, C, D), jnp.float32),
        pltpu.VMEM_SHARED((NP, D), jnp.float32),
        pltpu.SemaphoreType.DMA,
        pltpu.SemaphoreType.DMA,
        pltpu.SemaphoreType.DMA,
    ],
)
def _sc_aggregate(g_hbm, srcs_hbm, dsts_hbm, zeros_hbm, out_hbm,
                  srcv, dstv, buf, ysh, gsem, ssem, dsem):
    c = lax.axis_index("c")
    s = lax.axis_index("s")
    w = c * 16 + s
    pltpu.sync_copy(zeros_hbm.at[pl.ds(s * RPS, RPS)], ysh.at[pl.ds(s * RPS, RPS)])
    for b in range(5):
        pltpu.async_copy(srcs_hbm.at[w, b], srcv.at[b], ssem)
        pltpu.async_copy(dsts_hbm.at[w, b], dstv.at[b], dsem)
    plsc.subcore_barrier()

    for b in range(4):
        pltpu.make_async_copy(srcs_hbm.at[w, 0], srcv.at[b], ssem).wait()
        pltpu.async_copy(g_hbm.at[srcv.at[b]], buf.at[b], gsem)

    def body(j, carry):
        @pl.when(j + 5 < KPT)
        def _():
            r5 = lax.rem(j + 5, 6)
            pltpu.async_copy(srcs_hbm.at[w, j + 5], srcv.at[r5], ssem)
            pltpu.async_copy(dsts_hbm.at[w, j + 5], dstv.at[r5], dsem)

        @pl.when(j + 4 < KPT)
        def _():
            r4 = lax.rem(j + 4, 6)
            pltpu.make_async_copy(srcs_hbm.at[w, 0], srcv.at[r4], ssem).wait()
            pltpu.async_copy(g_hbm.at[srcv.at[r4]], buf.at[lax.rem(j + 4, 5)], gsem)

        p = lax.rem(j, 5)
        pltpu.make_async_copy(g_hbm.at[srcv.at[0]], buf.at[p], gsem).wait()
        pltpu.make_async_copy(dsts_hbm.at[w, 0], dstv.at[0], dsem).wait()
        pltpu.sync_copy(buf.at[p], ysh.at[dstv.at[lax.rem(j, 6)]], add=True)
        return carry

    lax.fori_loop(0, KPT, body, 0)
    plsc.subcore_barrier()
    pltpu.sync_copy(ysh.at[pl.ds(s * RPS, RPS)], out_hbm.at[c, pl.ds(s * RPS, RPS)])


_BLK = 512


def _prep_body(d2_ref, x_ref, dv_ref, g_ref):
    deg = d2_ref[0][:, 0:1] + d2_ref[1][:, 0:1] + 1.0
    dinv = lax.rsqrt(deg)
    dvb = jnp.broadcast_to(dinv, x_ref.shape)
    dv_ref[...] = dvb
    g_ref[...] = dvb * x_ref[...]


def _tc_prep(deg2, xp):
    grid = (NP // _BLK,)
    return pl.pallas_call(
        _prep_body,
        grid=grid,
        in_specs=[
            pl.BlockSpec((2, _BLK, D), lambda i: (0, i, 0)),
            pl.BlockSpec((_BLK, D), lambda i: (i, 0)),
        ],
        out_specs=[
            pl.BlockSpec((_BLK, D), lambda i: (i, 0)),
            pl.BlockSpec((_BLK, D), lambda i: (i, 0)),
        ],
        out_shape=[
            jax.ShapeDtypeStruct((NP, D), jnp.float32),
            jax.ShapeDtypeStruct((NP, D), jnp.float32),
        ],
    )(deg2, xp)


def _layer_body(relu, want_g, a_ref, g_ref, dv_ref, w_ref, b_ref, *out_refs):
    z = dv_ref[...] * (a_ref[0] + a_ref[1] + g_ref[...])
    h = jnp.dot(z, w_ref[...], preferred_element_type=jnp.float32,
                precision=lax.Precision.HIGHEST) + b_ref[...]
    if relu:
        h = jnp.maximum(h, 0.0)
    out_refs[0][...] = h
    if want_g:
        out_refs[1][...] = dv_ref[...] * h


def _tc_layer(a2, g, dvb, W, b, relu, want_g):
    F = W.shape[1]
    grid = (NP // _BLK,)
    out_shape = [jax.ShapeDtypeStruct((NP, F), jnp.float32)]
    out_specs = [pl.BlockSpec((_BLK, F), lambda i: (i, 0))]
    if want_g:
        out_shape.append(jax.ShapeDtypeStruct((NP, F), jnp.float32))
        out_specs.append(pl.BlockSpec((_BLK, F), lambda i: (i, 0)))
    return pl.pallas_call(
        functools.partial(_layer_body, relu, want_g),
        grid=grid,
        in_specs=[
            pl.BlockSpec((2, _BLK, D), lambda i: (0, i, 0)),
            pl.BlockSpec((_BLK, D), lambda i: (i, 0)),
            pl.BlockSpec((_BLK, D), lambda i: (i, 0)),
            pl.BlockSpec((D, F), lambda i: (0, 0)),
            pl.BlockSpec((1, F), lambda i: (0, 0)),
        ],
        out_specs=out_specs,
        out_shape=out_shape,
    )(a2, g, dvb, W, b)


def kernel(x, edge_index, W1, b1, W2, b2, W3, b3):
    src = edge_index[0].astype(jnp.int32)
    dst = edge_index[1].astype(jnp.int32)
    pad = EP - E
    src = jnp.concatenate([src, jnp.zeros((pad,), jnp.int32)])
    dst = jnp.concatenate([dst, jnp.full((pad,), N, jnp.int32)])
    srcs = src.reshape(NW, KPT, C)
    dsts = dst.reshape(NW, KPT, C)

    xp = jnp.pad(x, ((0, NP - N), (0, 0)))
    onesD = jnp.ones((C, D), jnp.float32)
    zerosD = jnp.zeros((NP, D), jnp.float32)

    deg2 = _sc_degree(dsts, onesD, zerosD)
    dvb, g1 = _tc_prep(deg2, xp)

    a1 = _sc_aggregate(g1, srcs, dsts, zerosD)
    h1, g2 = _tc_layer(a1, g1, dvb, W1, b1.reshape(1, -1), True, True)

    a2 = _sc_aggregate(g2, srcs, dsts, zerosD)
    h2, g3 = _tc_layer(a2, g2, dvb, W2, b2.reshape(1, -1), True, True)

    a3 = _sc_aggregate(g3, srcs, dsts, zerosD)
    (out,) = _tc_layer(a3, g3, dvb, W3, b3.reshape(1, -1), False, False)

    return (h2[:N], out[:N])

# --- scband reference (transcript-rebuilt; emitter-appended) ---
"""Pipeline reference for scband-nc-gnn-drop-block-5841155523226 (READ-ONLY COPY).

The authoritative reference and input builder live on the scoring server;
editing this copy changes nothing except your own understanding.
"""

import jax, jax.numpy as jnp
import numpy as np

N_NODES = 10000
N_EDGES = 320000
D_IN = 128
D_HID = 128
N_CLS = 40


def gcn_conv(x, edge_index, W, b, num_nodes):
    # PyG GCNConv: add self-loops, symmetric normalization, linear, scatter-add
    src = edge_index[0]
    dst = edge_index[1]
    loop = jnp.arange(num_nodes, dtype=edge_index.dtype)
    src = jnp.concatenate([src, loop])
    dst = jnp.concatenate([dst, loop])
    deg = jnp.zeros((num_nodes,), dtype=x.dtype).at[dst].add(1.0)
    dinv = jnp.where(deg > 0, deg ** -0.5, 0.0)
    norm = dinv[src] * dinv[dst]
    h = x @ W
    msg = h[src] * norm[:, None]
    out = jnp.zeros((num_nodes, W.shape[1]), dtype=x.dtype).at[dst].add(msg)
    return out + b


def setup_inputs(seed: int = 0) -> dict:
    key = jax.random.key(seed)
    ks = jax.random.split(key, 8)
    x = jax.random.normal(ks[0], (N_NODES, D_IN), dtype=jnp.float32)
    edge_index = jax.random.randint(ks[1], (2, N_EDGES), 0, N_NODES, dtype=jnp.int64)
    def xavier(k, shape):
        fan_in, fan_out = shape
        a = (6.0 / (fan_in + fan_out)) ** 0.5
        return jax.random.uniform(k, shape, dtype=jnp.float32, minval=-a, maxval=a)
    W1 = xavier(ks[2], (D_IN, D_HID))
    b1 = jnp.zeros((D_HID,), dtype=jnp.float32)
    W2 = xavier(ks[3], (D_HID, D_HID))
    b2 = jnp.zeros((D_HID,), dtype=jnp.float32)
    W3 = xavier(ks[4], (D_HID, N_CLS))
    b3 = jnp.zeros((N_CLS,), dtype=jnp.float32)
    return {"x": x, "edge_index": edge_index, "W1": W1, "b1": b1, "W2": W2, "b2": b2, "W3": W3, "b3": b3}


def reference(x, edge_index, W1, b1, W2, b2, W3, b3):
    # eval mode: DropBlock is a no-op (only applied when self.training)
    num_nodes = x.shape[0]
    h1 = jax.nn.relu(gcn_conv(x, edge_index, W1, b1, num_nodes))
    h2 = jax.nn.relu(gcn_conv(h1, edge_index, W2, b2, num_nodes))
    out = gcn_conv(h2, edge_index, W3, b3, num_nodes)
    return (h2, out)

if __name__ == "__main__":
    import jax
    _d = setup_inputs()
    print(jax.jit(kernel)(*tuple(_d.values())))

</pallas_src>

<mosaic_0001>
#map = affine_map<(d0, d1) -> (0, 0)>
#map1 = affine_map<(d0, d1) -> (0, 0, 0)>
module attributes {stable_mosaic.version = 14 : i64} {
  func.func @_sc_aggregate(%arg0: i32, %arg1: i32, %arg2: memref<10240x128xf32, #tpu.memory_space<hbm>>, %arg3: memref<32x139x72xi32, #tpu.memory_space<hbm>>, %arg4: memref<32x139x72xi32, #tpu.memory_space<hbm>>, %arg5: memref<10240x128xf32, #tpu.memory_space<hbm>>, %arg6: memref<2x10240x128xf32, #tpu.memory_space<hbm>>, %arg7: memref<6x72xi32, #tpu.memory_space<vmem>>, %arg8: memref<6x72xi32, #tpu.memory_space<vmem>>, %arg9: memref<5x72x128xf32, #tpu.memory_space<vmem>>, %arg10: memref<10240x128xf32, #tpu.memory_space<vmem_shared>>, %arg11: memref<!tpu.dma_semaphore, #tpu.memory_space<semaphore_mem>>, %arg12: memref<!tpu.dma_semaphore, #tpu.memory_space<semaphore_mem>>, %arg13: memref<!tpu.dma_semaphore, #tpu.memory_space<semaphore_mem>>) attributes {dimension_semantics = [#tpu.dimension_semantics<core_parallel>, #tpu.dimension_semantics<subcore_parallel>], iteration_bounds = array<i64: 2, 16>, scalar_prefetch = 0 : i64, scratch_operands = 7 : i64, tpu.core_type = #tpu.core_type<sc_vector_subcore>, window_params = [{transform_indices = #map}, {transform_indices = #map1}, {transform_indices = #map1}, {transform_indices = #map}, {transform_indices = #map1}]} {
    %mul3A = arith.constant 16 : i32
    %mul3A_0 = arith.muli %arg0, %mul3A : i32
    %add3A = arith.addi %mul3A_0, %arg1 : i32
    %mul3A_1 = arith.constant 640 : i32
    %mul3A_2 = arith.muli %arg1, %mul3A_1 : i32
    %mul3A_3 = arith.constant 640 : i32
    %mul3A_4 = arith.muli %arg1, %mul3A_3 : i32
    "tpu.region"() ({
      %run_scoped3A = tpu.sem_alloc : memref<!tpu.dma_semaphore, #tpu.memory_space<semaphore_mem>>
      %dma_start3A_257 = arith.constant 0 : i32
      %dma_start3A_258 = tpu.memref_slice %arg10[%mul3A_4, %dma_start3A_257] : memref<10240x128xf32, #tpu.memory_space<vmem_shared>> -> memref<640x128xf32, #tpu.memory_space<vmem_shared>>
      %dma_start3A_259 = arith.constant 0 : i32
      %dma_start3A_260 = tpu.memref_slice %arg5[%mul3A_2, %dma_start3A_259] : memref<10240x128xf32, #tpu.memory_space<hbm>> -> memref<640x128xf32, #tpu.memory_space<hbm>>
      tpu.enqueue_dma source(%dma_start3A_260 : memref<640x128xf32, #tpu.memory_space<hbm>>) target(%dma_start3A_258 : memref<640x128xf32, #tpu.memory_space<vmem_shared>>) target_semaphore(%run_scoped3A : memref<!tpu.dma_semaphore, #tpu.memory_space<semaphore_mem>>)
      %dma_wait3A_261 = arith.constant 0 : i32
      %dma_wait3A_262 = tpu.memref_slice %arg10[%mul3A_4, %dma_wait3A_261] : memref<10240x128xf32, #tpu.memory_space<vmem_shared>> -> memref<640x128xf32, #tpu.memory_space<vmem_shared>>
      %dma_wait3A_263 = arith.constant 0 : i32
      %dma_wait3A_264 = tpu.memref_slice %arg5[%mul3A_2, %dma_wait3A_263] : memref<10240x128xf32, #tpu.memory_space<hbm>> -> memref<640x128xf32, #tpu.memory_space<hbm>>
      tpu.wait_dma2 semaphore(%run_scoped3A : memref<!tpu.dma_semaphore, #tpu.memory_space<semaphore_mem>>) src(%dma_wait3A_264 : memref<640x128xf32, #tpu.memory_space<hbm>>) dst(%dma_wait3A_262 : memref<640x128xf32, #tpu.memory_space<vmem_shared>>)
      tpu.yield
    }) : () -> ()
    %dma_start3A = arith.constant 0 : i32
    %dma_start3A_5 = arith.constant 0 : i32
    %dma_start3A_6 = arith.constant 0 : i32
    %dma_start3A_7 = tpu.memref_slice %arg7[%dma_start3A_5, %dma_start3A_6] : memref<6x72xi32, #tpu.memory_space<vmem>> -> memref<1x72xi32, #tpu.memory_space<vmem>>
    %dma_start3A_8 = tpu.memref_squeeze %dma_start3A_7 : memref<1x72xi32, #tpu.memory_space<vmem>> -> memref<72xi32, #tpu.memory_space<vmem>>
    %dma_start3A_9 = arith.constant 0 : i32
    %dma_start3A_10 = tpu.memref_slice %arg3[%add3A, %dma_start3A, %dma_start3A_9] : memref<32x139x72xi32, #tpu.memory_space<hbm>> -> memref<1x1x72xi32, #tpu.memory_space<hbm>>
    %dma_start3A_11 = tpu.memref_squeeze %dma_start3A_10 : memref<1x1x72xi32, #tpu.memory_space<hbm>> -> memref<72xi32, #tpu.memory_space<hbm>>
    %dma_start3A_12 = arith.constant 0 : i32
    %dma_start3A_13 = tpu.memref_slice %arg7[%dma_start3A_5, %dma_start3A_12] : memref<6x72xi32, #tpu.memory_space<vmem>> -> memref<1x72xi32, #tpu.memory_space<vmem>>
    %dma_start3A_14 = tpu.memref_squeeze %dma_start3A_13 : memref<1x72xi32, #tpu.memory_space<vmem>> -> memref<72xi32, #tpu.memory_space<vmem>>
    %dma_start3A_15 = arith.constant 0 : i32
    %dma_start3A_16 = tpu.memref_slice %arg3[%add3A, %dma_start3A, %dma_start3A_15] : memref<32x139x72xi32, #tpu.memory_space<hbm>> -> memref<1x1x72xi32, #tpu.memory_space<hbm>>
    %dma_start3A_17 = tpu.memref_squeeze %dma_start3A_16 : memref<1x1x72xi32, #tpu.memory_space<hbm>> -> memref<72xi32, #tpu.memory_space<hbm>>
    tpu.enqueue_dma source(%dma_start3A_17 : memref<72xi32, #tpu.memory_space<hbm>>) target(%dma_start3A_14 : memref<72xi32, #tpu.memory_space<vmem>>) target_semaphore(%arg12 : memref<!tpu.dma_semaphore, #tpu.memory_space<semaphore_mem>>)
    %dma_start3A_18 = arith.constant 0 : i32
    %dma_start3A_19 = arith.constant 0 : i32
    %dma_start3A_20 = arith.constant 0 : i32
    %dma_start3A_21 = tpu.memref_slice %arg8[%dma_start3A_19, %dma_start3A_20] : memref<6x72xi32, #tpu.memory_space<vmem>> -> memref<1x72xi32, #tpu.memory_space<vmem>>
    %dma_start3A_22 = tpu.memref_squeeze %dma_start3A_21 : memref<1x72xi32, #tpu.memory_space<vmem>> -> memref<72xi32, #tpu.memory_space<vmem>>
    %dma_start3A_23 = arith.constant 0 : i32
    %dma_start3A_24 = tpu.memref_slice %arg4[%add3A, %dma_start3A_18, %dma_start3A_23] : memref<32x139x72xi32, #tpu.memory_space<hbm>> -> memref<1x1x72xi32, #tpu.memory_space<hbm>>
    %dma_start3A_25 = tpu.memref_squeeze %dma_start3A_24 : memref<1x1x72xi32, #tpu.memory_space<hbm>> -> memref<72xi32, #tpu.memory_space<hbm>>
    %dma_start3A_26 = arith.constant 0 : i32
    %dma_start3A_27 = tpu.memref_slice %arg8[%dma_start3A_19, %dma_start3A_26] : memref<6x72xi32, #tpu.memory_space<vmem>> -> memref<1x72xi32, #tpu.memory_space<vmem>>
    %dma_start3A_28 = tpu.memref_squeeze %dma_start3A_27 : memref<1x72xi32, #tpu.memory_space<vmem>> -> memref<72xi32, #tpu.memory_space<vmem>>
    %dma_start3A_29 = arith.constant 0 : i32
    %dma_start3A_30 = tpu.memref_slice %arg4[%add3A, %dma_start3A_18, %dma_start3A_29] : memref<32x139x72xi32, #tpu.memory_space<hbm>> -> memref<1x1x72xi32, #tpu.memory_space<hbm>>
    %dma_start3A_31 = tpu.memref_squeeze %dma_start3A_30 : memref<1x1x72xi32, #tpu.memory_space<hbm>> -> memref<72xi32, #tpu.memory_space<hbm>>
    tpu.enqueue_dma source(%dma_start3A_31 : memref<72xi32, #tpu.memory_space<hbm>>) target(%dma_start3A_28 : memref<72xi32, #tpu.memory_space<vmem>>) target_semaphore(%arg13 : memref<!tpu.dma_semaphore, #tpu.memory_space<semaphore_mem>>)
    %dma_start3A_32 = arith.constant 1 : i32
    %dma_start3A_33 = arith.constant 1 : i32
    %dma_start3A_34 = arith.constant 0 : i32
    %dma_start3A_35 = tpu.memref_slice %arg7[%dma_start3A_33, %dma_start3A_34] : memref<6x72xi32, #tpu.memory_space<vmem>> -> memref<1x72xi32, #tpu.memory_space<vmem>>
    %dma_start3A_36 = tpu.memref_squeeze %dma_start3A_35 : memref<1x72xi32, #tpu.memory_space<vmem>> -> memref<72xi32, #tpu.memory_space<vmem>>
    %dma_start3A_37 = arith.constant 0 : i32
    %dma_start3A_38 = tpu.memref_slice %arg3[%add3A, %dma_start3A_32, %dma_start3A_37] : memref<32x139x72xi32, #tpu.memory_space<hbm>> -> memref<1x1x72xi32, #tpu.memory_space<hbm>>
    %dma_start3A_39 = tpu.memref_squeeze %dma_start3A_38 : memref<1x1x72xi32, #tpu.memory_space<hbm>> -> memref<72xi32, #tpu.memory_space<hbm>>
    %dma_start3A_40 = arith.constant 0 : i32
    %dma_start3A_41 = tpu.memref_slice %arg7[%dma_start3A_33, %dma_start3A_40] : memref<6x72xi32, #tpu.memory_space<vmem>> -> memref<1x72xi32, #tpu.memory_space<vmem>>
    %dma_start3A_42 = tpu.memref_squeeze %dma_start3A_41 : memref<1x72xi32, #tpu.memory_space<vmem>> -> memref<72xi32, #tpu.memory_space<vmem>>
    %dma_start3A_43 = arith.constant 0 : i32
    %dma_start3A_44 = tpu.memref_slice %arg3[%add3A, %dma_start3A_32, %dma_start3A_43] : memref<32x139x72xi32, #tpu.memory_space<hbm>> -> memref<1x1x72xi32, #tpu.memory_space<hbm>>
    %dma_start3A_45 = tpu.memref_squeeze %dma_start3A_44 : memref<1x1x72xi32, #tpu.memory_space<hbm>> -> memref<72xi32, #tpu.memory_space<hbm>>
    tpu.enqueue_dma source(%dma_start3A_45 : memref<72xi32, #tpu.memory_space<hbm>>) target(%dma_start3A_42 : memref<72xi32, #tpu.memory_space<vmem>>) target_semaphore(%arg12 : memref<!tpu.dma_semaphore, #tpu.memory_space<semaphore_mem>>)
    %dma_start3A_46 = arith.constant 1 : i32
    %dma_start3A_47 = arith.constant 1 : i32
    %dma_start3A_48 = arith.constant 0 : i32
    %dma_start3A_49 = tpu.memref_slice %arg8[%dma_start3A_47, %dma_start3A_48] : memref<6x72xi32, #tpu.memory_space<vmem>> -> memref<1x72xi32, #tpu.memory_space<vmem>>
    %dma_start3A_50 = tpu.memref_squeeze %dma_start3A_49 : memref<1x72xi32, #tpu.memory_space<vmem>> -> memref<72xi32, #tpu.memory_space<vmem>>
    %dma_start3A_51 = arith.constant 0 : i32
    %dma_start3A_52 = tpu.memref_slice %arg4[%add3A, %dma_start3A_46, %dma_start3A_51] : memref<32x139x72xi32, #tpu.memory_space<hbm>> -> memref<1x1x72xi32, #tpu.memory_space<hbm>>
    %dma_start3A_53 = tpu.memref_squeeze %dma_start3A_52 : memref<1x1x72xi32, #tpu.memory_space<hbm>> -> memref<72xi32, #tpu.memory_space<hbm>>
    %dma_start3A_54 = arith.constant 0 : i32
    %dma_start3A_55 = tpu.memref_slice %arg8[%dma_start3A_47, %dma_start3A_54] : memref<6x72xi32, #tpu.memory_space<vmem>> -> memref<1x72xi32, #tpu.memory_space<vmem>>
    %dma_start3A_56 = tpu.memref_squeeze %dma_start3A_55 : memref<1x72xi32, #tpu.memory_space<vmem>> -> memref<72xi32, #tpu.memory_space<vmem>>
    %dma_start3A_57 = arith.constant 0 : i32
    %dma_start3A_58 = tpu.memref_slice %arg4[%add3A, %dma_start3A_46, %dma_start3A_57] : memref<32x139x72xi32, #tpu.memory_space<hbm>> -> memref<1x1x72xi32, #tpu.memory_space<hbm>>
    %dma_start3A_59 = tpu.memref_squeeze %dma_start3A_58 : memref<1x1x72xi32, #tpu.memory_space<hbm>> -> memref<72xi32, #tpu.memory_space<hbm>>
    tpu.enqueue_dma source(%dma_start3A_59 : memref<72xi32, #tpu.memory_space<hbm>>) target(%dma_start3A_56 : memref<72xi32, #tpu.memory_space<vmem>>) target_semaphore(%arg13 : memref<!tpu.dma_semaphore, #tpu.memory_space<semaphore_mem>>)
    %dma_start3A_60 = arith.constant 2 : i32
    %dma_start3A_61 = arith.constant 2 : i32
    %dma_start3A_62 = arith.constant 0 : i32
    %dma_start3A_63 = tpu.memref_slice %arg7[%dma_start3A_61, %dma_start3A_62] : memref<6x72xi32, #tpu.memory_space<vmem>> -> memref<1x72xi32, #tpu.memory_space<vmem>>
    %dma_start3A_64 = tpu.memref_squeeze %dma_start3A_63 : memref<1x72xi32, #tpu.memory_space<vmem>> -> memref<72xi32, #tpu.memory_space<vmem>>
    %dma_start3A_65 = arith.constant 0 : i32
    %dma_start3A_66 = tpu.memref_slice %arg3[%add3A, %dma_start3A_60, %dma_start3A_65] : memref<32x139x72xi32, #tpu.memory_space<hbm>> -> memref<1x1x72xi32, #tpu.memory_space<hbm>>
    %dma_start3A_67 = tpu.memref_squeeze %dma_start3A_66 : memref<1x1x72xi32, #tpu.memory_space<hbm>> -> memref<72xi32, #tpu.memory_space<hbm>>
    %dma_start3A_68 = arith.constant 0 : i32
    %dma_start3A_69 = tpu.memref_slice %arg7[%dma_start3A_61, %dma_start3A_68] : memref<6x72xi32, #tpu.memory_space<vmem>> -> memref<1x72xi32, #tpu.memory_space<vmem>>
    %dma_start3A_70 = tpu.memref_squeeze %dma_start3A_69 : memref<1x72xi32, #tpu.memory_space<vmem>> -> memref<72xi32, #tpu.memory_space<vmem>>
    %dma_start3A_71 = arith.constant 0 : i32
    %dma_start3A_72 = tpu.memref_slice %arg3[%add3A, %dma_start3A_60, %dma_start3A_71] : memref<32x139x72xi32, #tpu.memory_space<hbm>> -> memref<1x1x72xi32, #tpu.memory_space<hbm>>
    %dma_start3A_73 = tpu.memref_squeeze %dma_start3A_72 : memref<1x1x72xi32, #tpu.memory_space<hbm>> -> memref<72xi32, #tpu.memory_space<hbm>>
    tpu.enqueue_dma source(%dma_start3A_73 : memref<72xi32, #tpu.memory_space<hbm>>) target(%dma_start3A_70 : memref<72xi32, #tpu.memory_space<vmem>>) target_semaphore(%arg12 : memref<!tpu.dma_semaphore, #tpu.memory_space<semaphore_mem>>)
    %dma_start3A_74 = arith.constant 2 : i32
    %dma_start3A_75 = arith.constant 2 : i32
    %dma_start3A_76 = arith.constant 0 : i32
    %dma_start3A_77 = tpu.memref_slice %arg8[%dma_start3A_75, %dma_start3A_76] : memref<6x72xi32, #tpu.memory_space<vmem>> -> memref<1x72xi32, #tpu.memory_space<vmem>>
    %dma_start3A_78 = tpu.memref_squeeze %dma_start3A_77 : memref<1x72xi32, #tpu.memory_space<vmem>> -> memref<72xi32, #tpu.memory_space<vmem>>
    %dma_start3A_79 = arith.constant 0 : i32
    %dma_start3A_80 = tpu.memref_slice %arg4[%add3A, %dma_start3A_74, %dma_start3A_79] : memref<32x139x72xi32, #tpu.memory_space<hbm>> -> memref<1x1x72xi32, #tpu.memory_space<hbm>>
    %dma_start3A_81 = tpu.memref_squeeze %dma_start3A_80 : memref<1x1x72xi32, #tpu.memory_space<hbm>> -> memref<72xi32, #tpu.memory_space<hbm>>
    %dma_start3A_82 = arith.constant 0 : i32
    %dma_start3A_83 = tpu.memref_slice %arg8[%dma_start3A_75, %dma_start3A_82] : memref<6x72xi32, #tpu.memory_space<vmem>> -> memref<1x72xi32, #tpu.memory_space<vmem>>
    %dma_start3A_84 = tpu.memref_squeeze %dma_start3A_83 : memref<1x72xi32, #tpu.memory_space<vmem>> -> memref<72xi32, #tpu.memory_space<vmem>>
    %dma_start3A_85 = arith.constant 0 : i32
    %dma_start3A_86 = tpu.memref_slice %arg4[%add3A, %dma_start3A_74, %dma_start3A_85] : memref<32x139x72xi32, #tpu.memory_space<hbm>> -> memref<1x1x72xi32, #tpu.memory_space<hbm>>
    %dma_start3A_87 = tpu.memref_squeeze %dma_start3A_86 : memref<1x1x72xi32, #tpu.memory_space<hbm>> -> memref<72xi32, #tpu.memory_space<hbm>>
    tpu.enqueue_dma source(%dma_start3A_87 : memref<72xi32, #tpu.memory_space<hbm>>) target(%dma_start3A_84 : memref<72xi32, #tpu.memory_space<vmem>>) target_semaphore(%arg13 : memref<!tpu.dma_semaphore, #tpu.memory_space<semaphore_mem>>)
    %dma_start3A_88 = arith.constant 3 : i32
    %dma_start3A_89 = arith.constant 3 : i32
    %dma_start3A_90 = arith.constant 0 : i32
    %dma_start3A_91 = tpu.memref_slice %arg7[%dma_start3A_89, %dma_start3A_90] : memref<6x72xi32, #tpu.memory_space<vmem>> -> memref<1x72xi32, #tpu.memory_space<vmem>>
    %dma_start3A_92 = tpu.memref_squeeze %dma_start3A_91 : memref<1x72xi32, #tpu.memory_space<vmem>> -> memref<72xi32, #tpu.memory_space<vmem>>
    %dma_start3A_93 = arith.constant 0 : i32
    %dma_start3A_94 = tpu.memref_slice %arg3[%add3A, %dma_start3A_88, %dma_start3A_93] : memref<32x139x72xi32, #tpu.memory_space<hbm>> -> memref<1x1x72xi32, #tpu.memory_space<hbm>>
    %dma_start3A_95 = tpu.memref_squeeze %dma_start3A_94 : memref<1x1x72xi32, #tpu.memory_space<hbm>> -> memref<72xi32, #tpu.memory_space<hbm>>
    %dma_start3A_96 = arith.constant 0 : i32
    %dma_start3A_97 = tpu.memref_slice %arg7[%dma_start3A_89, %dma_start3A_96] : memref<6x72xi32, #tpu.memory_space<vmem>> -> memref<1x72xi32, #tpu.memory_space<vmem>>
    %dma_start3A_98 = tpu.memref_squeeze %dma_start3A_97 : memref<1x72xi32, #tpu.memory_space<vmem>> -> memref<72xi32, #tpu.memory_space<vmem>>
    %dma_start3A_99 = arith.constant 0 : i32
    %dma_start3A_100 = tpu.memref_slice %arg3[%add3A, %dma_start3A_88, %dma_start3A_99] : memref<32x139x72xi32, #tpu.memory_space<hbm>> -> memref<1x1x72xi32, #tpu.memory_space<hbm>>
    %dma_start3A_101 = tpu.memref_squeeze %dma_start3A_100 : memref<1x1x72xi32, #tpu.memory_space<hbm>> -> memref<72xi32, #tpu.memory_space<hbm>>
    tpu.enqueue_dma source(%dma_start3A_101 : memref<72xi32, #tpu.memory_space<hbm>>) target(%dma_start3A_98 : memref<72xi32, #tpu.memory_space<vmem>>) target_semaphore(%arg12 : memref<!tpu.dma_semaphore, #tpu.memory_space<semaphore_mem>>)
    %dma_start3A_102 = arith.constant 3 : i32
    %dma_start3A_103 = arith.constant 3 : i32
    %dma_start3A_104 = arith.constant 0 : i32
    %dma_start3A_105 = tpu.memref_slice %arg8[%dma_start3A_103, %dma_start3A_104] : memref<6x72xi32, #tpu.memory_space<vmem>> -> memref<1x72xi32, #tpu.memory_space<vmem>>
    %dma_start3A_106 = tpu.memref_squeeze %dma_start3A_105 : memref<1x72xi32, #tpu.memory_space<vmem>> -> memref<72xi32, #tpu.memory_space<vmem>>
    %dma_start3A_107 = arith.constant 0 : i32
    %dma_start3A_108 = tpu.memref_slice %arg4[%add3A, %dma_start3A_102, %dma_start3A_107] : memref<32x139x72xi32, #tpu.memory_space<hbm>> -> memref<1x1x72xi32, #tpu.memory_space<hbm>>
    %dma_start3A_109 = tpu.memref_squeeze %dma_start3A_108 : memref<1x1x72xi32, #tpu.memory_space<hbm>> -> memref<72xi32, #tpu.memory_space<hbm>>
    %dma_start3A_110 = arith.constant 0 : i32
    %dma_start3A_111 = tpu.memref_slice %arg8[%dma_start3A_103, %dma_start3A_110] : memref<6x72xi32, #tpu.memory_space<vmem>> -> memref<1x72xi32, #tpu.memory_space<vmem>>
    %dma_start3A_112 = tpu.memref_squeeze %dma_start3A_111 : memref<1x72xi32, #tpu.memory_space<vmem>> -> memref<72xi32, #tpu.memory_space<vmem>>
    %dma_start3A_113 = arith.constant 0 : i32
    %dma_start3A_114 = tpu.memref_slice %arg4[%add3A, %dma_start3A_102, %dma_start3A_113] : memref<32x139x72xi32, #tpu.memory_space<hbm>> -> memref<1x1x72xi32, #tpu.memory_space<hbm>>
    %dma_start3A_115 = tpu.memref_squeeze %dma_start3A_114 : memref<1x1x72xi32, #tpu.memory_space<hbm>> -> memref<72xi32, #tpu.memory_space<hbm>>
    tpu.enqueue_dma source(%dma_start3A_115 : memref<72xi32, #tpu.memory_space<hbm>>) target(%dma_start3A_112 : memref<72xi32, #tpu.memory_space<vmem>>) target_semaphore(%arg13 : memref<!tpu.dma_semaphore, #tpu.memory_space<semaphore_mem>>)
    %dma_start3A_116 = arith.constant 4 : i32
    %dma_start3A_117 = arith.constant 4 : i32
    %dma_start3A_118 = arith.constant 0 : i32
    %dma_start3A_119 = tpu.memref_slice %arg7[%dma_start3A_117, %dma_start3A_118] : memref<6x72xi32, #tpu.memory_space<vmem>> -> memref<1x72xi32, #tpu.memory_space<vmem>>
    %dma_start3A_120 = tpu.memref_squeeze %dma_start3A_119 : memref<1x72xi32, #tpu.memory_space<vmem>> -> memref<72xi32, #tpu.memory_space<vmem>>
    %dma_start3A_121 = arith.constant 0 : i32
    %dma_start3A_122 = tpu.memref_slice %arg3[%add3A, %dma_start3A_116, %dma_start3A_121] : memref<32x139x72xi32, #tpu.memory_space<hbm>> -> memref<1x1x72xi32, #tpu.memory_space<hbm>>
    %dma_start3A_123 = tpu.memref_squeeze %dma_start3A_122 : memref<1x1x72xi32, #tpu.memory_space<hbm>> -> memref<72xi32, #tpu.memory_space<hbm>>
    %dma_start3A_124 = arith.constant 0 : i32
    %dma_start3A_125 = tpu.memref_slice %arg7[%dma_start3A_117, %dma_start3A_124] : memref<6x72xi32, #tpu.memory_space<vmem>> -> memref<1x72xi32, #tpu.memory_space<vmem>>
    %dma_start3A_126 = tpu.memref_squeeze %dma_start3A_125 : memref<1x72xi32, #tpu.memory_space<vmem>> -> memref<72xi32, #tpu.memory_space<vmem>>
    %dma_start3A_127 = arith.constant 0 : i32
    %dma_start3A_128 = tpu.memref_slice %arg3[%add3A, %dma_start3A_116, %dma_start3A_127] : memref<32x139x72xi32, #tpu.memory_space<hbm>> -> memref<1x1x72xi32, #tpu.memory_space<hbm>>
    %dma_start3A_129 = tpu.memref_squeeze %dma_start3A_128 : memref<1x1x72xi32, #tpu.memory_space<hbm>> -> memref<72xi32, #tpu.memory_space<hbm>>
    tpu.enqueue_dma source(%dma_start3A_129 : memref<72xi32, #tpu.memory_space<hbm>>) target(%dma_start3A_126 : memref<72xi32, #tpu.memory_space<vmem>>) target_semaphore(%arg12 : memref<!tpu.dma_semaphore, #tpu.memory_space<semaphore_mem>>)
    %dma_start3A_130 = arith.constant 4 : i32
    %dma_start3A_131 = arith.constant 4 : i32
    %dma_start3A_132 = arith.constant 0 : i32
    %dma_start3A_133 = tpu.memref_slice %arg8[%dma_start3A_131, %dma_start3A_132] : memref<6x72xi32, #tpu.memory_space<vmem>> -> memref<1x72xi32, #tpu.memory_space<vmem>>
    %dma_start3A_134 = tpu.memref_squeeze %dma_start3A_133 : memref<1x72xi32, #tpu.memory_space<vmem>> -> memref<72xi32, #tpu.memory_space<vmem>>
    %dma_start3A_135 = arith.constant 0 : i32
    %dma_start3A_136 = tpu.memref_slice %arg4[%add3A, %dma_start3A_130, %dma_start3A_135] : memref<32x139x72xi32, #tpu.memory_space<hbm>> -> memref<1x1x72xi32, #tpu.memory_space<hbm>>
    %dma_start3A_137 = tpu.memref_squeeze %dma_start3A_136 : memref<1x1x72xi32, #tpu.memory_space<hbm>> -> memref<72xi32, #tpu.memory_space<hbm>>
    %dma_start3A_138 = arith.constant 0 : i32
    %dma_start3A_139 = tpu.memref_slice %arg8[%dma_start3A_131, %dma_start3A_138] : memref<6x72xi32, #tpu.memory_space<vmem>> -> memref<1x72xi32, #tpu.memory_space<vmem>>
    %dma_start3A_140 = tpu.memref_squeeze %dma_start3A_139 : memref<1x72xi32, #tpu.memory_space<vmem>> -> memref<72xi32, #tpu.memory_space<vmem>>
    %dma_start3A_141 = arith.constant 0 : i32
    %dma_start3A_142 = tpu.memref_slice %arg4[%add3A, %dma_start3A_130, %dma_start3A_141] : memref<32x139x72xi32, #tpu.memory_space<hbm>> -> memref<1x1x72xi32, #tpu.memory_space<hbm>>
    %dma_start3A_143 = tpu.memref_squeeze %dma_start3A_142 : memref<1x1x72xi32, #tpu.memory_space<hbm>> -> memref<72xi32, #tpu.memory_space<hbm>>
    tpu.enqueue_dma source(%dma_start3A_143 : memref<72xi32, #tpu.memory_space<hbm>>) target(%dma_start3A_140 : memref<72xi32, #tpu.memory_space<vmem>>) target_semaphore(%arg13 : memref<!tpu.dma_semaphore, #tpu.memory_space<semaphore_mem>>)
    %barrier3A = arith.constant 0 : index
    tpu.barrier barrier_id(%barrier3A)
    %dma_wait3A = arith.constant 0 : i32
    %dma_wait3A_144 = arith.constant 0 : i32
    %dma_wait3A_145 = arith.constant 0 : i32
    %dma_wait3A_146 = tpu.memref_slice %arg7[%dma_wait3A_144, %dma_wait3A_145] : memref<6x72xi32, #tpu.memory_space<vmem>> -> memref<1x72xi32, #tpu.memory_space<vmem>>
    %dma_wait3A_147 = tpu.memref_squeeze %dma_wait3A_146 : memref<1x72xi32, #tpu.memory_space<vmem>> -> memref<72xi32, #tpu.memory_space<vmem>>
    %dma_wait3A_148 = arith.constant 0 : i32
    %dma_wait3A_149 = tpu.memref_slice %arg3[%add3A, %dma_wait3A, %dma_wait3A_148] : memref<32x139x72xi32, #tpu.memory_space<hbm>> -> memref<1x1x72xi32, #tpu.memory_space<hbm>>
    %dma_wait3A_150 = tpu.memref_squeeze %dma_wait3A_149 : memref<1x1x72xi32, #tpu.memory_space<hbm>> -> memref<72xi32, #tpu.memory_space<hbm>>
    %dma_wait3A_151 = arith.constant 0 : i32
    %dma_wait3A_152 = tpu.memref_slice %arg7[%dma_wait3A_144, %dma_wait3A_151] : memref<6x72xi32, #tpu.memory_space<vmem>> -> memref<1x72xi32, #tpu.memory_space<vmem>>
    %dma_wait3A_153 = tpu.memref_squeeze %dma_wait3A_152 : memref<1x72xi32, #tpu.memory_space<vmem>> -> memref<72xi32, #tpu.memory_space<vmem>>
    %dma_wait3A_154 = arith.constant 0 : i32
    %dma_wait3A_155 = tpu.memref_slice %arg3[%add3A, %dma_wait3A, %dma_wait3A_154] : memref<32x139x72xi32, #tpu.memory_space<hbm>> -> memref<1x1x72xi32, #tpu.memory_space<hbm>>
    %dma_wait3A_156 = tpu.memref_squeeze %dma_wait3A_155 : memref<1x1x72xi32, #tpu.memory_space<hbm>> -> memref<72xi32, #tpu.memory_space<hbm>>
    tpu.wait_dma2 semaphore(%arg12 : memref<!tpu.dma_semaphore, #tpu.memory_space<semaphore_mem>>) src(%dma_wait3A_156 : memref<72xi32, #tpu.memory_space<hbm>>) dst(%dma_wait3A_153 : memref<72xi32, #tpu.memory_space<vmem>>)
    %dma_start3A_157 = arith.constant 0 : i32
    %dma_start3A_158 = arith.constant 0 : i32
    %dma_start3A_159 = arith.constant 0 : i32
    %dma_start3A_160 = arith.constant 0 : i32
    %dma_start3A_161 = tpu.memref_slice %arg9[%dma_start3A_158, %dma_start3A_159, %dma_start3A_160] : memref<5x72x128xf32, #tpu.memory_space<vmem>> -> memref<1x72x128xf32, #tpu.memory_space<vmem>>
    %dma_start3A_162 = tpu.memref_squeeze %dma_start3A_161 : memref<1x72x128xf32, #tpu.memory_space<vmem>> -> memref<72x128xf32, #tpu.memory_space<vmem>>
    %dma_start3A_163 = arith.constant 0 : i32
    %dma_start3A_164 = tpu.memref_slice %arg7[%dma_start3A_157, %dma_start3A_163] : memref<6x72xi32, #tpu.memory_space<vmem>> -> memref<1x72xi32, #tpu.memory_space<vmem>>
    %dma_start3A_165 = tpu.memref_squeeze %dma_start3A_164 : memref<1x72xi32, #tpu.memory_space<vmem>> -> memref<72xi32, #tpu.memory_space<vmem>>
    %dma_start3A_166 = arith.constant 0 : i32
    %dma_start3A_167 = arith.constant 0 : i32
    %dma_start3A_168 = tpu.memref_slice %arg2[%dma_start3A_166, %dma_start3A_167] : memref<10240x128xf32, #tpu.memory_space<hbm>> -> memref<10240x128xf32, #tpu.memory_space<hbm>>
    tpu.enqueue_indirect_dma source(%dma_start3A_168 : memref<10240x128xf32, #tpu.memory_space<hbm>>) target(%dma_start3A_162 : memref<72x128xf32, #tpu.memory_space<vmem>>) offsets(%dma_start3A_165 : memref<72xi32, #tpu.memory_space<vmem>>) semaphore(%arg11 : memref<!tpu.dma_semaphore, #tpu.memory_space<semaphore_mem>>)
    %dma_wait3A_169 = arith.constant 0 : i32
    %dma_wait3A_170 = arith.constant 1 : i32
    %dma_wait3A_171 = arith.constant 0 : i32
    %dma_wait3A_172 = tpu.memref_slice %arg7[%dma_wait3A_170, %dma_wait3A_171] : memref<6x72xi32, #tpu.memory_space<vmem>> -> memref<1x72xi32, #tpu.memory_space<vmem>>
    %dma_wait3A_173 = tpu.memref_squeeze %dma_wait3A_172 : memref<1x72xi32, #tpu.memory_space<vmem>> -> memref<72xi32, #tpu.memory_space<vmem>>
    %dma_wait3A_174 = arith.constant 0 : i32
    %dma_wait3A_175 = tpu.memref_slice %arg3[%add3A, %dma_wait3A_169, %dma_wait3A_174] : memref<32x139x72xi32, #tpu.memory_space<hbm>> -> memref<1x1x72xi32, #tpu.memory_space<hbm>>
    %dma_wait3A_176 = tpu.memref_squeeze %dma_wait3A_175 : memref<1x1x72xi32, #tpu.memory_space<hbm>> -> memref<72xi32, #tpu.memory_space<hbm>>
    %dma_wait3A_177 = arith.constant 0 : i32
    %dma_wait3A_178 = tpu.memref_slice %arg7[%dma_wait3A_170, %dma_wait3A_177] : memref<6x72xi32, #tpu.memory_space<vmem>> -> memref<1x72xi32, #tpu.memory_space<vmem>>
    %dma_wait3A_179 = tpu.memref_squeeze %dma_wait3A_178 : memref<1x72xi32, #tpu.memory_space<vmem>> -> memref<72xi32, #tpu.memory_space<vmem>>
    %dma_wait3A_180 = arith.constant 0 : i32
    %dma_wait3A_181 = tpu.memref_slice %arg3[%add3A, %dma_wait3A_169, %dma_wait3A_180] : memref<32x139x72xi32, #tpu.memory_space<hbm>> -> memref<1x1x72xi32, #tpu.memory_space<hbm>>
    %dma_wait3A_182 = tpu.memref_squeeze %dma_wait3A_181 : memref<1x1x72xi32, #tpu.memory_space<hbm>> -> memref<72xi32, #tpu.memory_space<hbm>>
    tpu.wait_dma2 semaphore(%arg12 : memref<!tpu.dma_semaphore, #tpu.memory_space<semaphore_mem>>) src(%dma_wait3A_182 : memref<72xi32, #tpu.memory_space<hbm>>) dst(%dma_wait3A_179 : memref<72xi32, #tpu.memory_space<vmem>>)
    %dma_start3A_183 = arith.constant 1 : i32
    %dma_start3A_184 = arith.constant 1 : i32
    %dma_start3A_185 = arith.constant 0 : i32
    %dma_start3A_186 = arith.constant 0 : i32
    %dma_start3A_187 = tpu.memref_slice %arg9[%dma_start3A_184, %dma_start3A_185, %dma_start3A_186] : memref<5x72x128xf32, #tpu.memory_space<vmem>> -> memref<1x72x128xf32, #tpu.memory_space<vmem>>
    %dma_start3A_188 = tpu.memref_squeeze %dma_start3A_187 : memref<1x72x128xf32, #tpu.memory_space<vmem>> -> memref<72x128xf32, #tpu.memory_space<vmem>>
    %dma_start3A_189 = arith.constant 0 : i32
    %dma_start3A_190 = tpu.memref_slice %arg7[%dma_start3A_183, %dma_start3A_189] : memref<6x72xi32, #tpu.memory_space<vmem>> -> memref<1x72xi32, #tpu.memory_space<vmem>>
    %dma_start3A_191 = tpu.memref_squeeze %dma_start3A_190 : memref<1x72xi32, #tpu.memory_space<vmem>> -> memref<72xi32, #tpu.memory_space<vmem>>
    %dma_start3A_192 = arith.constant 0 : i32
    %dma_start3A_193 = arith.constant 0 : i32
    %dma_start3A_194 = tpu.memref_slice %arg2[%dma_start3A_192, %dma_start3A_193] : memref<10240x128xf32, #tpu.memory_space<hbm>> -> memref<10240x128xf32, #tpu.memory_space<hbm>>
    tpu.enqueue_indirect_dma source(%dma_start3A_194 : memref<10240x128xf32, #tpu.memory_space<hbm>>) target(%dma_start3A_188 : memref<72x128xf32, #tpu.memory_space<vmem>>) offsets(%dma_start3A_191 : memref<72xi32, #tpu.memory_space<vmem>>) semaphore(%arg11 : memref<!tpu.dma_semaphore, #tpu.memory_space<semaphore_mem>>)
    %dma_wait3A_195 = arith.constant 0 : i32
    %dma_wait3A_196 = arith.constant 2 : i32
    %dma_wait3A_197 = arith.constant 0 : i32
    %dma_wait3A_198 = tpu.memref_slice %arg7[%dma_wait3A_196, %dma_wait3A_197] : memref<6x72xi32, #tpu.memory_space<vmem>> -> memref<1x72xi32, #tpu.memory_space<vmem>>
    %dma_wait3A_199 = tpu.memref_squeeze %dma_wait3A_198 : memref<1x72xi32, #tpu.memory_space<vmem>> -> memref<72xi32, #tpu.memory_space<vmem>>
    %dma_wait3A_200 = arith.constant 0 : i32
    %dma_wait3A_201 = tpu.memref_slice %arg3[%add3A, %dma_wait3A_195, %dma_wait3A_200] : memref<32x139x72xi32, #tpu.memory_space<hbm>> -> memref<1x1x72xi32, #tpu.memory_space<hbm>>
    %dma_wait3A_202 = tpu.memref_squeeze %dma_wait3A_201 : memref<1x1x72xi32, #tpu.memory_space<hbm>> -> memref<72xi32, #tpu.memory_space<hbm>>
    %dma_wait3A_203 = arith.constant 0 : i32
    %dma_wait3A_204 = tpu.memref_slice %arg7[%dma_wait3A_196, %dma_wait3A_203] : memref<6x72xi32, #tpu.memory_space<vmem>> -> memref<1x72xi32, #tpu.memory_space<vmem>>
    %dma_wait3A_205 = tpu.memref_squeeze %dma_wait3A_204 : memref<1x72xi32, #tpu.memory_space<vmem>> -> memref<72xi32, #tpu.memory_space<vmem>>
    %dma_wait3A_206 = arith.constant 0 : i32
    %dma_wait3A_207 = tpu.memref_slice %arg3[%add3A, %dma_wait3A_195, %dma_wait3A_206] : memref<32x139x72xi32, #tpu.memory_space<hbm>> -> memref<1x1x72xi32, #tpu.memory_space<hbm>>
    %dma_wait3A_208 = tpu.memref_squeeze %dma_wait3A_207 : memref<1x1x72xi32, #tpu.memory_space<hbm>> -> memref<72xi32, #tpu.memory_space<hbm>>
    tpu.wait_dma2 semaphore(%arg12 : memref<!tpu.dma_semaphore, #tpu.memory_space<semaphore_mem>>) src(%dma_wait3A_208 : memref<72xi32, #tpu.memory_space<hbm>>) dst(%dma_wait3A_205 : memref<72xi32, #tpu.memory_space<vmem>>)
    %dma_start3A_209 = arith.constant 2 : i32
    %dma_start3A_210 = arith.constant 2 : i32
    %dma_start3A_211 = arith.constant 0 : i32
    %dma_start3A_212 = arith.constant 0 : i32
    %dma_start3A_213 = tpu.memref_slice %arg9[%dma_start3A_210, %dma_start3A_211, %dma_start3A_212] : memref<5x72x128xf32, #tpu.memory_space<vmem>> -> memref<1x72x128xf32, #tpu.memory_space<vmem>>
    %dma_start3A_214 = tpu.memref_squeeze %dma_start3A_213 : memref<1x72x128xf32, #tpu.memory_space<vmem>> -> memref<72x128xf32, #tpu.memory_space<vmem>>
    %dma_start3A_215 = arith.constant 0 : i32
    %dma_start3A_216 = tpu.memref_slice %arg7[%dma_start3A_209, %dma_start3A_215] : memref<6x72xi32, #tpu.memory_space<vmem>> -> memref<1x72xi32, #tpu.memory_space<vmem>>
    %dma_start3A_217 = tpu.memref_squeeze %dma_start3A_216 : memref<1x72xi32, #tpu.memory_space<vmem>> -> memref<72xi32, #tpu.memory_space<vmem>>
    %dma_start3A_218 = arith.constant 0 : i32
    %dma_start3A_219 = arith.constant 0 : i32
    %dma_start3A_220 = tpu.memref_slice %arg2[%dma_start3A_218, %dma_start3A_219] : memref<10240x128xf32, #tpu.memory_space<hbm>> -> memref<10240x128xf32, #tpu.memory_space<hbm>>
    tpu.enqueue_indirect_dma source(%dma_start3A_220 : memref<10240x128xf32, #tpu.memory_space<hbm>>) target(%dma_start3A_214 : memref<72x128xf32, #tpu.memory_space<vmem>>) offsets(%dma_start3A_217 : memref<72xi32, #tpu.memory_space<vmem>>) semaphore(%arg11 : memref<!tpu.dma_semaphore, #tpu.memory_space<semaphore_mem>>)
    %dma_wait3A_221 = arith.constant 0 : i32
    %dma_wait3A_222 = arith.constant 3 : i32
    %dma_wait3A_223 = arith.constant 0 : i32
    %dma_wait3A_224 = tpu.memref_slice %arg7[%dma_wait3A_222, %dma_wait3A_223] : memref<6x72xi32, #tpu.memory_space<vmem>> -> memref<1x72xi32, #tpu.memory_space<vmem>>
    %dma_wait3A_225 = tpu.memref_squeeze %dma_wait3A_224 : memref<1x72xi32, #tpu.memory_space<vmem>> -> memref<72xi32, #tpu.memory_space<vmem>>
    %dma_wait3A_226 = arith.constant 0 : i32
    %dma_wait3A_227 = tpu.memref_slice %arg3[%add3A, %dma_wait3A_221, %dma_wait3A_226] : memref<32x139x72xi32, #tpu.memory_space<hbm>> -> memref<1x1x72xi32, #tpu.memory_space<hbm>>
    %dma_wait3A_228 = tpu.memref_squeeze %dma_wait3A_227 : memref<1x1x72xi32, #tpu.memory_space<hbm>> -> memref<72xi32, #tpu.memory_space<hbm>>
    %dma_wait3A_229 = arith.constant 0 : i32
    %dma_wait3A_230 = tpu.memref_slice %arg7[%dma_wait3A_222, %dma_wait3A_229] : memref<6x72xi32, #tpu.memory_space<vmem>> -> memref<1x72xi32, #tpu.memory_space<vmem>>
    %dma_wait3A_231 = tpu.memref_squeeze %dma_wait3A_230 : memref<1x72xi32, #tpu.memory_space<vmem>> -> memref<72xi32, #tpu.memory_space<vmem>>
    %dma_wait3A_232 = arith.constant 0 : i32
    %dma_wait3A_233 = tpu.memref_slice %arg3[%add3A, %dma_wait3A_221, %dma_wait3A_232] : memref<32x139x72xi32, #tpu.memory_space<hbm>> -> memref<1x1x72xi32, #tpu.memory_space<hbm>>
    %dma_wait3A_234 = tpu.memref_squeeze %dma_wait3A_233 : memref<1x1x72xi32, #tpu.memory_space<hbm>> -> memref<72xi32, #tpu.memory_space<hbm>>
    tpu.wait_dma2 semaphore(%arg12 : memref<!tpu.dma_semaphore, #tpu.memory_space<semaphore_mem>>) src(%dma_wait3A_234 : memref<72xi32, #tpu.memory_space<hbm>>) dst(%dma_wait3A_231 : memref<72xi32, #tpu.memory_space<vmem>>)
    %dma_start3A_235 = arith.constant 3 : i32
    %dma_start3A_236 = arith.constant 3 : i32
    %dma_start3A_237 = arith.constant 0 : i32
    %dma_start3A_238 = arith.constant 0 : i32
    %dma_start3A_239 = tpu.memref_slice %arg9[%dma_start3A_236, %dma_start3A_237, %dma_start3A_238] : memref<5x72x128xf32, #tpu.memory_space<vmem>> -> memref<1x72x128xf32, #tpu.memory_space<vmem>>
    %dma_start3A_240 = tpu.memref_squeeze %dma_start3A_239 : memref<1x72x128xf32, #tpu.memory_space<vmem>> -> memref<72x128xf32, #tpu.memory_space<vmem>>
    %dma_start3A_241 = arith.constant 0 : i32
    %dma_start3A_242 = tpu.memref_slice %arg7[%dma_start3A_235, %dma_start3A_241] : memref<6x72xi32, #tpu.memory_space<vmem>> -> memref<1x72xi32, #tpu.memory_space<vmem>>
    %dma_start3A_243 = tpu.memref_squeeze %dma_start3A_242 : memref<1x72xi32, #tpu.memory_space<vmem>> -> memref<72xi32, #tpu.memory_space<vmem>>
    %dma_start3A_244 = arith.constant 0 : i32
    %dma_start3A_245 = arith.constant 0 : i32
    %dma_start3A_246 = tpu.memref_slice %arg2[%dma_start3A_244, %dma_start3A_245] : memref<10240x128xf32, #tpu.memory_space<hbm>> -> memref<10240x128xf32, #tpu.memory_space<hbm>>
    tpu.enqueue_indirect_dma source(%dma_start3A_246 : memref<10240x128xf32, #tpu.memory_space<hbm>>) target(%dma_start3A_240 : memref<72x128xf32, #tpu.memory_space<vmem>>) offsets(%dma_start3A_243 : memref<72xi32, #tpu.memory_space<vmem>>) semaphore(%arg11 : memref<!tpu.dma_semaphore, #tpu.memory_space<semaphore_mem>>)
    %scan3A = arith.constant 0 : i32
    %scan3A_247 = arith.constant 0 : i32
    %scan3A_248 = arith.constant 139 : i32
    %scan3A_249 = arith.addi %scan3A_247, %scan3A_248 : i32
    %scan3A_250 = arith.constant 1 : i32
    scf.for %scan3A_257 = %scan3A_247 to %scan3A_249 step %scan3A_250  : i32 {
      %add3A_258 = arith.constant 5 : i32
      %add3A_259 = arith.addi %scan3A_257, %add3A_258 : i32
      %lt3A = arith.constant 139 : i32
      %lt3A_260 = arith.cmpi slt, %add3A_259, %lt3A : i32
      %convert_element_type3A = arith.extui %lt3A_260 : i1 to i32
      %cond3A = arith.constant 0 : i32
      %cond3A_261 = arith.cmpi ne, %convert_element_type3A, %cond3A : i32
      scf.if %cond3A_261 {
        %add3A_297 = arith.constant 5 : i32
        %add3A_298 = arith.addi %scan3A_257, %add3A_297 : i32
        %rem3A_299 = arith.constant 6 : i32
        %rem3A_300 = arith.remsi %add3A_298, %rem3A_299 : i32
        %add3A_301 = arith.constant 5 : i32
        %add3A_302 = arith.addi %scan3A_257, %add3A_301 : i32
        %dma_start3A_303 = arith.constant 0 : i32
        %dma_start3A_304 = tpu.memref_slice %arg7[%rem3A_300, %dma_start3A_303] : memref<6x72xi32, #tpu.memory_space<vmem>> -> memref<1x72xi32, #tpu.memory_space<vmem>>
        %dma_start3A_305 = tpu.memref_squeeze %dma_start3A_304 : memref<1x72xi32, #tpu.memory_space<vmem>> -> memref<72xi32, #tpu.memory_space<vmem>>
        %dma_start3A_306 = arith.constant 0 : i32
        %dma_start3A_307 = tpu.memref_slice %arg3[%add3A, %add3A_302, %dma_start3A_306] : memref<32x139x72xi32, #tpu.memory_space<hbm>> -> memref<1x1x72xi32, #tpu.memory_space<hbm>>
        %dma_start3A_308 = tpu.memref_squeeze %dma_start3A_307 : memref<1x1x72xi32, #tpu.memory_space<hbm>> -> memref<72xi32, #tpu.memory_space<hbm>>
        %dma_start3A_309 = arith.constant 0 : i32
        %dma_start3A_310 = tpu.memref_slice %arg7[%rem3A_300, %dma_start3A_309] : memref<6x72xi32, #tpu.memory_space<vmem>> -> memref<1x72xi32, #tpu.memory_space<vmem>>
        %dma_start3A_311 = tpu.memref_squeeze %dma_start3A_310 : memref<1x72xi32, #tpu.memory_space<vmem>> -> memref<72xi32, #tpu.memory_space<vmem>>
        %dma_start3A_312 = arith.constant 0 : i32
        %dma_start3A_313 = tpu.memref_slice %arg3[%add3A, %add3A_302, %dma_start3A_312] : memref<32x139x72xi32, #tpu.memory_space<hbm>> -> memref<1x1x72xi32, #tpu.memory_space<hbm>>
        %dma_start3A_314 = tpu.memref_squeeze %dma_start3A_313 : memref<1x1x72xi32, #tpu.memory_space<hbm>> -> memref<72xi32, #tpu.memory_space<hbm>>
        tpu.enqueue_dma source(%dma_start3A_314 : memref<72xi32, #tpu.memory_space<hbm>>) target(%dma_start3A_311 : memref<72xi32, #tpu.memory_space<vmem>>) target_semaphore(%arg12 : memref<!tpu.dma_semaphore, #tpu.memory_space<semaphore_mem>>)
        %add3A_315 = arith.constant 5 : i32
        %add3A_316 = arith.addi %scan3A_257, %add3A_315 : i32
        %dma_start3A_317 = arith.constant 0 : i32
        %dma_start3A_318 = tpu.memref_slice %arg8[%rem3A_300, %dma_start3A_317] : memref<6x72xi32, #tpu.memory_space<vmem>> -> memref<1x72xi32, #tpu.memory_space<vmem>>
        %dma_start3A_319 = tpu.memref_squeeze %dma_start3A_318 : memref<1x72xi32, #tpu.memory_space<vmem>> -> memref<72xi32, #tpu.memory_space<vmem>>
        %dma_start3A_320 = arith.constant 0 : i32
        %dma_start3A_321 = tpu.memref_slice %arg4[%add3A, %add3A_316, %dma_start3A_320] : memref<32x139x72xi32, #tpu.memory_space<hbm>> -> memref<1x1x72xi32, #tpu.memory_space<hbm>>
        %dma_start3A_322 = tpu.memref_squeeze %dma_start3A_321 : memref<1x1x72xi32, #tpu.memory_space<hbm>> -> memref<72xi32, #tpu.memory_space<hbm>>
        %dma_start3A_323 = arith.constant 0 : i32
        %dma_start3A_324 = tpu.memref_slice %arg8[%rem3A_300, %dma_start3A_323] : memref<6x72xi32, #tpu.memory_space<vmem>> -> memref<1x72xi32, #tpu.memory_space<vmem>>
        %dma_start3A_325 = tpu.memref_squeeze %dma_start3A_324 : memref<1x72xi32, #tpu.memory_space<vmem>> -> memref<72xi32, #tpu.memory_space<vmem>>
        %dma_start3A_326 = arith.constant 0 : i32
        %dma_start3A_327 = tpu.memref_slice %arg4[%add3A, %add3A_316, %dma_start3A_326] : memref<32x139x72xi32, #tpu.memory_space<hbm>> -> memref<1x1x72xi32, #tpu.memory_space<hbm>>
        %dma_start3A_328 = tpu.memref_squeeze %dma_start3A_327 : memref<1x1x72xi32, #tpu.memory_space<hbm>> -> memref<72xi32, #tpu.memory_space<hbm>>
        tpu.enqueue_dma source(%dma_start3A_328 : memref<72xi32, #tpu.memory_space<hbm>>) target(%dma_start3A_325 : memref<72xi32, #tpu.memory_space<vmem>>) target_semaphore(%arg13 : memref<!tpu.dma_semaphore, #tpu.memory_space<semaphore_mem>>)
      } else {
      }
      %add3A_262 = arith.constant 4 : i32
      %add3A_263 = arith.addi %scan3A_257, %add3A_262 : i32
      %lt3A_264 = arith.constant 139 : i32
      %lt3A_265 = arith.cmpi slt, %add3A_263, %lt3A_264 : i32
      %convert_element_type3A_266 = arith.extui %lt3A_265 : i1 to i32
      %cond3A_267 = arith.constant 0 : i32
      %cond3A_268 = arith.cmpi ne, %convert_element_type3A_266, %cond3A_267 : i32
      scf.if %cond3A_268 {
        %add3A_297 = arith.constant 4 : i32
        %add3A_298 = arith.addi %scan3A_257, %add3A_297 : i32
        %rem3A_299 = arith.constant 6 : i32
        %rem3A_300 = arith.remsi %add3A_298, %rem3A_299 : i32
        %dma_wait3A_301 = arith.constant 0 : i32
        %dma_wait3A_302 = arith.constant 0 : i32
        %dma_wait3A_303 = tpu.memref_slice %arg7[%rem3A_300, %dma_wait3A_302] : memref<6x72xi32, #tpu.memory_space<vmem>> -> memref<1x72xi32, #tpu.memory_space<vmem>>
        %dma_wait3A_304 = tpu.memref_squeeze %dma_wait3A_303 : memref<1x72xi32, #tpu.memory_space<vmem>> -> memref<72xi32, #tpu.memory_space<vmem>>
        %dma_wait3A_305 = arith.constant 0 : i32
        %dma_wait3A_306 = tpu.memref_slice %arg3[%add3A, %dma_wait3A_301, %dma_wait3A_305] : memref<32x139x72xi32, #tpu.memory_space<hbm>> -> memref<1x1x72xi32, #tpu.memory_space<hbm>>
        %dma_wait3A_307 = tpu.memref_squeeze %dma_wait3A_306 : memref<1x1x72xi32, #tpu.memory_space<hbm>> -> memref<72xi32, #tpu.memory_space<hbm>>
        %dma_wait3A_308 = arith.constant 0 : i32
        %dma_wait3A_309 = tpu.memref_slice %arg7[%rem3A_300, %dma_wait3A_308] : memref<6x72xi32, #tpu.memory_space<vmem>> -> memref<1x72xi32, #tpu.memory_space<vmem>>
        %dma_wait3A_310 = tpu.memref_squeeze %dma_wait3A_309 : memref<1x72xi32, #tpu.memory_space<vmem>> -> memref<72xi32, #tpu.memory_space<vmem>>
        %dma_wait3A_311 = arith.constant 0 : i32
        %dma_wait3A_312 = tpu.memref_slice %arg3[%add3A, %dma_wait3A_301, %dma_wait3A_311] : memref<32x139x72xi32, #tpu.memory_space<hbm>> -> memref<1x1x72xi32, #tpu.memory_space<hbm>>
        %dma_wait3A_313 = tpu.memref_squeeze %dma_wait3A_312 : memref<1x1x72xi32, #tpu.memory_space<hbm>> -> memref<72xi32, #tpu.memory_space<hbm>>
        tpu.wait_dma2 semaphore(%arg12 : memref<!tpu.dma_semaphore, #tpu.memory_space<semaphore_mem>>) src(%dma_wait3A_313 : memref<72xi32, #tpu.memory_space<hbm>>) dst(%dma_wait3A_310 : memref<72xi32, #tpu.memory_space<vmem>>)
        %add3A_314 = arith.constant 4 : i32
        %add3A_315 = arith.addi %scan3A_257, %add3A_314 : i32
        %rem3A_316 = arith.constant 5 : i32
        %rem3A_317 = arith.remsi %add3A_315, %rem3A_316 : i32
        %dma_start3A_318 = arith.constant 0 : i32
        %dma_start3A_319 = arith.constant 0 : i32
        %dma_start3A_320 = tpu.memref_slice %arg9[%rem3A_317, %dma_start3A_318, %dma_start3A_319] : memref<5x72x128xf32, #tpu.memory_space<vmem>> -> memref<1x72x128xf32, #tpu.memory_space<vmem>>
        %dma_start3A_321 = tpu.memref_squeeze %dma_start3A_320 : memref<1x72x128xf32, #tpu.memory_space<vmem>> -> memref<72x128xf32, #tpu.memory_space<vmem>>
        %dma_start3A_322 = arith.constant 0 : i32
        %dma_start3A_323 = tpu.memref_slice %arg7[%rem3A_300, %dma_start3A_322] : memref<6x72xi32, #tpu.memory_space<vmem>> -> memref<1x72xi32, #tpu.memory_space<vmem>>
        %dma_start3A_324 = tpu.memref_squeeze %dma_start3A_323 : memref<1x72xi32, #tpu.memory_space<vmem>> -> memref<72xi32, #tpu.memory_space<vmem>>
        %dma_start3A_325 = arith.constant 0 : i32
        %dma_start3A_326 = arith.constant 0 : i32
        %dma_start3A_327 = tpu.memref_slice %arg2[%dma_start3A_325, %dma_start3A_326] : memref<10240x128xf32, #tpu.memory_space<hbm>> -> memref<10240x128xf32, #tpu.memory_space<hbm>>
        tpu.enqueue_indirect_dma source(%dma_start3A_327 : memref<10240x128xf32, #tpu.memory_space<hbm>>) target(%dma_start3A_321 : memref<72x128xf32, #tpu.memory_space<vmem>>) offsets(%dma_start3A_324 : memref<72xi32, #tpu.memory_space<vmem>>) semaphore(%arg11 : memref<!tpu.dma_semaphore, #tpu.memory_space<semaphore_mem>>)
      } else {
      }
      %rem3A = arith.constant 5 : i32
      %rem3A_269 = arith.remsi %scan3A_257, %rem3A : i32
      %dma_wait3A_270 = arith.constant 0 : i32
      %dma_wait3A_271 = arith.constant 0 : i32
      %dma_wait3A_272 = arith.constant 0 : i32
      %dma_wait3A_273 = tpu.memref_slice %arg9[%rem3A_269, %dma_wait3A_271, %dma_wait3A_272] : memref<5x72x128xf32, #tpu.memory_space<vmem>> -> memref<1x72x128xf32, #tpu.memory_space<vmem>>
      %dma_wait3A_274 = tpu.memref_squeeze %dma_wait3A_273 : memref<1x72x128xf32, #tpu.memory_space<vmem>> -> memref<72x128xf32, #tpu.memory_space<vmem>>
      %dma_wait3A_275 = arith.constant 0 : i32
      %dma_wait3A_276 = tpu.memref_slice %arg7[%dma_wait3A_270, %dma_wait3A_275] : memref<6x72xi32, #tpu.memory_space<vmem>> -> memref<1x72xi32, #tpu.memory_space<vmem>>
      %dma_wait3A_277 = tpu.memref_squeeze %dma_wait3A_276 : memref<1x72xi32, #tpu.memory_space<vmem>> -> memref<72xi32, #tpu.memory_space<vmem>>
      %dma_wait3A_278 = arith.constant 0 : i32
      %dma_wait3A_279 = arith.constant 0 : i32
      %dma_wait3A_280 = tpu.memref_slice %arg2[%dma_wait3A_278, %dma_wait3A_279] : memref<10240x128xf32, #tpu.memory_space<hbm>> -> memref<10240x128xf32, #tpu.memory_space<hbm>>
      tpu.wait_indirect_dma semaphore(%arg11 : memref<!tpu.dma_semaphore, #tpu.memory_space<semaphore_mem>>) src(%dma_wait3A_280 : memref<10240x128xf32, #tpu.memory_space<hbm>>) dst(%dma_wait3A_274 : memref<72x128xf32, #tpu.memory_space<vmem>>)
      %dma_wait3A_281 = arith.constant 0 : i32
      %dma_wait3A_282 = arith.constant 0 : i32
      %dma_wait3A_283 = arith.constant 0 : i32
      %dma_wait3A_284 = tpu.memref_slice %arg8[%dma_wait3A_282, %dma_wait3A_283] : memref<6x72xi32, #tpu.memory_space<vmem>> -> memref<1x72xi32, #tpu.memory_space<vmem>>
      %dma_wait3A_285 = tpu.memref_squeeze %dma_wait3A_284 : memref<1x72xi32, #tpu.memory_space<vmem>> -> memref<72xi32, #tpu.memory_space<vmem>>
      %dma_wait3A_286 = arith.constant 0 : i32
      %dma_wait3A_287 = tpu.memref_slice %arg4[%add3A, %dma_wait3A_281, %dma_wait3A_286] : memref<32x139x72xi32, #tpu.memory_space<hbm>> -> memref<1x1x72xi32, #tpu.memory_space<hbm>>
      %dma_wait3A_288 = tpu.memref_squeeze %dma_wait3A_287 : memref<1x1x72xi32, #tpu.memory_space<hbm>> -> memref<72xi32, #tpu.memory_space<hbm>>
      %dma_wait3A_289 = arith.constant 0 : i32
      %dma_wait3A_290 = tpu.memref_slice %arg8[%dma_wait3A_282, %dma_wait3A_289] : memref<6x72xi32, #tpu.memory_space<vmem>> -> memref<1x72xi32, #tpu.memory_space<vmem>>
      %dma_wait3A_291 = tpu.memref_squeeze %dma_wait3A_290 : memref<1x72xi32, #tpu.memory_space<vmem>> -> memref<72xi32, #tpu.memory_space<vmem>>
      %dma_wait3A_292 = arith.constant 0 : i32
      %dma_wait3A_293 = tpu.memref_slice %arg4[%add3A, %dma_wait3A_281, %dma_wait3A_292] : memref<32x139x72xi32, #tpu.memory_space<hbm>> -> memref<1x1x72xi32, #tpu.memory_space<hbm>>
      %dma_wait3A_294 = tpu.memref_squeeze %dma_wait3A_293 : memref<1x1x72xi32, #tpu.memory_space<hbm>> -> memref<72xi32, #tpu.memory_space<hbm>>
      tpu.wait_dma2 semaphore(%arg13 : memref<!tpu.dma_semaphore, #tpu.memory_space<semaphore_mem>>) src(%dma_wait3A_294 : memref<72xi32, #tpu.memory_space<hbm>>) dst(%dma_wait3A_291 : memref<72xi32, #tpu.memory_space<vmem>>)
      %rem3A_295 = arith.constant 6 : i32
      %rem3A_296 = arith.remsi %scan3A_257, %rem3A_295 : i32
      "tpu.region"() ({
        %run_scoped3A = tpu.sem_alloc : memref<!tpu.dma_semaphore, #tpu.memory_space<semaphore_mem>>
        %dma_start3A_297 = arith.constant 0 : i32
        %dma_start3A_298 = arith.constant 0 : i32
        %dma_start3A_299 = tpu.memref_slice %arg9[%rem3A_269, %dma_start3A_297, %dma_start3A_298] : memref<5x72x128xf32, #tpu.memory_space<vmem>> -> memref<1x72x128xf32, #tpu.memory_space<vmem>>
        %dma_start3A_300 = tpu.memref_squeeze %dma_start3A_299 : memref<1x72x128xf32, #tpu.memory_space<vmem>> -> memref<72x128xf32, #tpu.memory_space<vmem>>
        %dma_start3A_301 = arith.constant 0 : i32
        %dma_start3A_302 = tpu.memref_slice %arg8[%rem3A_296, %dma_start3A_301] : memref<6x72xi32, #tpu.memory_space<vmem>> -> memref<1x72xi32, #tpu.memory_space<vmem>>
        %dma_start3A_303 = tpu.memref_squeeze %dma_start3A_302 : memref<1x72xi32, #tpu.memory_space<vmem>> -> memref<72xi32, #tpu.memory_space<vmem>>
        %dma_start3A_304 = arith.constant 0 : i32
        %dma_start3A_305 = arith.constant 0 : i32
        %dma_start3A_306 = tpu.memref_slice %arg10[%dma_start3A_304, %dma_start3A_305] : memref<10240x128xf32, #tpu.memory_space<vmem_shared>> -> memref<10240x128xf32, #tpu.memory_space<vmem_shared>>
        tpu.enqueue_indirect_dma source(%dma_start3A_300 : memref<72x128xf32, #tpu.memory_space<vmem>>) target(%dma_start3A_306 : memref<10240x128xf32, #tpu.memory_space<vmem_shared>>) offsets(%dma_start3A_303 : memref<72xi32, #tpu.memory_space<vmem>>) semaphore(%run_scoped3A : memref<!tpu.dma_semaphore, #tpu.memory_space<semaphore_mem>>) {add = true}
        %dma_wait3A_307 = arith.constant 0 : i32
        %dma_wait3A_308 = arith.constant 0 : i32
        %dma_wait3A_309 = tpu.memref_slice %arg9[%rem3A_269, %dma_wait3A_307, %dma_wait3A_308] : memref<5x72x128xf32, #tpu.memory_space<vmem>> -> memref<1x72x128xf32, #tpu.memory_space<vmem>>
        %dma_wait3A_310 = tpu.memref_squeeze %dma_wait3A_309 : memref<1x72x128xf32, #tpu.memory_space<vmem>> -> memref<72x128xf32, #tpu.memory_space<vmem>>
        %dma_wait3A_311 = arith.constant 0 : i32
        %dma_wait3A_312 = tpu.memref_slice %arg8[%rem3A_296, %dma_wait3A_311] : memref<6x72xi32, #tpu.memory_space<vmem>> -> memref<1x72xi32, #tpu.memory_space<vmem>>
        %dma_wait3A_313 = tpu.memref_squeeze %dma_wait3A_312 : memref<1x72xi32, #tpu.memory_space<vmem>> -> memref<72xi32, #tpu.memory_space<vmem>>
        %dma_wait3A_314 = arith.constant 0 : i32
        %dma_wait3A_315 = arith.constant 0 : i32
        %dma_wait3A_316 = tpu.memref_slice %arg10[%dma_wait3A_314, %dma_wait3A_315] : memref<10240x128xf32, #tpu.memory_space<vmem_shared>> -> memref<10240x128xf32, #tpu.memory_space<vmem_shared>>
        tpu.wait_indirect_dma semaphore(%run_scoped3A : memref<!tpu.dma_semaphore, #tpu.memory_space<semaphore_mem>>) src(%dma_wait3A_310 : memref<72x128xf32, #tpu.memory_space<vmem>>) dst(%dma_wait3A_316 : memref<10240x128xf32, #tpu.memory_space<vmem_shared>>)
        tpu.yield
      }) : () -> ()
    }
    %scan3A_251 = arith.constant 139 : i32
    %barrier3A_252 = arith.constant 0 : index
    tpu.barrier barrier_id(%barrier3A_252)
    %mul3A_253 = arith.constant 640 : i32
    %mul3A_254 = arith.muli %arg1, %mul3A_253 : i32
    %mul3A_255 = arith.constant 640 : i32
    %mul3A_256 = arith.muli %arg1, %mul3A_255 : i32
    "tpu.region"() ({
      %run_scoped3A = tpu.sem_alloc : memref<!tpu.dma_semaphore, #tpu.memory_space<semaphore_mem>>
      %dma_start3A_257 = arith.constant 0 : i32
      %dma_start3A_258 = tpu.memref_slice %arg6[%arg0, %mul3A_256, %dma_start3A_257] : memref<2x10240x128xf32, #tpu.memory_space<hbm>> -> memref<1x640x128xf32, #tpu.memory_space<hbm>>
      %dma_start3A_259 = tpu.memref_squeeze %dma_start3A_258 : memref<1x640x128xf32, #tpu.memory_space<hbm>> -> memref<640x128xf32, #tpu.memory_space<hbm>>
      %dma_start3A_260 = arith.constant 0 : i32
      %dma_start3A_261 = tpu.memref_slice %arg10[%mul3A_254, %dma_start3A_260] : memref<10240x128xf32, #tpu.memory_space<vmem_shared>> -> memref<640x128xf32, #tpu.memory_space<vmem_shared>>
      tpu.enqueue_dma source(%dma_start3A_261 : memref<640x128xf32, #tpu.memory_space<vmem_shared>>) target(%dma_start3A_259 : memref<640x128xf32, #tpu.memory_space<hbm>>) target_semaphore(%run_scoped3A : memref<!tpu.dma_semaphore, #tpu.memory_space<semaphore_mem>>)
      %dma_wait3A_262 = arith.constant 0 : i32
      %dma_wait3A_263 = tpu.memref_slice %arg6[%arg0, %mul3A_256, %dma_wait3A_262] : memref<2x10240x128xf32, #tpu.memory_space<hbm>> -> memref<1x640x128xf32, #tpu.memory_space<hbm>>
      %dma_wait3A_264 = tpu.memref_squeeze %dma_wait3A_263 : memref<1x640x128xf32, #tpu.memory_space<hbm>> -> memref<640x128xf32, #tpu.memory_space<hbm>>
      %dma_wait3A_265 = arith.constant 0 : i32
      %dma_wait3A_266 = tpu.memref_slice %arg10[%mul3A_254, %dma_wait3A_265] : memref<10240x128xf32, #tpu.memory_space<vmem_shared>> -> memref<640x128xf32, #tpu.memory_space<vmem_shared>>
      tpu.wait_dma2 semaphore(%run_scoped3A : memref<!tpu.dma_semaphore, #tpu.memory_space<semaphore_mem>>) src(%dma_wait3A_266 : memref<640x128xf32, #tpu.memory_space<vmem_shared>>) dst(%dma_wait3A_264 : memref<640x128xf32, #tpu.memory_space<hbm>>)
      tpu.yield
    }) : () -> ()
    return
  }
}

#map = affine_map<(d0, d1) -> (0, 0, 0)>
#map1 = affine_map<(d0, d1) -> (0, 0)>
module attributes {stable_mosaic.version = 14 : i64} {
  func.func @_sc_degree(%arg0: i32, %arg1: i32, %arg2: memref<32x139x72xi32, #tpu.memory_space<hbm>>, %arg3: memref<72x128xf32, #tpu.memory_space<hbm>>, %arg4: memref<10240x128xf32, #tpu.memory_space<hbm>>, %arg5: memref<2x10240x128xf32, #tpu.memory_space<hbm>>, %arg6: memref<139x72xi32, #tpu.memory_space<vmem>>, %arg7: memref<72x128xf32, #tpu.memory_space<vmem>>, %arg8: memref<10240x128xf32, #tpu.memory_space<vmem_shared>>) attributes {dimension_semantics = [#tpu.dimension_semantics<core_parallel>, #tpu.dimension_semantics<subcore_parallel>], iteration_bounds = array<i64: 2, 16>, scalar_prefetch = 0 : i64, scratch_operands = 3 : i64, tpu.core_type = #tpu.core_type<sc_vector_subcore>, window_params = [{transform_indices = #map}, {transform_indices = #map1}, {transform_indices = #map1}, {transform_indices = #map}]} {
    %mul3A = arith.constant 16 : i32
    %mul3A_0 = arith.muli %arg0, %mul3A : i32
    %add3A = arith.addi %mul3A_0, %arg1 : i32
    "tpu.region"() ({
      %run_scoped3A = tpu.sem_alloc : memref<!tpu.dma_semaphore, #tpu.memory_space<semaphore_mem>>
      %dma_start3A = arith.constant 0 : i32
      %dma_start3A_15 = arith.constant 0 : i32
      %dma_start3A_16 = tpu.memref_slice %arg2[%add3A, %dma_start3A, %dma_start3A_15] : memref<32x139x72xi32, #tpu.memory_space<hbm>> -> memref<1x139x72xi32, #tpu.memory_space<hbm>>
      %dma_start3A_17 = tpu.memref_squeeze %dma_start3A_16 : memref<1x139x72xi32, #tpu.memory_space<hbm>> -> memref<139x72xi32, #tpu.memory_space<hbm>>
      %dma_start3A_18 = arith.constant 0 : i32
      %dma_start3A_19 = arith.constant 0 : i32
      %dma_start3A_20 = tpu.memref_slice %arg2[%add3A, %dma_start3A_18, %dma_start3A_19] : memref<32x139x72xi32, #tpu.memory_space<hbm>> -> memref<1x139x72xi32, #tpu.memory_space<hbm>>
      %dma_start3A_21 = tpu.memref_squeeze %dma_start3A_20 : memref<1x139x72xi32, #tpu.memory_space<hbm>> -> memref<139x72xi32, #tpu.memory_space<hbm>>
      tpu.enqueue_dma source(%dma_start3A_21 : memref<139x72xi32, #tpu.memory_space<hbm>>) target(%arg6 : memref<139x72xi32, #tpu.memory_space<vmem>>) target_semaphore(%run_scoped3A : memref<!tpu.dma_semaphore, #tpu.memory_space<semaphore_mem>>)
      %dma_wait3A = arith.constant 0 : i32
      %dma_wait3A_22 = arith.constant 0 : i32
      %dma_wait3A_23 = tpu.memref_slice %arg2[%add3A, %dma_wait3A, %dma_wait3A_22] : memref<32x139x72xi32, #tpu.memory_space<hbm>> -> memref<1x139x72xi32, #tpu.memory_space<hbm>>
      %dma_wait3A_24 = tpu.memref_squeeze %dma_wait3A_23 : memref<1x139x72xi32, #tpu.memory_space<hbm>> -> memref<139x72xi32, #tpu.memory_space<hbm>>
      %dma_wait3A_25 = arith.constant 0 : i32
      %dma_wait3A_26 = arith.constant 0 : i32
      %dma_wait3A_27 = tpu.memref_slice %arg2[%add3A, %dma_wait3A_25, %dma_wait3A_26] : memref<32x139x72xi32, #tpu.memory_space<hbm>> -> memref<1x139x72xi32, #tpu.memory_space<hbm>>
      %dma_wait3A_28 = tpu.memref_squeeze %dma_wait3A_27 : memref<1x139x72xi32, #tpu.memory_space<hbm>> -> memref<139x72xi32, #tpu.memory_space<hbm>>
      tpu.wait_dma2 semaphore(%run_scoped3A : memref<!tpu.dma_semaphore, #tpu.memory_space<semaphore_mem>>) src(%dma_wait3A_28 : memref<139x72xi32, #tpu.memory_space<hbm>>) dst(%arg6 : memref<139x72xi32, #tpu.memory_space<vmem>>)
      tpu.yield
    }) : () -> ()
    "tpu.region"() ({
      %run_scoped3A = tpu.sem_alloc : memref<!tpu.dma_semaphore, #tpu.memory_space<semaphore_mem>>
      tpu.enqueue_dma source(%arg3 : memref<72x128xf32, #tpu.memory_space<hbm>>) target(%arg7 : memref<72x128xf32, #tpu.memory_space<vmem>>) target_semaphore(%run_scoped3A : memref<!tpu.dma_semaphore, #tpu.memory_space<semaphore_mem>>)
      tpu.wait_dma2 semaphore(%run_scoped3A : memref<!tpu.dma_semaphore, #tpu.memory_space<semaphore_mem>>) src(%arg3 : memref<72x128xf32, #tpu.memory_space<hbm>>) dst(%arg7 : memref<72x128xf32, #tpu.memory_space<vmem>>)
      tpu.yield
    }) : () -> ()
    %mul3A_1 = arith.constant 640 : i32
    %mul3A_2 = arith.muli %arg1, %mul3A_1 : i32
    %mul3A_3 = arith.constant 640 : i32
    %mul3A_4 = arith.muli %arg1, %mul3A_3 : i32
    "tpu.region"() ({
      %run_scoped3A = tpu.sem_alloc : memref<!tpu.dma_semaphore, #tpu.memory_space<semaphore_mem>>
      %dma_start3A = arith.constant 0 : i32
      %dma_start3A_15 = tpu.memref_slice %arg8[%mul3A_4, %dma_start3A] : memref<10240x128xf32, #tpu.memory_space<vmem_shared>> -> memref<640x128xf32, #tpu.memory_space<vmem_shared>>
      %dma_start3A_16 = arith.constant 0 : i32
      %dma_start3A_17 = tpu.memref_slice %arg4[%mul3A_2, %dma_start3A_16] : memref<10240x128xf32, #tpu.memory_space<hbm>> -> memref<640x128xf32, #tpu.memory_space<hbm>>
      tpu.enqueue_dma source(%dma_start3A_17 : memref<640x128xf32, #tpu.memory_space<hbm>>) target(%dma_start3A_15 : memref<640x128xf32, #tpu.memory_space<vmem_shared>>) target_semaphore(%run_scoped3A : memref<!tpu.dma_semaphore, #tpu.memory_space<semaphore_mem>>)
      %dma_wait3A = arith.constant 0 : i32
      %dma_wait3A_18 = tpu.memref_slice %arg8[%mul3A_4, %dma_wait3A] : memref<10240x128xf32, #tpu.memory_space<vmem_shared>> -> memref<640x128xf32, #tpu.memory_space<vmem_shared>>
      %dma_wait3A_19 = arith.constant 0 : i32
      %dma_wait3A_20 = tpu.memref_slice %arg4[%mul3A_2, %dma_wait3A_19] : memref<10240x128xf32, #tpu.memory_space<hbm>> -> memref<640x128xf32, #tpu.memory_space<hbm>>
      tpu.wait_dma2 semaphore(%run_scoped3A : memref<!tpu.dma_semaphore, #tpu.memory_space<semaphore_mem>>) src(%dma_wait3A_20 : memref<640x128xf32, #tpu.memory_space<hbm>>) dst(%dma_wait3A_18 : memref<640x128xf32, #tpu.memory_space<vmem_shared>>)
      tpu.yield
    }) : () -> ()
    %barrier3A = arith.constant 0 : index
    tpu.barrier barrier_id(%barrier3A)
    %scan3A = arith.constant 0 : i32
    %scan3A_5 = arith.constant 0 : i32
    %scan3A_6 = arith.constant 139 : i32
    %scan3A_7 = arith.addi %scan3A_5, %scan3A_6 : i32
    %scan3A_8 = arith.constant 1 : i32
    scf.for %scan3A_15 = %scan3A_5 to %scan3A_7 step %scan3A_8  : i32 {
      "tpu.region"() ({
        %run_scoped3A = tpu.sem_alloc : memref<!tpu.dma_semaphore, #tpu.memory_space<semaphore_mem>>
        %dma_start3A = arith.constant 0 : i32
        %dma_start3A_16 = tpu.memref_slice %arg6[%scan3A_15, %dma_start3A] : memref<139x72xi32, #tpu.memory_space<vmem>> -> memref<1x72xi32, #tpu.memory_space<vmem>>
        %dma_start3A_17 = tpu.memref_squeeze %dma_start3A_16 : memref<1x72xi32, #tpu.memory_space<vmem>> -> memref<72xi32, #tpu.memory_space<vmem>>
        %dma_start3A_18 = arith.constant 0 : i32
        %dma_start3A_19 = arith.constant 0 : i32
        %dma_start3A_20 = tpu.memref_slice %arg8[%dma_start3A_18, %dma_start3A_19] : memref<10240x128xf32, #tpu.memory_space<vmem_shared>> -> memref<10240x128xf32, #tpu.memory_space<vmem_shared>>
        tpu.enqueue_indirect_dma source(%arg7 : memref<72x128xf32, #tpu.memory_space<vmem>>) target(%dma_start3A_20 : memref<10240x128xf32, #tpu.memory_space<vmem_shared>>) offsets(%dma_start3A_17 : memref<72xi32, #tpu.memory_space<vmem>>) semaphore(%run_scoped3A : memref<!tpu.dma_semaphore, #tpu.memory_space<semaphore_mem>>) {add = true}
        %dma_wait3A = arith.constant 0 : i32
        %dma_wait3A_21 = tpu.memref_slice %arg6[%scan3A_15, %dma_wait3A] : memref<139x72xi32, #tpu.memory_space<vmem>> -> memref<1x72xi32, #tpu.memory_space<vmem>>
        %dma_wait3A_22 = tpu.memref_squeeze %dma_wait3A_21 : memref<1x72xi32, #tpu.memory_space<vmem>> -> memref<72xi32, #tpu.memory_space<vmem>>
        %dma_wait3A_23 = arith.constant 0 : i32
        %dma_wait3A_24 = arith.constant 0 : i32
        %dma_wait3A_25 = tpu.memref_slice %arg8[%dma_wait3A_23, %dma_wait3A_24] : memref<10240x128xf32, #tpu.memory_space<vmem_shared>> -> memref<10240x128xf32, #tpu.memory_space<vmem_shared>>
        tpu.wait_indirect_dma semaphore(%run_scoped3A : memref<!tpu.dma_semaphore, #tpu.memory_space<semaphore_mem>>) src(%arg7 : memref<72x128xf32, #tpu.memory_space<vmem>>) dst(%dma_wait3A_25 : memref<10240x128xf32, #tpu.memory_space<vmem_shared>>)
        tpu.yield
      }) : () -> ()
    }
    %scan3A_9 = arith.constant 139 : i32
    %barrier3A_10 = arith.constant 0 : index
    tpu.barrier barrier_id(%barrier3A_10)
    %mul3A_11 = arith.constant 640 : i32
    %mul3A_12 = arith.muli %arg1, %mul3A_11 : i32
    %mul3A_13 = arith.constant 640 : i32
    %mul3A_14 = arith.muli %arg1, %mul3A_13 : i32
    "tpu.region"() ({
      %run_scoped3A = tpu.sem_alloc : memref<!tpu.dma_semaphore, #tpu.memory_space<semaphore_mem>>
      %dma_start3A = arith.constant 0 : i32
      %dma_start3A_15 = tpu.memref_slice %arg5[%arg0, %mul3A_14, %dma_start3A] : memref<2x10240x128xf32, #tpu.memory_space<hbm>> -> memref<1x640x128xf32, #tpu.memory_space<hbm>>
      %dma_start3A_16 = tpu.memref_squeeze %dma_start3A_15 : memref<1x640x128xf32, #tpu.memory_space<hbm>> -> memref<640x128xf32, #tpu.memory_space<hbm>>
      %dma_start3A_17 = arith.constant 0 : i32
      %dma_start3A_18 = tpu.memref_slice %arg8[%mul3A_12, %dma_start3A_17] : memref<10240x128xf32, #tpu.memory_space<vmem_shared>> -> memref<640x128xf32, #tpu.memory_space<vmem_shared>>
      tpu.enqueue_dma source(%dma_start3A_18 : memref<640x128xf32, #tpu.memory_space<vmem_shared>>) target(%dma_start3A_16 : memref<640x128xf32, #tpu.memory_space<hbm>>) target_semaphore(%run_scoped3A : memref<!tpu.dma_semaphore, #tpu.memory_space<semaphore_mem>>)
      %dma_wait3A = arith.constant 0 : i32
      %dma_wait3A_19 = tpu.memref_slice %arg5[%arg0, %mul3A_14, %dma_wait3A] : memref<2x10240x128xf32, #tpu.memory_space<hbm>> -> memref<1x640x128xf32, #tpu.memory_space<hbm>>
      %dma_wait3A_20 = tpu.memref_squeeze %dma_wait3A_19 : memref<1x640x128xf32, #tpu.memory_space<hbm>> -> memref<640x128xf32, #tpu.memory_space<hbm>>
      %dma_wait3A_21 = arith.constant 0 : i32
      %dma_wait3A_22 = tpu.memref_slice %arg8[%mul3A_12, %dma_wait3A_21] : memref<10240x128xf32, #tpu.memory_space<vmem_shared>> -> memref<640x128xf32, #tpu.memory_space<vmem_shared>>
      tpu.wait_dma2 semaphore(%run_scoped3A : memref<!tpu.dma_semaphore, #tpu.memory_space<semaphore_mem>>) src(%dma_wait3A_22 : memref<640x128xf32, #tpu.memory_space<vmem_shared>>) dst(%dma_wait3A_20 : memref<640x128xf32, #tpu.memory_space<hbm>>)
      tpu.yield
    }) : () -> ()
    return
  }
}

#map = affine_map<(d0, d1) -> (0, 0)>
#map1 = affine_map<(d0, d1) -> (0, 0, 0)>
module attributes {stable_mosaic.version = 14 : i64} {
  func.func @_sc_aggregate(%arg0: i32, %arg1: i32, %arg2: memref<10240x128xf32, #tpu.memory_space<hbm>>, %arg3: memref<32x139x72xi32, #tpu.memory_space<hbm>>, %arg4: memref<32x139x72xi32, #tpu.memory_space<hbm>>, %arg5: memref<10240x128xf32, #tpu.memory_space<hbm>>, %arg6: memref<2x10240x128xf32, #tpu.memory_space<hbm>>, %arg7: memref<6x72xi32, #tpu.memory_space<vmem>>, %arg8: memref<6x72xi32, #tpu.memory_space<vmem>>, %arg9: memref<5x72x128xf32, #tpu.memory_space<vmem>>, %arg10: memref<10240x128xf32, #tpu.memory_space<vmem_shared>>, %arg11: memref<!tpu.dma_semaphore, #tpu.memory_space<semaphore_mem>>, %arg12: memref<!tpu.dma_semaphore, #tpu.memory_space<semaphore_mem>>, %arg13: memref<!tpu.dma_semaphore, #tpu.memory_space<semaphore_mem>>) attributes {dimension_semantics = [#tpu.dimension_semantics<core_parallel>, #tpu.dimension_semantics<subcore_parallel>], iteration_bounds = array<i64: 2, 16>, scalar_prefetch = 0 : i64, scratch_operands = 7 : i64, tpu.core_type = #tpu.core_type<sc_vector_subcore>, window_params = [{transform_indices = #map}, {transform_indices = #map1}, {transform_indices = #map1}, {transform_indices = #map}, {transform_indices = #map1}]} {
    %mul3A = arith.constant 16 : i32
    %mul3A_0 = arith.muli %arg0, %mul3A : i32
    %add3A = arith.addi %mul3A_0, %arg1 : i32
    %mul3A_1 = arith.constant 640 : i32
    %mul3A_2 = arith.muli %arg1, %mul3A_1 : i32
    %mul3A_3 = arith.constant 640 : i32
    %mul3A_4 = arith.muli %arg1, %mul3A_3 : i32
    "tpu.region"() ({
      %run_scoped3A = tpu.sem_alloc : memref<!tpu.dma_semaphore, #tpu.memory_space<semaphore_mem>>
      %dma_start3A_257 = arith.constant 0 : i32
      %dma_start3A_258 = tpu.memref_slice %arg10[%mul3A_4, %dma_start3A_257] : memref<10240x128xf32, #tpu.memory_space<vmem_shared>> -> memref<640x128xf32, #tpu.memory_space<vmem_shared>>
      %dma_start3A_259 = arith.constant 0 : i32
      %dma_start3A_260 = tpu.memref_slice %arg5[%mul3A_2, %dma_start3A_259] : memref<10240x128xf32, #tpu.memory_space<hbm>> -> memref<640x128xf32, #tpu.memory_space<hbm>>
      tpu.enqueue_dma source(%dma_start3A_260 : memref<640x128xf32, #tpu.memory_space<hbm>>) target(%dma_start3A_258 : memref<640x128xf32, #tpu.memory_space<vmem_shared>>) target_semaphore(%run_scoped3A : memref<!tpu.dma_semaphore, #tpu.memory_space<semaphore_mem>>)
      %dma_wait3A_261 = arith.constant 0 : i32
      %dma_wait3A_262 = tpu.memref_slice %arg10[%mul3A_4, %dma_wait3A_261] : memref<10240x128xf32, #tpu.memory_space<vmem_shared>> -> memref<640x128xf32, #tpu.memory_space<vmem_shared>>
      %dma_wait3A_263 = arith.constant 0 : i32
      %dma_wait3A_264 = tpu.memref_slice %arg5[%mul3A_2, %dma_wait3A_263] : memref<10240x128xf32, #tpu.memory_space<hbm>> -> memref<640x128xf32, #tpu.memory_space<hbm>>
      tpu.wait_dma2 semaphore(%run_scoped3A : memref<!tpu.dma_semaphore, #tpu.memory_space<semaphore_mem>>) src(%dma_wait3A_264 : memref<640x128xf32, #tpu.memory_space<hbm>>) dst(%dma_wait3A_262 : memref<640x128xf32, #tpu.memory_space<vmem_shared>>)
      tpu.yield
    }) : () -> ()
    %dma_start3A = arith.constant 0 : i32
    %dma_start3A_5 = arith.constant 0 : i32
    %dma_start3A_6 = arith.constant 0 : i32
    %dma_start3A_7 = tpu.memref_slice %arg7[%dma_start3A_5, %dma_start3A_6] : memref<6x72xi32, #tpu.memory_space<vmem>> -> memref<1x72xi32, #tpu.memory_space<vmem>>
    %dma_start3A_8 = tpu.memref_squeeze %dma_start3A_7 : memref<1x72xi32, #tpu.memory_space<vmem>> -> memref<72xi32, #tpu.memory_space<vmem>>
    %dma_start3A_9 = arith.constant 0 : i32
    %dma_start3A_10 = tpu.memref_slice %arg3[%add3A, %dma_start3A, %dma_start3A_9] : memref<32x139x72xi32, #tpu.memory_space<hbm>> -> memref<1x1x72xi32, #tpu.memory_space<hbm>>
    %dma_start3A_11 = tpu.memref_squeeze %dma_start3A_10 : memref<1x1x72xi32, #tpu.memory_space<hbm>> -> memref<72xi32, #tpu.memory_space<hbm>>
    %dma_start3A_12 = arith.constant 0 : i32
    %dma_start3A_13 = tpu.memref_slice %arg7[%dma_start3A_5, %dma_start3A_12] : memref<6x72xi32, #tpu.memory_space<vmem>> -> memref<1x72xi32, #tpu.memory_space<vmem>>
    %dma_start3A_14 = tpu.memref_squeeze %dma_start3A_13 : memref<1x72xi32, #tpu.memory_space<vmem>> -> memref<72xi32, #tpu.memory_space<vmem>>
    %dma_start3A_15 = arith.constant 0 : i32
    %dma_start3A_16 = tpu.memref_slice %arg3[%add3A, %dma_start3A, %dma_start3A_15] : memref<32x139x72xi32, #tpu.memory_space<hbm>> -> memref<1x1x72xi32, #tpu.memory_space<hbm>>
    %dma_start3A_17 = tpu.memref_squeeze %dma_start3A_16 : memref<1x1x72xi32, #tpu.memory_space<hbm>> -> memref<72xi32, #tpu.memory_space<hbm>>
    tpu.enqueue_dma source(%dma_start3A_17 : memref<72xi32, #tpu.memory_space<hbm>>) target(%dma_start3A_14 : memref<72xi32, #tpu.memory_space<vmem>>) target_semaphore(%arg12 : memref<!tpu.dma_semaphore, #tpu.memory_space<semaphore_mem>>)
    %dma_start3A_18 = arith.constant 0 : i32
    %dma_start3A_19 = arith.constant 0 : i32
    %dma_start3A_20 = arith.constant 0 : i32
    %dma_start3A_21 = tpu.memref_slice %arg8[%dma_start3A_19, %dma_start3A_20] : memref<6x72xi32, #tpu.memory_space<vmem>> -> memref<1x72xi32, #tpu.memory_space<vmem>>
    %dma_start3A_22 = tpu.memref_squeeze %dma_start3A_21 : memref<1x72xi32, #tpu.memory_space<vmem>> -> memref<72xi32, #tpu.memory_space<vmem>>
    %dma_start3A_23 = arith.constant 0 : i32
    %dma_start3A_24 = tpu.memref_slice %arg4[%add3A, %dma_start3A_18, %dma_start3A_23] : memref<32x139x72xi32, #tpu.memory_space<hbm>> -> memref<1x1x72xi32, #tpu.memory_space<hbm>>
    %dma_start3A_25 = tpu.memref_squeeze %dma_start3A_24 : memref<1x1x72xi32, #tpu.memory_space<hbm>> -> memref<72xi32, #tpu.memory_space<hbm>>
    %dma_start3A_26 = arith.constant 0 : i32
    %dma_start3A_27 = tpu.memref_slice %arg8[%dma_start3A_19, %dma_start3A_26] : memref<6x72xi32, #tpu.memory_space<vmem>> -> memref<1x72xi32, #tpu.memory_space<vmem>>
    %dma_start3A_28 = tpu.memref_squeeze %dma_start3A_27 : memref<1x72xi32, #tpu.memory_space<vmem>> -> memref<72xi32, #tpu.memory_space<vmem>>
    %dma_start3A_29 = arith.constant 0 : i32
    %dma_start3A_30 = tpu.memref_slice %arg4[%add3A, %dma_start3A_18, %dma_start3A_29] : memref<32x139x72xi32, #tpu.memory_space<hbm>> -> memref<1x1x72xi32, #tpu.memory_space<hbm>>
    %dma_start3A_31 = tpu.memref_squeeze %dma_start3A_30 : memref<1x1x72xi32, #tpu.memory_space<hbm>> -> memref<72xi32, #tpu.memory_space<hbm>>
    tpu.enqueue_dma source(%dma_start3A_31 : memref<72xi32, #tpu.memory_space<hbm>>) target(%dma_start3A_28 : memref<72xi32, #tpu.memory_space<vmem>>) target_semaphore(%arg13 : memref<!tpu.dma_semaphore, #tpu.memory_space<semaphore_mem>>)
    %dma_start3A_32 = arith.constant 1 : i32
    %dma_start3A_33 = arith.constant 1 : i32
    %dma_start3A_34 = arith.constant 0 : i32
    %dma_start3A_35 = tpu.memref_slice %arg7[%dma_start3A_33, %dma_start3A_34] : memref<6x72xi32, #tpu.memory_space<vmem>> -> memref<1x72xi32, #tpu.memory_space<vmem>>
    %dma_start3A_36 = tpu.memref_squeeze %dma_start3A_35 : memref<1x72xi32, #tpu.memory_space<vmem>> -> memref<72xi32, #tpu.memory_space<vmem>>
    %dma_start3A_37 = arith.constant 0 : i32
    %dma_start3A_38 = tpu.memref_slice %arg3[%add3A, %dma_start3A_32, %dma_start3A_37] : memref<32x139x72xi32, #tpu.memory_space<hbm>> -> memref<1x1x72xi32, #tpu.memory_space<hbm>>
    %dma_start3A_39 = tpu.memref_squeeze %dma_start3A_38 : memref<1x1x72xi32, #tpu.memory_space<hbm>> -> memref<72xi32, #tpu.memory_space<hbm>>
    %dma_start3A_40 = arith.constant 0 : i32
    %dma_start3A_41 = tpu.memref_slice %arg7[%dma_start3A_33, %dma_start3A_40] : memref<6x72xi32, #tpu.memory_space<vmem>> -> memref<1x72xi32, #tpu.memory_space<vmem>>
    %dma_start3A_42 = tpu.memref_squeeze %dma_start3A_41 : memref<1x72xi32, #tpu.memory_space<vmem>> -> memref<72xi32, #tpu.memory_space<vmem>>
    %dma_start3A_43 = arith.constant 0 : i32
    %dma_start3A_44 = tpu.memref_slice %arg3[%add3A, %dma_start3A_32, %dma_start3A_43] : memref<32x139x72xi32, #tpu.memory_space<hbm>> -> memref<1x1x72xi32, #tpu.memory_space<hbm>>
    %dma_start3A_45 = tpu.memref_squeeze %dma_start3A_44 : memref<1x1x72xi32, #tpu.memory_space<hbm>> -> memref<72xi32, #tpu.memory_space<hbm>>
    tpu.enqueue_dma source(%dma_start3A_45 : memref<72xi32, #tpu.memory_space<hbm>>) target(%dma_start3A_42 : memref<72xi32, #tpu.memory_space<vmem>>) target_semaphore(%arg12 : memref<!tpu.dma_semaphore, #tpu.memory_space<semaphore_mem>>)
    %dma_start3A_46 = arith.constant 1 : i32
    %dma_start3A_47 = arith.constant 1 : i32
    %dma_start3A_48 = arith.constant 0 : i32
    %dma_start3A_49 = tpu.memref_slice %arg8[%dma_start3A_47, %dma_start3A_48] : memref<6x72xi32, #tpu.memory_space<vmem>> -> memref<1x72xi32, #tpu.memory_space<vmem>>
    %dma_start3A_50 = tpu.memref_squeeze %dma_start3A_49 : memref<1x72xi32, #tpu.memory_space<vmem>> -> memref<72xi32, #tpu.memory_space<vmem>>
    %dma_start3A_51 = arith.constant 0 : i32
    %dma_start3A_52 = tpu.memref_slice %arg4[%add3A, %dma_start3A_46, %dma_start3A_51] : memref<32x139x72xi32, #tpu.memory_space<hbm>> -> memref<1x1x72xi32, #tpu.memory_space<hbm>>
    %dma_start3A_53 = tpu.memref_squeeze %dma_start3A_52 : memref<1x1x72xi32, #tpu.memory_space<hbm>> -> memref<72xi32, #tpu.memory_space<hbm>>
    %dma_start3A_54 = arith.constant 0 : i32
    %dma_start3A_55 = tpu.memref_slice %arg8[%dma_start3A_47, %dma_start3A_54] : memref<6x72xi32, #tpu.memory_space<vmem>> -> memref<1x72xi32, #tpu.memory_space<vmem>>
    %dma_start3A_56 = tpu.memref_squeeze %dma_start3A_55 : memref<1x72xi32, #tpu.memory_space<vmem>> -> memref<72xi32, #tpu.memory_space<vmem>>
    %dma_start3A_57 = arith.constant 0 : i32
    %dma_start3A_58 = tpu.memref_slice %arg4[%add3A, %dma_start3A_46, %dma_start3A_57] : memref<32x139x72xi32, #tpu.memory_space<hbm>> -> memref<1x1x72xi32, #tpu.memory_space<hbm>>
    %dma_start3A_59 = tpu.memref_squeeze %dma_start3A_58 : memref<1x1x72xi32, #tpu.memory_space<hbm>> -> memref<72xi32, #tpu.memory_space<hbm>>
    tpu.enqueue_dma source(%dma_start3A_59 : memref<72xi32, #tpu.memory_space<hbm>>) target(%dma_start3A_56 : memref<72xi32, #tpu.memory_space<vmem>>) target_semaphore(%arg13 : memref<!tpu.dma_semaphore, #tpu.memory_space<semaphore_mem>>)
    %dma_start3A_60 = arith.constant 2 : i32
    %dma_start3A_61 = arith.constant 2 : i32
    %dma_start3A_62 = arith.constant 0 : i32
    %dma_start3A_63 = tpu.memref_slice %arg7[%dma_start3A_61, %dma_start3A_62] : memref<6x72xi32, #tpu.memory_space<vmem>> -> memref<1x72xi32, #tpu.memory_space<vmem>>
    %dma_start3A_64 = tpu.memref_squeeze %dma_start3A_63 : memref<1x72xi32, #tpu.memory_space<vmem>> -> memref<72xi32, #tpu.memory_space<vmem>>
    %dma_start3A_65 = arith.constant 0 : i32
    %dma_start3A_66 = tpu.memref_slice %arg3[%add3A, %dma_start3A_60, %dma_start3A_65] : memref<32x139x72xi32, #tpu.memory_space<hbm>> -> memref<1x1x72xi32, #tpu.memory_space<hbm>>
    %dma_start3A_67 = tpu.memref_squeeze %dma_start3A_66 : memref<1x1x72xi32, #tpu.memory_space<hbm>> -> memref<72xi32, #tpu.memory_space<hbm>>
    %dma_start3A_68 = arith.constant 0 : i32
    %dma_start3A_69 = tpu.memref_slice %arg7[%dma_start3A_61, %dma_start3A_68] : memref<6x72xi32, #tpu.memory_space<vmem>> -> memref<1x72xi32, #tpu.memory_space<vmem>>
    %dma_start3A_70 = tpu.memref_squeeze %dma_start3A_69 : memref<1x72xi32, #tpu.memory_space<vmem>> -> memref<72xi32, #tpu.memory_space<vmem>>
    %dma_start3A_71 = arith.constant 0 : i32
    %dma_start3A_72 = tpu.memref_slice %arg3[%add3A, %dma_start3A_60, %dma_start3A_71] : memref<32x139x72xi32, #tpu.memory_space<hbm>> -> memref<1x1x72xi32, #tpu.memory_space<hbm>>
    %dma_start3A_73 = tpu.memref_squeeze %dma_start3A_72 : memref<1x1x72xi32, #tpu.memory_space<hbm>> -> memref<72xi32, #tpu.memory_space<hbm>>
    tpu.enqueue_dma source(%dma_start3A_73 : memref<72xi32, #tpu.memory_space<hbm>>) target(%dma_start3A_70 : memref<72xi32, #tpu.memory_space<vmem>>) target_semaphore(%arg12 : memref<!tpu.dma_semaphore, #tpu.memory_space<semaphore_mem>>)
    %dma_start3A_74 = arith.constant 2 : i32
    %dma_start3A_75 = arith.constant 2 : i32
    %dma_start3A_76 = arith.constant 0 : i32
    %dma_start3A_77 = tpu.memref_slice %arg8[%dma_start3A_75, %dma_start3A_76] : memref<6x72xi32, #tpu.memory_space<vmem>> -> memref<1x72xi32, #tpu.memory_space<vmem>>
    %dma_start3A_78 = tpu.memref_squeeze %dma_start3A_77 : memref<1x72xi32, #tpu.memory_space<vmem>> -> memref<72xi32, #tpu.memory_space<vmem>>
    %dma_start3A_79 = arith.constant 0 : i32
    %dma_start3A_80 = tpu.memref_slice %arg4[%add3A, %dma_start3A_74, %dma_start3A_79] : memref<32x139x72xi32, #tpu.memory_space<hbm>> -> memref<1x1x72xi32, #tpu.memory_space<hbm>>
    %dma_start3A_81 = tpu.memref_squeeze %dma_start3A_80 : memref<1x1x72xi32, #tpu.memory_space<hbm>> -> memref<72xi32, #tpu.memory_space<hbm>>
    %dma_start3A_82 = arith.constant 0 : i32
    %dma_start3A_83 = tpu.memref_slice %arg8[%dma_start3A_75, %dma_start3A_82] : memref<6x72xi32, #tpu.memory_space<vmem>> -> memref<1x72xi32, #tpu.memory_space<vmem>>
    %dma_start3A_84 = tpu.memref_squeeze %dma_start3A_83 : memref<1x72xi32, #tpu.memory_space<vmem>> -> memref<72xi32, #tpu.memory_space<vmem>>
    %dma_start3A_85 = arith.constant 0 : i32
    %dma_start3A_86 = tpu.memref_slice %arg4[%add3A, %dma_start3A_74, %dma_start3A_85] : memref<32x139x72xi32, #tpu.memory_space<hbm>> -> memref<1x1x72xi32, #tpu.memory_space<hbm>>
    %dma_start3A_87 = tpu.memref_squeeze %dma_start3A_86 : memref<1x1x72xi32, #tpu.memory_space<hbm>> -> memref<72xi32, #tpu.memory_space<hbm>>
    tpu.enqueue_dma source(%dma_start3A_87 : memref<72xi32, #tpu.memory_space<hbm>>) target(%dma_start3A_84 : memref<72xi32, #tpu.memory_space<vmem>>) target_semaphore(%arg13 : memref<!tpu.dma_semaphore, #tpu.memory_space<semaphore_mem>>)
    %dma_start3A_88 = arith.constant 3 : i32
    %dma_start3A_89 = arith.constant 3 : i32
    %dma_start3A_90 = arith.constant 0 : i32
    %dma_start3A_91 = tpu.memref_slice %arg7[%dma_start3A_89, %dma_start3A_90] : memref<6x72xi32, #tpu.memory_space<vmem>> -> memref<1x72xi32, #tpu.memory_space<vmem>>
    %dma_start3A_92 = tpu.memref_squeeze %dma_start3A_91 : memref<1x72xi32, #tpu.memory_space<vmem>> -> memref<72xi32, #tpu.memory_space<vmem>>
    %dma_start3A_93 = arith.constant 0 : i32
    %dma_start3A_94 = tpu.memref_slice %arg3[%add3A, %dma_start3A_88, %dma_start3A_93] : memref<32x139x72xi32, #tpu.memory_space<hbm>> -> memref<1x1x72xi32, #tpu.memory_space<hbm>>
    %dma_start3A_95 = tpu.memref_squeeze %dma_start3A_94 : memref<1x1x72xi32, #tpu.memory_space<hbm>> -> memref<72xi32, #tpu.memory_space<hbm>>
    %dma_start3A_96 = arith.constant 0 : i32
    %dma_start3A_97 = tpu.memref_slice %arg7[%dma_start3A_89, %dma_start3A_96] : memref<6x72xi32, #tpu.memory_space<vmem>> -> memref<1x72xi32, #tpu.memory_space<vmem>>
    %dma_start3A_98 = tpu.memref_squeeze %dma_start3A_97 : memref<1x72xi32, #tpu.memory_space<vmem>> -> memref<72xi32, #tpu.memory_space<vmem>>
    %dma_start3A_99 = arith.constant 0 : i32
    %dma_start3A_100 = tpu.memref_slice %arg3[%add3A, %dma_start3A_88, %dma_start3A_99] : memref<32x139x72xi32, #tpu.memory_space<hbm>> -> memref<1x1x72xi32, #tpu.memory_space<hbm>>
    %dma_start3A_101 = tpu.memref_squeeze %dma_start3A_100 : memref<1x1x72xi32, #tpu.memory_space<hbm>> -> memref<72xi32, #tpu.memory_space<hbm>>
    tpu.enqueue_dma source(%dma_start3A_101 : memref<72xi32, #tpu.memory_space<hbm>>) target(%dma_start3A_98 : memref<72xi32, #tpu.memory_space<vmem>>) target_semaphore(%arg12 : memref<!tpu.dma_semaphore, #tpu.memory_space<semaphore_mem>>)
    %dma_start3A_102 = arith.constant 3 : i32
    %dma_start3A_103 = arith.constant 3 : i32
    %dma_start3A_104 = arith.constant 0 : i32
    %dma_start3A_105 = tpu.memref_slice %arg8[%dma_start3A_103, %dma_start3A_104] : memref<6x72xi32, #tpu.memory_space<vmem>> -> memref<1x72xi32, #tpu.memory_space<vmem>>
    %dma_start3A_106 = tpu.memref_squeeze %dma_start3A_105 : memref<1x72xi32, #tpu.memory_space<vmem>> -> memref<72xi32, #tpu.memory_space<vmem>>
    %dma_start3A_107 = arith.constant 0 : i32
    %dma_start3A_108 = tpu.memref_slice %arg4[%add3A, %dma_start3A_102, %dma_start3A_107] : memref<32x139x72xi32, #tpu.memory_space<hbm>> -> memref<1x1x72xi32, #tpu.memory_space<hbm>>
    %dma_start3A_109 = tpu.memref_squeeze %dma_start3A_108 : memref<1x1x72xi32, #tpu.memory_space<hbm>> -> memref<72xi32, #tpu.memory_space<hbm>>
    %dma_start3A_110 = arith.constant 0 : i32
    %dma_start3A_111 = tpu.memref_slice %arg8[%dma_start3A_103, %dma_start3A_110] : memref<6x72xi32, #tpu.memory_space<vmem>> -> memref<1x72xi32, #tpu.memory_space<vmem>>
    %dma_start3A_112 = tpu.memref_squeeze %dma_start3A_111 : memref<1x72xi32, #tpu.memory_space<vmem>> -> memref<72xi32, #tpu.memory_space<vmem>>
    %dma_start3A_113 = arith.constant 0 : i32
    %dma_start3A_114 = tpu.memref_slice %arg4[%add3A, %dma_start3A_102, %dma_start3A_113] : memref<32x139x72xi32, #tpu.memory_space<hbm>> -> memref<1x1x72xi32, #tpu.memory_space<hbm>>
    %dma_start3A_115 = tpu.memref_squeeze %dma_start3A_114 : memref<1x1x72xi32, #tpu.memory_space<hbm>> -> memref<72xi32, #tpu.memory_space<hbm>>
    tpu.enqueue_dma source(%dma_start3A_115 : memref<72xi32, #tpu.memory_space<hbm>>) target(%dma_start3A_112 : memref<72xi32, #tpu.memory_space<vmem>>) target_semaphore(%arg13 : memref<!tpu.dma_semaphore, #tpu.memory_space<semaphore_mem>>)
    %dma_start3A_116 = arith.constant 4 : i32
    %dma_start3A_117 = arith.constant 4 : i32
    %dma_start3A_118 = arith.constant 0 : i32
    %dma_start3A_119 = tpu.memref_slice %arg7[%dma_start3A_117, %dma_start3A_118] : memref<6x72xi32, #tpu.memory_space<vmem>> -> memref<1x72xi32, #tpu.memory_space<vmem>>
    %dma_start3A_120 = tpu.memref_squeeze %dma_start3A_119 : memref<1x72xi32, #tpu.memory_space<vmem>> -> memref<72xi32, #tpu.memory_space<vmem>>
    %dma_start3A_121 = arith.constant 0 : i32
    %dma_start3A_122 = tpu.memref_slice %arg3[%add3A, %dma_start3A_116, %dma_start3A_121] : memref<32x139x72xi32, #tpu.memory_space<hbm>> -> memref<1x1x72xi32, #tpu.memory_space<hbm>>
    %dma_start3A_123 = tpu.memref_squeeze %dma_start3A_122 : memref<1x1x72xi32, #tpu.memory_space<hbm>> -> memref<72xi32, #tpu.memory_space<hbm>>
    %dma_start3A_124 = arith.constant 0 : i32
    %dma_start3A_125 = tpu.memref_slice %arg7[%dma_start3A_117, %dma_start3A_124] : memref<6x72xi32, #tpu.memory_space<vmem>> -> memref<1x72xi32, #tpu.memory_space<vmem>>
    %dma_start3A_126 = tpu.memref_squeeze %dma_start3A_125 : memref<1x72xi32, #tpu.memory_space<vmem>> -> memref<72xi32, #tpu.memory_space<vmem>>
    %dma_start3A_127 = arith.constant 0 : i32
    %dma_start3A_128 = tpu.memref_slice %arg3[%add3A, %dma_start3A_116, %dma_start3A_127] : memref<32x139x72xi32, #tpu.memory_space<hbm>> -> memref<1x1x72xi32, #tpu.memory_space<hbm>>
    %dma_start3A_129 = tpu.memref_squeeze %dma_start3A_128 : memref<1x1x72xi32, #tpu.memory_space<hbm>> -> memref<72xi32, #tpu.memory_space<hbm>>
    tpu.enqueue_dma source(%dma_start3A_129 : memref<72xi32, #tpu.memory_space<hbm>>) target(%dma_start3A_126 : memref<72xi32, #tpu.memory_space<vmem>>) target_semaphore(%arg12 : memref<!tpu.dma_semaphore, #tpu.memory_space<semaphore_mem>>)
    %dma_start3A_130 = arith.constant 4 : i32
    %dma_start3A_131 = arith.constant 4 : i32
    %dma_start3A_132 = arith.constant 0 : i32
    %dma_start3A_133 = tpu.memref_slice %arg8[%dma_start3A_131, %dma_start3A_132] : memref<6x72xi32, #tpu.memory_space<vmem>> -> memref<1x72xi32, #tpu.memory_space<vmem>>
    %dma_start3A_134 = tpu.memref_squeeze %dma_start3A_133 : memref<1x72xi32, #tpu.memory_space<vmem>> -> memref<72xi32, #tpu.memory_space<vmem>>
    %dma_start3A_135 = arith.constant 0 : i32
    %dma_start3A_136 = tpu.memref_slice %arg4[%add3A, %dma_start3A_130, %dma_start3A_135] : memref<32x139x72xi32, #tpu.memory_space<hbm>> -> memref<1x1x72xi32, #tpu.memory_space<hbm>>
    %dma_start3A_137 = tpu.memref_squeeze %dma_start3A_136 : memref<1x1x72xi32, #tpu.memory_space<hbm>> -> memref<72xi32, #tpu.memory_space<hbm>>
    %dma_start3A_138 = arith.constant 0 : i32
    %dma_start3A_139 = tpu.memref_slice %arg8[%dma_start3A_131, %dma_start3A_138] : memref<6x72xi32, #tpu.memory_space<vmem>> -> memref<1x72xi32, #tpu.memory_space<vmem>>
    %dma_start3A_140 = tpu.memref_squeeze %dma_start3A_139 : memref<1x72xi32, #tpu.memory_space<vmem>> -> memref<72xi32, #tpu.memory_space<vmem>>
    %dma_start3A_141 = arith.constant 0 : i32
    %dma_start3A_142 = tpu.memref_slice %arg4[%add3A, %dma_start3A_130, %dma_start3A_141] : memref<32x139x72xi32, #tpu.memory_space<hbm>> -> memref<1x1x72xi32, #tpu.memory_space<hbm>>
    %dma_start3A_143 = tpu.memref_squeeze %dma_start3A_142 : memref<1x1x72xi32, #tpu.memory_space<hbm>> -> memref<72xi32, #tpu.memory_space<hbm>>
    tpu.enqueue_dma source(%dma_start3A_143 : memref<72xi32, #tpu.memory_space<hbm>>) target(%dma_start3A_140 : memref<72xi32, #tpu.memory_space<vmem>>) target_semaphore(%arg13 : memref<!tpu.dma_semaphore, #tpu.memory_space<semaphore_mem>>)
    %barrier3A = arith.constant 0 : index
    tpu.barrier barrier_id(%barrier3A)
    %dma_wait3A = arith.constant 0 : i32
    %dma_wait3A_144 = arith.constant 0 : i32
    %dma_wait3A_145 = arith.constant 0 : i32
    %dma_wait3A_146 = tpu.memref_slice %arg7[%dma_wait3A_144, %dma_wait3A_145] : memref<6x72xi32, #tpu.memory_space<vmem>> -> memref<1x72xi32, #tpu.memory_space<vmem>>
    %dma_wait3A_147 = tpu.memref_squeeze %dma_wait3A_146 : memref<1x72xi32, #tpu.memory_space<vmem>> -> memref<72xi32, #tpu.memory_space<vmem>>
    %dma_wait3A_148 = arith.constant 0 : i32
    %dma_wait3A_149 = tpu.memref_slice %arg3[%add3A, %dma_wait3A, %dma_wait3A_148] : memref<32x139x72xi32, #tpu.memory_space<hbm>> -> memref<1x1x72xi32, #tpu.memory_space<hbm>>
    %dma_wait3A_150 = tpu.memref_squeeze %dma_wait3A_149 : memref<1x1x72xi32, #tpu.memory_space<hbm>> -> memref<72xi32, #tpu.memory_space<hbm>>
    %dma_wait3A_151 = arith.constant 0 : i32
    %dma_wait3A_152 = tpu.memref_slice %arg7[%dma_wait3A_144, %dma_wait3A_151] : memref<6x72xi32, #tpu.memory_space<vmem>> -> memref<1x72xi32, #tpu.memory_space<vmem>>
    %dma_wait3A_153 = tpu.memref_squeeze %dma_wait3A_152 : memref<1x72xi32, #tpu.memory_space<vmem>> -> memref<72xi32, #tpu.memory_space<vmem>>
    %dma_wait3A_154 = arith.constant 0 : i32
    %dma_wait3A_155 = tpu.memref_slice %arg3[%add3A, %dma_wait3A, %dma_wait3A_154] : memref<32x139x72xi32, #tpu.memory_space<hbm>> -> memref<1x1x72xi32, #tpu.memory_space<hbm>>
    %dma_wait3A_156 = tpu.memref_squeeze %dma_wait3A_155 : memref<1x1x72xi32, #tpu.memory_space<hbm>> -> memref<72xi32, #tpu.memory_space<hbm>>
    tpu.wait_dma2 semaphore(%arg12 : memref<!tpu.dma_semaphore, #tpu.memory_space<semaphore_mem>>) src(%dma_wait3A_156 : memref<72xi32, #tpu.memory_space<hbm>>) dst(%dma_wait3A_153 : memref<72xi32, #tpu.memory_space<vmem>>)
    %dma_start3A_157 = arith.constant 0 : i32
    %dma_start3A_158 = arith.constant 0 : i32
    %dma_start3A_159 = arith.constant 0 : i32
    %dma_start3A_160 = arith.constant 0 : i32
    %dma_start3A_161 = tpu.memref_slice %arg9[%dma_start3A_158, %dma_start3A_159, %dma_start3A_160] : memref<5x72x128xf32, #tpu.memory_space<vmem>> -> memref<1x72x128xf32, #tpu.memory_space<vmem>>
    %dma_start3A_162 = tpu.memref_squeeze %dma_start3A_161 : memref<1x72x128xf32, #tpu.memory_space<vmem>> -> memref<72x128xf32, #tpu.memory_space<vmem>>
    %dma_start3A_163 = arith.constant 0 : i32
    %dma_start3A_164 = tpu.memref_slice %arg7[%dma_start3A_157, %dma_start3A_163] : memref<6x72xi32, #tpu.memory_space<vmem>> -> memref<1x72xi32, #tpu.memory_space<vmem>>
    %dma_start3A_165 = tpu.memref_squeeze %dma_start3A_164 : memref<1x72xi32, #tpu.memory_space<vmem>> -> memref<72xi32, #tpu.memory_space<vmem>>
    %dma_start3A_166 = arith.constant 0 : i32
    %dma_start3A_167 = arith.constant 0 : i32
    %dma_start3A_168 = tpu.memref_slice %arg2[%dma_start3A_166, %dma_start3A_167] : memref<10240x128xf32, #tpu.memory_space<hbm>> -> memref<10240x128xf32, #tpu.memory_space<hbm>>
    tpu.enqueue_indirect_dma source(%dma_start3A_168 : memref<10240x128xf32, #tpu.memory_space<hbm>>) target(%dma_start3A_162 : memref<72x128xf32, #tpu.memory_space<vmem>>) offsets(%dma_start3A_165 : memref<72xi32, #tpu.memory_space<vmem>>) semaphore(%arg11 : memref<!tpu.dma_semaphore, #tpu.memory_space<semaphore_mem>>)
    %dma_wait3A_169 = arith.constant 0 : i32
    %dma_wait3A_170 = arith.constant 1 : i32
    %dma_wait3A_171 = arith.constant 0 : i32
    %dma_wait3A_172 = tpu.memref_slice %arg7[%dma_wait3A_170, %dma_wait3A_171] : memref<6x72xi32, #tpu.memory_space<vmem>> -> memref<1x72xi32, #tpu.memory_space<vmem>>
    %dma_wait3A_173 = tpu.memref_squeeze %dma_wait3A_172 : memref<1x72xi32, #tpu.memory_space<vmem>> -> memref<72xi32, #tpu.memory_space<vmem>>
    %dma_wait3A_174 = arith.constant 0 : i32
    %dma_wait3A_175 = tpu.memref_slice %arg3[%add3A, %dma_wait3A_169, %dma_wait3A_174] : memref<32x139x72xi32, #tpu.memory_space<hbm>> -> memref<1x1x72xi32, #tpu.memory_space<hbm>>
    %dma_wait3A_176 = tpu.memref_squeeze %dma_wait3A_175 : memref<1x1x72xi32, #tpu.memory_space<hbm>> -> memref<72xi32, #tpu.memory_space<hbm>>
    %dma_wait3A_177 = arith.constant 0 : i32
    %dma_wait3A_178 = tpu.memref_slice %arg7[%dma_wait3A_170, %dma_wait3A_177] : memref<6x72xi32, #tpu.memory_space<vmem>> -> memref<1x72xi32, #tpu.memory_space<vmem>>
    %dma_wait3A_179 = tpu.memref_squeeze %dma_wait3A_178 : memref<1x72xi32, #tpu.memory_space<vmem>> -> memref<72xi32, #tpu.memory_space<vmem>>
    %dma_wait3A_180 = arith.constant 0 : i32
    %dma_wait3A_181 = tpu.memref_slice %arg3[%add3A, %dma_wait3A_169, %dma_wait3A_180] : memref<32x139x72xi32, #tpu.memory_space<hbm>> -> memref<1x1x72xi32, #tpu.memory_space<hbm>>
    %dma_wait3A_182 = tpu.memref_squeeze %dma_wait3A_181 : memref<1x1x72xi32, #tpu.memory_space<hbm>> -> memref<72xi32, #tpu.memory_space<hbm>>
    tpu.wait_dma2 semaphore(%arg12 : memref<!tpu.dma_semaphore, #tpu.memory_space<semaphore_mem>>) src(%dma_wait3A_182 : memref<72xi32, #tpu.memory_space<hbm>>) dst(%dma_wait3A_179 : memref<72xi32, #tpu.memory_space<vmem>>)
    %dma_start3A_183 = arith.constant 1 : i32
    %dma_start3A_184 = arith.constant 1 : i32
    %dma_start3A_185 = arith.constant 0 : i32
    %dma_start3A_186 = arith.constant 0 : i32
    %dma_start3A_187 = tpu.memref_slice %arg9[%dma_start3A_184, %dma_start3A_185, %dma_start3A_186] : memref<5x72x128xf32, #tpu.memory_space<vmem>> -> memref<1x72x128xf32, #tpu.memory_space<vmem>>
    %dma_start3A_188 = tpu.memref_squeeze %dma_start3A_187 : memref<1x72x128xf32, #tpu.memory_space<vmem>> -> memref<72x128xf32, #tpu.memory_space<vmem>>
    %dma_start3A_189 = arith.constant 0 : i32
    %dma_start3A_190 = tpu.memref_slice %arg7[%dma_start3A_183, %dma_start3A_189] : memref<6x72xi32, #tpu.memory_space<vmem>> -> memref<1x72xi32, #tpu.memory_space<vmem>>
    %dma_start3A_191 = tpu.memref_squeeze %dma_start3A_190 : memref<1x72xi32, #tpu.memory_space<vmem>> -> memref<72xi32, #tpu.memory_space<vmem>>
    %dma_start3A_192 = arith.constant 0 : i32
    %dma_start3A_193 = arith.constant 0 : i32
    %dma_start3A_194 = tpu.memref_slice %arg2[%dma_start3A_192, %dma_start3A_193] : memref<10240x128xf32, #tpu.memory_space<hbm>> -> memref<10240x128xf32, #tpu.memory_space<hbm>>
    tpu.enqueue_indirect_dma source(%dma_start3A_194 : memref<10240x128xf32, #tpu.memory_space<hbm>>) target(%dma_start3A_188 : memref<72x128xf32, #tpu.memory_space<vmem>>) offsets(%dma_start3A_191 : memref<72xi32, #tpu.memory_space<vmem>>) semaphore(%arg11 : memref<!tpu.dma_semaphore, #tpu.memory_space<semaphore_mem>>)
    %dma_wait3A_195 = arith.constant 0 : i32
    %dma_wait3A_196 = arith.constant 2 : i32
    %dma_wait3A_197 = arith.constant 0 : i32
    %dma_wait3A_198 = tpu.memref_slice %arg7[%dma_wait3A_196, %dma_wait3A_197] : memref<6x72xi32, #tpu.memory_space<vmem>> -> memref<1x72xi32, #tpu.memory_space<vmem>>
    %dma_wait3A_199 = tpu.memref_squeeze %dma_wait3A_198 : memref<1x72xi32, #tpu.memory_space<vmem>> -> memref<72xi32, #tpu.memory_space<vmem>>
    %dma_wait3A_200 = arith.constant 0 : i32
    %dma_wait3A_201 = tpu.memref_slice %arg3[%add3A, %dma_wait3A_195, %dma_wait3A_200] : memref<32x139x72xi32, #tpu.memory_space<hbm>> -> memref<1x1x72xi32, #tpu.memory_space<hbm>>
    %dma_wait3A_202 = tpu.memref_squeeze %dma_wait3A_201 : memref<1x1x72xi32, #tpu.memory_space<hbm>> -> memref<72xi32, #tpu.memory_space<hbm>>
    %dma_wait3A_203 = arith.constant 0 : i32
    %dma_wait3A_204 = tpu.memref_slice %arg7[%dma_wait3A_196, %dma_wait3A_203] : memref<6x72xi32, #tpu.memory_space<vmem>> -> memref<1x72xi32, #tpu.memory_space<vmem>>
    %dma_wait3A_205 = tpu.memref_squeeze %dma_wait3A_204 : memref<1x72xi32, #tpu.memory_space<vmem>> -> memref<72xi32, #tpu.memory_space<vmem>>
    %dma_wait3A_206 = arith.constant 0 : i32
    %dma_wait3A_207 = tpu.memref_slice %arg3[%add3A, %dma_wait3A_195, %dma_wait3A_206] : memref<32x139x72xi32, #tpu.memory_space<hbm>> -> memref<1x1x72xi32, #tpu.memory_space<hbm>>
    %dma_wait3A_208 = tpu.memref_squeeze %dma_wait3A_207 : memref<1x1x72xi32, #tpu.memory_space<hbm>> -> memref<72xi32, #tpu.memory_space<hbm>>
    tpu.wait_dma2 semaphore(%arg12 : memref<!tpu.dma_semaphore, #tpu.memory_space<semaphore_mem>>) src(%dma_wait3A_208 : memref<72xi32, #tpu.memory_space<hbm>>) dst(%dma_wait3A_205 : memref<72xi32, #tpu.memory_space<vmem>>)
    %dma_start3A_209 = arith.constant 2 : i32
    %dma_start3A_210 = arith.constant 2 : i32
    %dma_start3A_211 = arith.constant 0 : i32
    %dma_start3A_212 = arith.constant 0 : i32
    %dma_start3A_213 = tpu.memref_slice %arg9[%dma_start3A_210, %dma_start3A_211, %dma_start3A_212] : memref<5x72x128xf32, #tpu.memory_space<vmem>> -> memref<1x72x128xf32, #tpu.memory_space<vmem>>
    %dma_start3A_214 = tpu.memref_squeeze %dma_start3A_213 : memref<1x72x128xf32, #tpu.memory_space<vmem>> -> memref<72x128xf32, #tpu.memory_space<vmem>>
    %dma_start3A_215 = arith.constant 0 : i32
    %dma_start3A_216 = tpu.memref_slice %arg7[%dma_start3A_209, %dma_start3A_215] : memref<6x72xi32, #tpu.memory_space<vmem>> -> memref<1x72xi32, #tpu.memory_space<vmem>>
    %dma_start3A_217 = tpu.memref_squeeze %dma_start3A_216 : memref<1x72xi32, #tpu.memory_space<vmem>> -> memref<72xi32, #tpu.memory_space<vmem>>
    %dma_start3A_218 = arith.constant 0 : i32
    %dma_start3A_219 = arith.constant 0 : i32
    %dma_start3A_220 = tpu.memref_slice %arg2[%dma_start3A_218, %dma_start3A_219] : memref<10240x128xf32, #tpu.memory_space<hbm>> -> memref<10240x128xf32, #tpu.memory_space<hbm>>
    tpu.enqueue_indirect_dma source(%dma_start3A_220 : memref<10240x128xf32, #tpu.memory_space<hbm>>) target(%dma_start3A_214 : memref<72x128xf32, #tpu.memory_space<vmem>>) offsets(%dma_start3A_217 : memref<72xi32, #tpu.memory_space<vmem>>) semaphore(%arg11 : memref<!tpu.dma_semaphore, #tpu.memory_space<semaphore_mem>>)
    %dma_wait3A_221 = arith.constant 0 : i32
    %dma_wait3A_222 = arith.constant 3 : i32
    %dma_wait3A_223 = arith.constant 0 : i32
    %dma_wait3A_224 = tpu.memref_slice %arg7[%dma_wait3A_222, %dma_wait3A_223] : memref<6x72xi32, #tpu.memory_space<vmem>> -> memref<1x72xi32, #tpu.memory_space<vmem>>
    %dma_wait3A_225 = tpu.memref_squeeze %dma_wait3A_224 : memref<1x72xi32, #tpu.memory_space<vmem>> -> memref<72xi32, #tpu.memory_space<vmem>>
    %dma_wait3A_226 = arith.constant 0 : i32
    %dma_wait3A_227 = tpu.memref_slice %arg3[%add3A, %dma_wait3A_221, %dma_wait3A_226] : memref<32x139x72xi32, #tpu.memory_space<hbm>> -> memref<1x1x72xi32, #tpu.memory_space<hbm>>
    %dma_wait3A_228 = tpu.memref_squeeze %dma_wait3A_227 : memref<1x1x72xi32, #tpu.memory_space<hbm>> -> memref<72xi32, #tpu.memory_space<hbm>>
    %dma_wait3A_229 = arith.constant 0 : i32
    %dma_wait3A_230 = tpu.memref_slice %arg7[%dma_wait3A_222, %dma_wait3A_229] : memref<6x72xi32, #tpu.memory_space<vmem>> -> memref<1x72xi32, #tpu.memory_space<vmem>>
    %dma_wait3A_231 = tpu.memref_squeeze %dma_wait3A_230 : memref<1x72xi32, #tpu.memory_space<vmem>> -> memref<72xi32, #tpu.memory_space<vmem>>
    %dma_wait3A_232 = arith.constant 0 : i32
    %dma_wait3A_233 = tpu.memref_slice %arg3[%add3A, %dma_wait3A_221, %dma_wait3A_232] : memref<32x139x72xi32, #tpu.memory_space<hbm>> -> memref<1x1x72xi32, #tpu.memory_space<hbm>>
    %dma_wait3A_234 = tpu.memref_squeeze %dma_wait3A_233 : memref<1x1x72xi32, #tpu.memory_space<hbm>> -> memref<72xi32, #tpu.memory_space<hbm>>
    tpu.wait_dma2 semaphore(%arg12 : memref<!tpu.dma_semaphore, #tpu.memory_space<semaphore_mem>>) src(%dma_wait3A_234 : memref<72xi32, #tpu.memory_space<hbm>>) dst(%dma_wait3A_231 : memref<72xi32, #tpu.memory_space<vmem>>)
    %dma_start3A_235 = arith.constant 3 : i32
    %dma_start3A_236 = arith.constant 3 : i32
    %dma_start3A_237 = arith.constant 0 : i32
    %dma_start3A_238 = arith.constant 0 : i32
    %dma_start3A_239 = tpu.memref_slice %arg9[%dma_start3A_236, %dma_start3A_237, %dma_start3A_238] : memref<5x72x128xf32, #tpu.memory_space<vmem>> -> memref<1x72x128xf32, #tpu.memory_space<vmem>>
    %dma_start3A_240 = tpu.memref_squeeze %dma_start3A_239 : memref<1x72x128xf32, #tpu.memory_space<vmem>> -> memref<72x128xf32, #tpu.memory_space<vmem>>
    %dma_start3A_241 = arith.constant 0 : i32
    %dma_start3A_242 = tpu.memref_slice %arg7[%dma_start3A_235, %dma_start3A_241] : memref<6x72xi32, #tpu.memory_space<vmem>> -> memref<1x72xi32, #tpu.memory_space<vmem>>
    %dma_start3A_243 = tpu.memref_squeeze %dma_start3A_242 : memref<1x72xi32, #tpu.memory_space<vmem>> -> memref<72xi32, #tpu.memory_space<vmem>>
    %dma_start3A_244 = arith.constant 0 : i32
    %dma_start3A_245 = arith.constant 0 : i32
    %dma_start3A_246 = tpu.memref_slice %arg2[%dma_start3A_244, %dma_start3A_245] : memref<10240x128xf32, #tpu.memory_space<hbm>> -> memref<10240x128xf32, #tpu.memory_space<hbm>>
    tpu.enqueue_indirect_dma source(%dma_start3A_246 : memref<10240x128xf32, #tpu.memory_space<hbm>>) target(%dma_start3A_240 : memref<72x128xf32, #tpu.memory_space<vmem>>) offsets(%dma_start3A_243 : memref<72xi32, #tpu.memory_space<vmem>>) semaphore(%arg11 : memref<!tpu.dma_semaphore, #tpu.memory_space<semaphore_mem>>)
    %scan3A = arith.constant 0 : i32
    %scan3A_247 = arith.constant 0 : i32
    %scan3A_248 = arith.constant 139 : i32
    %scan3A_249 = arith.addi %scan3A_247, %scan3A_248 : i32
    %scan3A_250 = arith.constant 1 : i32
    scf.for %scan3A_257 = %scan3A_247 to %scan3A_249 step %scan3A_250  : i32 {
      %add3A_258 = arith.constant 5 : i32
      %add3A_259 = arith.addi %scan3A_257, %add3A_258 : i32
      %lt3A = arith.constant 139 : i32
      %lt3A_260 = arith.cmpi slt, %add3A_259, %lt3A : i32
      %convert_element_type3A = arith.extui %lt3A_260 : i1 to i32
      %cond3A = arith.constant 0 : i32
      %cond3A_261 = arith.cmpi ne, %convert_element_type3A, %cond3A : i32
      scf.if %cond3A_261 {
        %add3A_297 = arith.constant 5 : i32
        %add3A_298 = arith.addi %scan3A_257, %add3A_297 : i32
        %rem3A_299 = arith.constant 6 : i32
        %rem3A_300 = arith.remsi %add3A_298, %rem3A_299 : i32
        %add3A_301 = arith.constant 5 : i32
        %add3A_302 = arith.addi %scan3A_257, %add3A_301 : i32
        %dma_start3A_303 = arith.constant 0 : i32
        %dma_start3A_304 = tpu.memref_slice %arg7[%rem3A_300, %dma_start3A_303] : memref<6x72xi32, #tpu.memory_space<vmem>> -> memref<1x72xi32, #tpu.memory_space<vmem>>
        %dma_start3A_305 = tpu.memref_squeeze %dma_start3A_304 : memref<1x72xi32, #tpu.memory_space<vmem>> -> memref<72xi32, #tpu.memory_space<vmem>>
        %dma_start3A_306 = arith.constant 0 : i32
        %dma_start3A_307 = tpu.memref_slice %arg3[%add3A, %add3A_302, %dma_start3A_306] : memref<32x139x72xi32, #tpu.memory_space<hbm>> -> memref<1x1x72xi32, #tpu.memory_space<hbm>>
        %dma_start3A_308 = tpu.memref_squeeze %dma_start3A_307 : memref<1x1x72xi32, #tpu.memory_space<hbm>> -> memref<72xi32, #tpu.memory_space<hbm>>
        %dma_start3A_309 = arith.constant 0 : i32
        %dma_start3A_310 = tpu.memref_slice %arg7[%rem3A_300, %dma_start3A_309] : memref<6x72xi32, #tpu.memory_space<vmem>> -> memref<1x72xi32, #tpu.memory_space<vmem>>
        %dma_start3A_311 = tpu.memref_squeeze %dma_start3A_310 : memref<1x72xi32, #tpu.memory_space<vmem>> -> memref<72xi32, #tpu.memory_space<vmem>>
        %dma_start3A_312 = arith.constant 0 : i32
        %dma_start3A_313 = tpu.memref_slice %arg3[%add3A, %add3A_302, %dma_start3A_312] : memref<32x139x72xi32, #tpu.memory_space<hbm>> -> memref<1x1x72xi32, #tpu.memory_space<hbm>>
        %dma_start3A_314 = tpu.memref_squeeze %dma_start3A_313 : memref<1x1x72xi32, #tpu.memory_space<hbm>> -> memref<72xi32, #tpu.memory_space<hbm>>
        tpu.enqueue_dma source(%dma_start3A_314 : memref<72xi32, #tpu.memory_space<hbm>>) target(%dma_start3A_311 : memref<72xi32, #tpu.memory_space<vmem>>) target_semaphore(%arg12 : memref<!tpu.dma_semaphore, #tpu.memory_space<semaphore_mem>>)
        %add3A_315 = arith.constant 5 : i32
        %add3A_316 = arith.addi %scan3A_257, %add3A_315 : i32
        %dma_start3A_317 = arith.constant 0 : i32
        %dma_start3A_318 = tpu.memref_slice %arg8[%rem3A_300, %dma_start3A_317] : memref<6x72xi32, #tpu.memory_space<vmem>> -> memref<1x72xi32, #tpu.memory_space<vmem>>
        %dma_start3A_319 = tpu.memref_squeeze %dma_start3A_318 : memref<1x72xi32, #tpu.memory_space<vmem>> -> memref<72xi32, #tpu.memory_space<vmem>>
        %dma_start3A_320 = arith.constant 0 : i32
        %dma_start3A_321 = tpu.memref_slice %arg4[%add3A, %add3A_316, %dma_start3A_320] : memref<32x139x72xi32, #tpu.memory_space<hbm>> -> memref<1x1x72xi32, #tpu.memory_space<hbm>>
        %dma_start3A_322 = tpu.memref_squeeze %dma_start3A_321 : memref<1x1x72xi32, #tpu.memory_space<hbm>> -> memref<72xi32, #tpu.memory_space<hbm>>
        %dma_start3A_323 = arith.constant 0 : i32
        %dma_start3A_324 = tpu.memref_slice %arg8[%rem3A_300, %dma_start3A_323] : memref<6x72xi32, #tpu.memory_space<vmem>> -> memref<1x72xi32, #tpu.memory_space<vmem>>
        %dma_start3A_325 = tpu.memref_squeeze %dma_start3A_324 : memref<1x72xi32, #tpu.memory_space<vmem>> -> memref<72xi32, #tpu.memory_space<vmem>>
        %dma_start3A_326 = arith.constant 0 : i32
        %dma_start3A_327 = tpu.memref_slice %arg4[%add3A, %add3A_316, %dma_start3A_326] : memref<32x139x72xi32, #tpu.memory_space<hbm>> -> memref<1x1x72xi32, #tpu.memory_space<hbm>>
        %dma_start3A_328 = tpu.memref_squeeze %dma_start3A_327 : memref<1x1x72xi32, #tpu.memory_space<hbm>> -> memref<72xi32, #tpu.memory_space<hbm>>
        tpu.enqueue_dma source(%dma_start3A_328 : memref<72xi32, #tpu.memory_space<hbm>>) target(%dma_start3A_325 : memref<72xi32, #tpu.memory_space<vmem>>) target_semaphore(%arg13 : memref<!tpu.dma_semaphore, #tpu.memory_space<semaphore_mem>>)
      } else {
      }
      %add3A_262 = arith.constant 4 : i32
      %add3A_263 = arith.addi %scan3A_257, %add3A_262 : i32
      %lt3A_264 = arith.constant 139 : i32
      %lt3A_265 = arith.cmpi slt, %add3A_263, %lt3A_264 : i32
      %convert_element_type3A_266 = arith.extui %lt3A_265 : i1 to i32
      %cond3A_267 = arith.constant 0 : i32
      %cond3A_268 = arith.cmpi ne, %convert_element_type3A_266, %cond3A_267 : i32
      scf.if %cond3A_268 {
        %add3A_297 = arith.constant 4 : i32
        %add3A_298 = arith.addi %scan3A_257, %add3A_297 : i32
        %rem3A_299 = arith.constant 6 : i32
        %rem3A_300 = arith.remsi %add3A_298, %rem3A_299 : i32
        %dma_wait3A_301 = arith.constant 0 : i32
        %dma_wait3A_302 = arith.constant 0 : i32
        %dma_wait3A_303 = tpu.memref_slice %arg7[%rem3A_300, %dma_wait3A_302] : memref<6x72xi32, #tpu.memory_space<vmem>> -> memref<1x72xi32, #tpu.memory_space<vmem>>
        %dma_wait3A_304 = tpu.memref_squeeze %dma_wait3A_303 : memref<1x72xi32, #tpu.memory_space<vmem>> -> memref<72xi32, #tpu.memory_space<vmem>>
        %dma_wait3A_305 = arith.constant 0 : i32
        %dma_wait3A_306 = tpu.memref_slice %arg3[%add3A, %dma_wait3A_301, %dma_wait3A_305] : memref<32x139x72xi32, #tpu.memory_space<hbm>> -> memref<1x1x72xi32, #tpu.memory_space<hbm>>
        %dma_wait3A_307 = tpu.memref_squeeze %dma_wait3A_306 : memref<1x1x72xi32, #tpu.memory_space<hbm>> -> memref<72xi32, #tpu.memory_space<hbm>>
        %dma_wait3A_308 = arith.constant 0 : i32
        %dma_wait3A_309 = tpu.memref_slice %arg7[%rem3A_300, %dma_wait3A_308] : memref<6x72xi32, #tpu.memory_space<vmem>> -> memref<1x72xi32, #tpu.memory_space<vmem>>
        %dma_wait3A_310 = tpu.memref_squeeze %dma_wait3A_309 : memref<1x72xi32, #tpu.memory_space<vmem>> -> memref<72xi32, #tpu.memory_space<vmem>>
        %dma_wait3A_311 = arith.constant 0 : i32
        %dma_wait3A_312 = tpu.memref_slice %arg3[%add3A, %dma_wait3A_301, %dma_wait3A_311] : memref<32x139x72xi32, #tpu.memory_space<hbm>> -> memref<1x1x72xi32, #tpu.memory_space<hbm>>
        %dma_wait3A_313 = tpu.memref_squeeze %dma_wait3A_312 : memref<1x1x72xi32, #tpu.memory_space<hbm>> -> memref<72xi32, #tpu.memory_space<hbm>>
        tpu.wait_dma2 semaphore(%arg12 : memref<!tpu.dma_semaphore, #tpu.memory_space<semaphore_mem>>) src(%dma_wait3A_313 : memref<72xi32, #tpu.memory_space<hbm>>) dst(%dma_wait3A_310 : memref<72xi32, #tpu.memory_space<vmem>>)
        %add3A_314 = arith.constant 4 : i32
        %add3A_315 = arith.addi %scan3A_257, %add3A_314 : i32
        %rem3A_316 = arith.constant 5 : i32
        %rem3A_317 = arith.remsi %add3A_315, %rem3A_316 : i32
        %dma_start3A_318 = arith.constant 0 : i32
        %dma_start3A_319 = arith.constant 0 : i32
        %dma_start3A_320 = tpu.memref_slice %arg9[%rem3A_317, %dma_start3A_318, %dma_start3A_319] : memref<5x72x128xf32, #tpu.memory_space<vmem>> -> memref<1x72x128xf32, #tpu.memory_space<vmem>>
        %dma_start3A_321 = tpu.memref_squeeze %dma_start3A_320 : memref<1x72x128xf32, #tpu.memory_space<vmem>> -> memref<72x128xf32, #tpu.memory_space<vmem>>
        %dma_start3A_322 = arith.constant 0 : i32
        %dma_start3A_323 = tpu.memref_slice %arg7[%rem3A_300, %dma_start3A_322] : memref<6x72xi32, #tpu.memory_space<vmem>> -> memref<1x72xi32, #tpu.memory_space<vmem>>
        %dma_start3A_324 = tpu.memref_squeeze %dma_start3A_323 : memref<1x72xi32, #tpu.memory_space<vmem>> -> memref<72xi32, #tpu.memory_space<vmem>>
        %dma_start3A_325 = arith.constant 0 : i32
        %dma_start3A_326 = arith.constant 0 : i32
        %dma_start3A_327 = tpu.memref_slice %arg2[%dma_start3A_325, %dma_start3A_326] : memref<10240x128xf32, #tpu.memory_space<hbm>> -> memref<10240x128xf32, #tpu.memory_space<hbm>>
        tpu.enqueue_indirect_dma source(%dma_start3A_327 : memref<10240x128xf32, #tpu.memory_space<hbm>>) target(%dma_start3A_321 : memref<72x128xf32, #tpu.memory_space<vmem>>) offsets(%dma_start3A_324 : memref<72xi32, #tpu.memory_space<vmem>>) semaphore(%arg11 : memref<!tpu.dma_semaphore, #tpu.memory_space<semaphore_mem>>)
      } else {
      }
      %rem3A = arith.constant 5 : i32
      %rem3A_269 = arith.remsi %scan3A_257, %rem3A : i32
      %dma_wait3A_270 = arith.constant 0 : i32
      %dma_wait3A_271 = arith.constant 0 : i32
      %dma_wait3A_272 = arith.constant 0 : i32
      %dma_wait3A_273 = tpu.memref_slice %arg9[%rem3A_269, %dma_wait3A_271, %dma_wait3A_272] : memref<5x72x128xf32, #tpu.memory_space<vmem>> -> memref<1x72x128xf32, #tpu.memory_space<vmem>>
      %dma_wait3A_274 = tpu.memref_squeeze %dma_wait3A_273 : memref<1x72x128xf32, #tpu.memory_space<vmem>> -> memref<72x128xf32, #tpu.memory_space<vmem>>
      %dma_wait3A_275 = arith.constant 0 : i32
      %dma_wait3A_276 = tpu.memref_slice %arg7[%dma_wait3A_270, %dma_wait3A_275] : memref<6x72xi32, #tpu.memory_space<vmem>> -> memref<1x72xi32, #tpu.memory_space<vmem>>
      %dma_wait3A_277 = tpu.memref_squeeze %dma_wait3A_276 : memref<1x72xi32, #tpu.memory_space<vmem>> -> memref<72xi32, #tpu.memory_space<vmem>>
      %dma_wait3A_278 = arith.constant 0 : i32
      %dma_wait3A_279 = arith.constant 0 : i32
      %dma_wait3A_280 = tpu.memref_slice %arg2[%dma_wait3A_278, %dma_wait3A_279] : memref<10240x128xf32, #tpu.memory_space<hbm>> -> memref<10240x128xf32, #tpu.memory_space<hbm>>
      tpu.wait_indirect_dma semaphore(%arg11 : memref<!tpu.dma_semaphore, #tpu.memory_space<semaphore_mem>>) src(%dma_wait3A_280 : memref<10240x128xf32, #tpu.memory_space<hbm>>) dst(%dma_wait3A_274 : memref<72x128xf32, #tpu.memory_space<vmem>>)
      %dma_wait3A_281 = arith.constant 0 : i32
      %dma_wait3A_282 = arith.constant 0 : i32
      %dma_wait3A_283 = arith.constant 0 : i32
      %dma_wait3A_284 = tpu.memref_slice %arg8[%dma_wait3A_282, %dma_wait3A_283] : memref<6x72xi32, #tpu.memory_space<vmem>> -> memref<1x72xi32, #tpu.memory_space<vmem>>
      %dma_wait3A_285 = tpu.memref_squeeze %dma_wait3A_284 : memref<1x72xi32, #tpu.memory_space<vmem>> -> memref<72xi32, #tpu.memory_space<vmem>>
      %dma_wait3A_286 = arith.constant 0 : i32
      %dma_wait3A_287 = tpu.memref_slice %arg4[%add3A, %dma_wait3A_281, %dma_wait3A_286] : memref<32x139x72xi32, #tpu.memory_space<hbm>> -> memref<1x1x72xi32, #tpu.memory_space<hbm>>
      %dma_wait3A_288 = tpu.memref_squeeze %dma_wait3A_287 : memref<1x1x72xi32, #tpu.memory_space<hbm>> -> memref<72xi32, #tpu.memory_space<hbm>>
      %dma_wait3A_289 = arith.constant 0 : i32
      %dma_wait3A_290 = tpu.memref_slice %arg8[%dma_wait3A_282, %dma_wait3A_289] : memref<6x72xi32, #tpu.memory_space<vmem>> -> memref<1x72xi32, #tpu.memory_space<vmem>>
      %dma_wait3A_291 = tpu.memref_squeeze %dma_wait3A_290 : memref<1x72xi32, #tpu.memory_space<vmem>> -> memref<72xi32, #tpu.memory_space<vmem>>
      %dma_wait3A_292 = arith.constant 0 : i32
      %dma_wait3A_293 = tpu.memref_slice %arg4[%add3A, %dma_wait3A_281, %dma_wait3A_292] : memref<32x139x72xi32, #tpu.memory_space<hbm>> -> memref<1x1x72xi32, #tpu.memory_space<hbm>>
      %dma_wait3A_294 = tpu.memref_squeeze %dma_wait3A_293 : memref<1x1x72xi32, #tpu.memory_space<hbm>> -> memref<72xi32, #tpu.memory_space<hbm>>
      tpu.wait_dma2 semaphore(%arg13 : memref<!tpu.dma_semaphore, #tpu.memory_space<semaphore_mem>>) src(%dma_wait3A_294 : memref<72xi32, #tpu.memory_space<hbm>>) dst(%dma_wait3A_291 : memref<72xi32, #tpu.memory_space<vmem>>)
      %rem3A_295 = arith.constant 6 : i32
      %rem3A_296 = arith.remsi %scan3A_257, %rem3A_295 : i32
      "tpu.region"() ({
        %run_scoped3A = tpu.sem_alloc : memref<!tpu.dma_semaphore, #tpu.memory_space<semaphore_mem>>
        %dma_start3A_297 = arith.constant 0 : i32
        %dma_start3A_298 = arith.constant 0 : i32
        %dma_start3A_299 = tpu.memref_slice %arg9[%rem3A_269, %dma_start3A_297, %dma_start3A_298] : memref<5x72x128xf32, #tpu.memory_space<vmem>> -> memref<1x72x128xf32, #tpu.memory_space<vmem>>
        %dma_start3A_300 = tpu.memref_squeeze %dma_start3A_299 : memref<1x72x128xf32, #tpu.memory_space<vmem>> -> memref<72x128xf32, #tpu.memory_space<vmem>>
        %dma_start3A_301 = arith.constant 0 : i32
        %dma_start3A_302 = tpu.memref_slice %arg8[%rem3A_296, %dma_start3A_301] : memref<6x72xi32, #tpu.memory_space<vmem>> -> memref<1x72xi32, #tpu.memory_space<vmem>>
        %dma_start3A_303 = tpu.memref_squeeze %dma_start3A_302 : memref<1x72xi32, #tpu.memory_space<vmem>> -> memref<72xi32, #tpu.memory_space<vmem>>
        %dma_start3A_304 = arith.constant 0 : i32
        %dma_start3A_305 = arith.constant 0 : i32
        %dma_start3A_306 = tpu.memref_slice %arg10[%dma_start3A_304, %dma_start3A_305] : memref<10240x128xf32, #tpu.memory_space<vmem_shared>> -> memref<10240x128xf32, #tpu.memory_space<vmem_shared>>
        tpu.enqueue_indirect_dma source(%dma_start3A_300 : memref<72x128xf32, #tpu.memory_space<vmem>>) target(%dma_start3A_306 : memref<10240x128xf32, #tpu.memory_space<vmem_shared>>) offsets(%dma_start3A_303 : memref<72xi32, #tpu.memory_space<vmem>>) semaphore(%run_scoped3A : memref<!tpu.dma_semaphore, #tpu.memory_space<semaphore_mem>>) {add = true}
        %dma_wait3A_307 = arith.constant 0 : i32
        %dma_wait3A_308 = arith.constant 0 : i32
        %dma_wait3A_309 = tpu.memref_slice %arg9[%rem3A_269, %dma_wait3A_307, %dma_wait3A_308] : memref<5x72x128xf32, #tpu.memory_space<vmem>> -> memref<1x72x128xf32, #tpu.memory_space<vmem>>
        %dma_wait3A_310 = tpu.memref_squeeze %dma_wait3A_309 : memref<1x72x128xf32, #tpu.memory_space<vmem>> -> memref<72x128xf32, #tpu.memory_space<vmem>>
        %dma_wait3A_311 = arith.constant 0 : i32
        %dma_wait3A_312 = tpu.memref_slice %arg8[%rem3A_296, %dma_wait3A_311] : memref<6x72xi32, #tpu.memory_space<vmem>> -> memref<1x72xi32, #tpu.memory_space<vmem>>
        %dma_wait3A_313 = tpu.memref_squeeze %dma_wait3A_312 : memref<1x72xi32, #tpu.memory_space<vmem>> -> memref<72xi32, #tpu.memory_space<vmem>>
        %dma_wait3A_314 = arith.constant 0 : i32
        %dma_wait3A_315 = arith.constant 0 : i32
        %dma_wait3A_316 = tpu.memref_slice %arg10[%dma_wait3A_314, %dma_wait3A_315] : memref<10240x128xf32, #tpu.memory_space<vmem_shared>> -> memref<10240x128xf32, #tpu.memory_space<vmem_shared>>
        tpu.wait_indirect_dma semaphore(%run_scoped3A : memref<!tpu.dma_semaphore, #tpu.memory_space<semaphore_mem>>) src(%dma_wait3A_310 : memref<72x128xf32, #tpu.memory_space<vmem>>) dst(%dma_wait3A_316 : memref<10240x128xf32, #tpu.memory_space<vmem_shared>>)
        tpu.yield
      }) : () -> ()
    }
    %scan3A_251 = arith.constant 139 : i32
    %barrier3A_252 = arith.constant 0 : index
    tpu.barrier barrier_id(%barrier3A_252)
    %mul3A_253 = arith.constant 640 : i32
    %mul3A_254 = arith.muli %arg1, %mul3A_253 : i32
    %mul3A_255 = arith.constant 640 : i32
    %mul3A_256 = arith.muli %arg1, %mul3A_255 : i32
    "tpu.region"() ({
      %run_scoped3A = tpu.sem_alloc : memref<!tpu.dma_semaphore, #tpu.memory_space<semaphore_mem>>
      %dma_start3A_257 = arith.constant 0 : i32
      %dma_start3A_258 = tpu.memref_slice %arg6[%arg0, %mul3A_256, %dma_start3A_257] : memref<2x10240x128xf32, #tpu.memory_space<hbm>> -> memref<1x640x128xf32, #tpu.memory_space<hbm>>
      %dma_start3A_259 = tpu.memref_squeeze %dma_start3A_258 : memref<1x640x128xf32, #tpu.memory_space<hbm>> -> memref<640x128xf32, #tpu.memory_space<hbm>>
      %dma_start3A_260 = arith.constant 0 : i32
      %dma_start3A_261 = tpu.memref_slice %arg10[%mul3A_254, %dma_start3A_260] : memref<10240x128xf32, #tpu.memory_space<vmem_shared>> -> memref<640x128xf32, #tpu.memory_space<vmem_shared>>
      tpu.enqueue_dma source(%dma_start3A_261 : memref<640x128xf32, #tpu.memory_space<vmem_shared>>) target(%dma_start3A_259 : memref<640x128xf32, #tpu.memory_space<hbm>>) target_semaphore(%run_scoped3A : memref<!tpu.dma_semaphore, #tpu.memory_space<semaphore_mem>>)
      %dma_wait3A_262 = arith.constant 0 : i32
      %dma_wait3A_263 = tpu.memref_slice %arg6[%arg0, %mul3A_256, %dma_wait3A_262] : memref<2x10240x128xf32, #tpu.memory_space<hbm>> -> memref<1x640x128xf32, #tpu.memory_space<hbm>>
      %dma_wait3A_264 = tpu.memref_squeeze %dma_wait3A_263 : memref<1x640x128xf32, #tpu.memory_space<hbm>> -> memref<640x128xf32, #tpu.memory_space<hbm>>
      %dma_wait3A_265 = arith.constant 0 : i32
      %dma_wait3A_266 = tpu.memref_slice %arg10[%mul3A_254, %dma_wait3A_265] : memref<10240x128xf32, #tpu.memory_space<vmem_shared>> -> memref<640x128xf32, #tpu.memory_space<vmem_shared>>
      tpu.wait_dma2 semaphore(%run_scoped3A : memref<!tpu.dma_semaphore, #tpu.memory_space<semaphore_mem>>) src(%dma_wait3A_266 : memref<640x128xf32, #tpu.memory_space<vmem_shared>>) dst(%dma_wait3A_264 : memref<640x128xf32, #tpu.memory_space<hbm>>)
      tpu.yield
    }) : () -> ()
    return
  }
}

#map = affine_map<(d0, d1) -> (0, 0)>
#map1 = affine_map<(d0, d1) -> (0, 0, 0)>
module attributes {stable_mosaic.version = 14 : i64} {
  func.func @_sc_aggregate(%arg0: i32, %arg1: i32, %arg2: memref<10240x128xf32, #tpu.memory_space<hbm>>, %arg3: memref<32x139x72xi32, #tpu.memory_space<hbm>>, %arg4: memref<32x139x72xi32, #tpu.memory_space<hbm>>, %arg5: memref<10240x128xf32, #tpu.memory_space<hbm>>, %arg6: memref<2x10240x128xf32, #tpu.memory_space<hbm>>, %arg7: memref<6x72xi32, #tpu.memory_space<vmem>>, %arg8: memref<6x72xi32, #tpu.memory_space<vmem>>, %arg9: memref<5x72x128xf32, #tpu.memory_space<vmem>>, %arg10: memref<10240x128xf32, #tpu.memory_space<vmem_shared>>, %arg11: memref<!tpu.dma_semaphore, #tpu.memory_space<semaphore_mem>>, %arg12: memref<!tpu.dma_semaphore, #tpu.memory_space<semaphore_mem>>, %arg13: memref<!tpu.dma_semaphore, #tpu.memory_space<semaphore_mem>>) attributes {dimension_semantics = [#tpu.dimension_semantics<core_parallel>, #tpu.dimension_semantics<subcore_parallel>], iteration_bounds = array<i64: 2, 16>, scalar_prefetch = 0 : i64, scratch_operands = 7 : i64, tpu.core_type = #tpu.core_type<sc_vector_subcore>, window_params = [{transform_indices = #map}, {transform_indices = #map1}, {transform_indices = #map1}, {transform_indices = #map}, {transform_indices = #map1}]} {
    %mul3A = arith.constant 16 : i32
    %mul3A_0 = arith.muli %arg0, %mul3A : i32
    %add3A = arith.addi %mul3A_0, %arg1 : i32
    %mul3A_1 = arith.constant 640 : i32
    %mul3A_2 = arith.muli %arg1, %mul3A_1 : i32
    %mul3A_3 = arith.constant 640 : i32
    %mul3A_4 = arith.muli %arg1, %mul3A_3 : i32
    "tpu.region"() ({
      %run_scoped3A = tpu.sem_alloc : memref<!tpu.dma_semaphore, #tpu.memory_space<semaphore_mem>>
      %dma_start3A_257 = arith.constant 0 : i32
      %dma_start3A_258 = tpu.memref_slice %arg10[%mul3A_4, %dma_start3A_257] : memref<10240x128xf32, #tpu.memory_space<vmem_shared>> -> memref<640x128xf32, #tpu.memory_space<vmem_shared>>
      %dma_start3A_259 = arith.constant 0 : i32
      %dma_start3A_260 = tpu.memref_slice %arg5[%mul3A_2, %dma_start3A_259] : memref<10240x128xf32, #tpu.memory_space<hbm>> -> memref<640x128xf32, #tpu.memory_space<hbm>>
      tpu.enqueue_dma source(%dma_start3A_260 : memref<640x128xf32, #tpu.memory_space<hbm>>) target(%dma_start3A_258 : memref<640x128xf32, #tpu.memory_space<vmem_shared>>) target_semaphore(%run_scoped3A : memref<!tpu.dma_semaphore, #tpu.memory_space<semaphore_mem>>)
      %dma_wait3A_261 = arith.constant 0 : i32
      %dma_wait3A_262 = tpu.memref_slice %arg10[%mul3A_4, %dma_wait3A_261] : memref<10240x128xf32, #tpu.memory_space<vmem_shared>> -> memref<640x128xf32, #tpu.memory_space<vmem_shared>>
      %dma_wait3A_263 = arith.constant 0 : i32
      %dma_wait3A_264 = tpu.memref_slice %arg5[%mul3A_2, %dma_wait3A_263] : memref<10240x128xf32, #tpu.memory_space<hbm>> -> memref<640x128xf32, #tpu.memory_space<hbm>>
      tpu.wait_dma2 semaphore(%run_scoped3A : memref<!tpu.dma_semaphore, #tpu.memory_space<semaphore_mem>>) src(%dma_wait3A_264 : memref<640x128xf32, #tpu.memory_space<hbm>>) dst(%dma_wait3A_262 : memref<640x128xf32, #tpu.memory_space<vmem_shared>>)
      tpu.yield
    }) : () -> ()
    %dma_start3A = arith.constant 0 : i32
    %dma_start3A_5 = arith.constant 0 : i32
    %dma_start3A_6 = arith.constant 0 : i32
    %dma_start3A_7 = tpu.memref_slice %arg7[%dma_start3A_5, %dma_start3A_6] : memref<6x72xi32, #tpu.memory_space<vmem>> -> memref<1x72xi32, #tpu.memory_space<vmem>>
    %dma_start3A_8 = tpu.memref_squeeze %dma_start3A_7 : memref<1x72xi32, #tpu.memory_space<vmem>> -> memref<72xi32, #tpu.memory_space<vmem>>
    %dma_start3A_9 = arith.constant 0 : i32
    %dma_start3A_10 = tpu.memref_slice %arg3[%add3A, %dma_start3A, %dma_start3A_9] : memref<32x139x72xi32, #tpu.memory_space<hbm>> -> memref<1x1x72xi32, #tpu.memory_space<hbm>>
    %dma_start3A_11 = tpu.memref_squeeze %dma_start3A_10 : memref<1x1x72xi32, #tpu.memory_space<hbm>> -> memref<72xi32, #tpu.memory_space<hbm>>
    %dma_start3A_12 = arith.constant 0 : i32
    %dma_start3A_13 = tpu.memref_slice %arg7[%dma_start3A_5, %dma_start3A_12] : memref<6x72xi32, #tpu.memory_space<vmem>> -> memref<1x72xi32, #tpu.memory_space<vmem>>
    %dma_start3A_14 = tpu.memref_squeeze %dma_start3A_13 : memref<1x72xi32, #tpu.memory_space<vmem>> -> memref<72xi32, #tpu.memory_space<vmem>>
    %dma_start3A_15 = arith.constant 0 : i32
    %dma_start3A_16 = tpu.memref_slice %arg3[%add3A, %dma_start3A, %dma_start3A_15] : memref<32x139x72xi32, #tpu.memory_space<hbm>> -> memref<1x1x72xi32, #tpu.memory_space<hbm>>
    %dma_start3A_17 = tpu.memref_squeeze %dma_start3A_16 : memref<1x1x72xi32, #tpu.memory_space<hbm>> -> memref<72xi32, #tpu.memory_space<hbm>>
    tpu.enqueue_dma source(%dma_start3A_17 : memref<72xi32, #tpu.memory_space<hbm>>) target(%dma_start3A_14 : memref<72xi32, #tpu.memory_space<vmem>>) target_semaphore(%arg12 : memref<!tpu.dma_semaphore, #tpu.memory_space<semaphore_mem>>)
    %dma_start3A_18 = arith.constant 0 : i32
    %dma_start3A_19 = arith.constant 0 : i32
    %dma_start3A_20 = arith.constant 0 : i32
    %dma_start3A_21 = tpu.memref_slice %arg8[%dma_start3A_19, %dma_start3A_20] : memref<6x72xi32, #tpu.memory_space<vmem>> -> memref<1x72xi32, #tpu.memory_space<vmem>>
    %dma_start3A_22 = tpu.memref_squeeze %dma_start3A_21 : memref<1x72xi32, #tpu.memory_space<vmem>> -> memref<72xi32, #tpu.memory_space<vmem>>
    %dma_start3A_23 = arith.constant 0 : i32
    %dma_start3A_24 = tpu.memref_slice %arg4[%add3A, %dma_start3A_18, %dma_start3A_23] : memref<32x139x72xi32, #tpu.memory_space<hbm>> -> memref<1x1x72xi32, #tpu.memory_space<hbm>>
    %dma_start3A_25 = tpu.memref_squeeze %dma_start3A_24 : memref<1x1x72xi32, #tpu.memory_space<hbm>> -> memref<72xi32, #tpu.memory_space<hbm>>
    %dma_start3A_26 = arith.constant 0 : i32
    %dma_start3A_27 = tpu.memref_slice %arg8[%dma_start3A_19, %dma_start3A_26] : memref<6x72xi32, #tpu.memory_space<vmem>> -> memref<1x72xi32, #tpu.memory_space<vmem>>
    %dma_start3A_28 = tpu.memref_squeeze %dma_start3A_27 : memref<1x72xi32, #tpu.memory_space<vmem>> -> memref<72xi32, #tpu.memory_space<vmem>>
    %dma_start3A_29 = arith.constant 0 : i32
    %dma_start3A_30 = tpu.memref_slice %arg4[%add3A, %dma_start3A_18, %dma_start3A_29] : memref<32x139x72xi32, #tpu.memory_space<hbm>> -> memref<1x1x72xi32, #tpu.memory_space<hbm>>
    %dma_start3A_31 = tpu.memref_squeeze %dma_start3A_30 : memref<1x1x72xi32, #tpu.memory_space<hbm>> -> memref<72xi32, #tpu.memory_space<hbm>>
    tpu.enqueue_dma source(%dma_start3A_31 : memref<72xi32, #tpu.memory_space<hbm>>) target(%dma_start3A_28 : memref<72xi32, #tpu.memory_space<vmem>>) target_semaphore(%arg13 : memref<!tpu.dma_semaphore, #tpu.memory_space<semaphore_mem>>)
    %dma_start3A_32 = arith.constant 1 : i32
    %dma_start3A_33 = arith.constant 1 : i32
    %dma_start3A_34 = arith.constant 0 : i32
    %dma_start3A_35 = tpu.memref_slice %arg7[%dma_start3A_33, %dma_start3A_34] : memref<6x72xi32, #tpu.memory_space<vmem>> -> memref<1x72xi32, #tpu.memory_space<vmem>>
    %dma_start3A_36 = tpu.memref_squeeze %dma_start3A_35 : memref<1x72xi32, #tpu.memory_space<vmem>> -> memref<72xi32, #tpu.memory_space<vmem>>
    %dma_start3A_37 = arith.constant 0 : i32
    %dma_start3A_38 = tpu.memref_slice %arg3[%add3A, %dma_start3A_32, %dma_start3A_37] : memref<32x139x72xi32, #tpu.memory_space<hbm>> -> memref<1x1x72xi32, #tpu.memory_space<hbm>>
    %dma_start3A_39 = tpu.memref_squeeze %dma_start3A_38 : memref<1x1x72xi32, #tpu.memory_space<hbm>> -> memref<72xi32, #tpu.memory_space<hbm>>
    %dma_start3A_40 = arith.constant 0 : i32
    %dma_start3A_41 = tpu.memref_slice %arg7[%dma_start3A_33, %dma_start3A_40] : memref<6x72xi32, #tpu.memory_space<vmem>> -> memref<1x72xi32, #tpu.memory_space<vmem>>
    %dma_start3A_42 = tpu.memref_squeeze %dma_start3A_41 : memref<1x72xi32, #tpu.memory_space<vmem>> -> memref<72xi32, #tpu.memory_space<vmem>>
    %dma_start3A_43 = arith.constant 0 : i32
    %dma_start3A_44 = tpu.memref_slice %arg3[%add3A, %dma_start3A_32, %dma_start3A_43] : memref<32x139x72xi32, #tpu.memory_space<hbm>> -> memref<1x1x72xi32, #tpu.memory_space<hbm>>
    %dma_start3A_45 = tpu.memref_squeeze %dma_start3A_44 : memref<1x1x72xi32, #tpu.memory_space<hbm>> -> memref<72xi32, #tpu.memory_space<hbm>>
    tpu.enqueue_dma source(%dma_start3A_45 : memref<72xi32, #tpu.memory_space<hbm>>) target(%dma_start3A_42 : memref<72xi32, #tpu.memory_space<vmem>>) target_semaphore(%arg12 : memref<!tpu.dma_semaphore, #tpu.memory_space<semaphore_mem>>)
    %dma_start3A_46 = arith.constant 1 : i32
    %dma_start3A_47 = arith.constant 1 : i32
    %dma_start3A_48 = arith.constant 0 : i32
    %dma_start3A_49 = tpu.memref_slice %arg8[%dma_start3A_47, %dma_start3A_48] : memref<6x72xi32, #tpu.memory_space<vmem>> -> memref<1x72xi32, #tpu.memory_space<vmem>>
    %dma_start3A_50 = tpu.memref_squeeze %dma_start3A_49 : memref<1x72xi32, #tpu.memory_space<vmem>> -> memref<72xi32, #tpu.memory_space<vmem>>
    %dma_start3A_51 = arith.constant 0 : i32
    %dma_start3A_52 = tpu.memref_slice %arg4[%add3A, %dma_start3A_46, %dma_start3A_51] : memref<32x139x72xi32, #tpu.memory_space<hbm>> -> memref<1x1x72xi32, #tpu.memory_space<hbm>>
    %dma_start3A_53 = tpu.memref_squeeze %dma_start3A_52 : memref<1x1x72xi32, #tpu.memory_space<hbm>> -> memref<72xi32, #tpu.memory_space<hbm>>
    %dma_start3A_54 = arith.constant 0 : i32
    %dma_start3A_55 = tpu.memref_slice %arg8[%dma_start3A_47, %dma_start3A_54] : memref<6x72xi32, #tpu.memory_space<vmem>> -> memref<1x72xi32, #tpu.memory_space<vmem>>
    %dma_start3A_56 = tpu.memref_squeeze %dma_start3A_55 : memref<1x72xi32, #tpu.memory_space<vmem>> -> memref<72xi32, #tpu.memory_space<vmem>>
    %dma_start3A_57 = arith.constant 0 : i32
    %dma_start3A_58 = tpu.memref_slice %arg4[%add3A, %dma_start3A_46, %dma_start3A_57] : memref<32x139x72xi32, #tpu.memory_space<hbm>> -> memref<1x1x72xi32, #tpu.memory_space<hbm>>
    %dma_start3A_59 = tpu.memref_squeeze %dma_start3A_58 : memref<1x1x72xi32, #tpu.memory_space<hbm>> -> memref<72xi32, #tpu.memory_space<hbm>>
    tpu.enqueue_dma source(%dma_start3A_59 : memref<72xi32, #tpu.memory_space<hbm>>) target(%dma_start3A_56 : memref<72xi32, #tpu.memory_space<vmem>>) target_semaphore(%arg13 : memref<!tpu.dma_semaphore, #tpu.memory_space<semaphore_mem>>)
    %dma_start3A_60 = arith.constant 2 : i32
    %dma_start3A_61 = arith.constant 2 : i32
    %dma_start3A_62 = arith.constant 0 : i32
    %dma_start3A_63 = tpu.memref_slice %arg7[%dma_start3A_61, %dma_start3A_62] : memref<6x72xi32, #tpu.memory_space<vmem>> -> memref<1x72xi32, #tpu.memory_space<vmem>>
    %dma_start3A_64 = tpu.memref_squeeze %dma_start3A_63 : memref<1x72xi32, #tpu.memory_space<vmem>> -> memref<72xi32, #tpu.memory_space<vmem>>
    %dma_start3A_65 = arith.constant 0 : i32
    %dma_start3A_66 = tpu.memref_slice %arg3[%add3A, %dma_start3A_60, %dma_start3A_65] : memref<32x139x72xi32, #tpu.memory_space<hbm>> -> memref<1x1x72xi32, #tpu.memory_space<hbm>>
    %dma_start3A_67 = tpu.memref_squeeze %dma_start3A_66 : memref<1x1x72xi32, #tpu.memory_space<hbm>> -> memref<72xi32, #tpu.memory_space<hbm>>
    %dma_start3A_68 = arith.constant 0 : i32
    %dma_start3A_69 = tpu.memref_slice %arg7[%dma_start3A_61, %dma_start3A_68] : memref<6x72xi32, #tpu.memory_space<vmem>> -> memref<1x72xi32, #tpu.memory_space<vmem>>
    %dma_start3A_70 = tpu.memref_squeeze %dma_start3A_69 : memref<1x72xi32, #tpu.memory_space<vmem>> -> memref<72xi32, #tpu.memory_space<vmem>>
    %dma_start3A_71 = arith.constant 0 : i32
    %dma_start3A_72 = tpu.memref_slice %arg3[%add3A, %dma_start3A_60, %dma_start3A_71] : memref<32x139x72xi32, #tpu.memory_space<hbm>> -> memref<1x1x72xi32, #tpu.memory_space<hbm>>
    %dma_start3A_73 = tpu.memref_squeeze %dma_start3A_72 : memref<1x1x72xi32, #tpu.memory_space<hbm>> -> memref<72xi32, #tpu.memory_space<hbm>>
    tpu.enqueue_dma source(%dma_start3A_73 : memref<72xi32, #tpu.memory_space<hbm>>) target(%dma_start3A_70 : memref<72xi32, #tpu.memory_space<vmem>>) target_semaphore(%arg12 : memref<!tpu.dma_semaphore, #tpu.memory_space<semaphore_mem>>)
    %dma_start3A_74 = arith.constant 2 : i32
    %dma_start3A_75 = arith.constant 2 : i32
    %dma_start3A_76 = arith.constant 0 : i32
    %dma_start3A_77 = tpu.memref_slice %arg8[%dma_start3A_75, %dma_start3A_76] : memref<6x72xi32, #tpu.memory_space<vmem>> -> memref<1x72xi32, #tpu.memory_space<vmem>>
    %dma_start3A_78 = tpu.memref_squeeze %dma_start3A_77 : memref<1x72xi32, #tpu.memory_space<vmem>> -> memref<72xi32, #tpu.memory_space<vmem>>
    %dma_start3A_79 = arith.constant 0 : i32
    %dma_start3A_80 = tpu.memref_slice %arg4[%add3A, %dma_start3A_74, %dma_start3A_79] : memref<32x139x72xi32, #tpu.memory_space<hbm>> -> memref<1x1x72xi32, #tpu.memory_space<hbm>>
    %dma_start3A_81 = tpu.memref_squeeze %dma_start3A_80 : memref<1x1x72xi32, #tpu.memory_space<hbm>> -> memref<72xi32, #tpu.memory_space<hbm>>
    %dma_start3A_82 = arith.constant 0 : i32
    %dma_start3A_83 = tpu.memref_slice %arg8[%dma_start3A_75, %dma_start3A_82] : memref<6x72xi32, #tpu.memory_space<vmem>> -> memref<1x72xi32, #tpu.memory_space<vmem>>
    %dma_start3A_84 = tpu.memref_squeeze %dma_start3A_83 : memref<1x72xi32, #tpu.memory_space<vmem>> -> memref<72xi32, #tpu.memory_space<vmem>>
    %dma_start3A_85 = arith.constant 0 : i32
    %dma_start3A_86 = tpu.memref_slice %arg4[%add3A, %dma_start3A_74, %dma_start3A_85] : memref<32x139x72xi32, #tpu.memory_space<hbm>> -> memref<1x1x72xi32, #tpu.memory_space<hbm>>
    %dma_start3A_87 = tpu.memref_squeeze %dma_start3A_86 : memref<1x1x72xi32, #tpu.memory_space<hbm>> -> memref<72xi32, #tpu.memory_space<hbm>>
    tpu.enqueue_dma source(%dma_start3A_87 : memref<72xi32, #tpu.memory_space<hbm>>) target(%dma_start3A_84 : memref<72xi32, #tpu.memory_space<vmem>>) target_semaphore(%arg13 : memref<!tpu.dma_semaphore, #tpu.memory_space<semaphore_mem>>)
    %dma_start3A_88 = arith.constant 3 : i32
    %dma_start3A_89 = arith.constant 3 : i32
    %dma_start3A_90 = arith.constant 0 : i32
    %dma_start3A_91 = tpu.memref_slice %arg7[%dma_start3A_89, %dma_start3A_90] : memref<6x72xi32, #tpu.memory_space<vmem>> -> memref<1x72xi32, #tpu.memory_space<vmem>>
    %dma_start3A_92 = tpu.memref_squeeze %dma_start3A_91 : memref<1x72xi32, #tpu.memory_space<vmem>> -> memref<72xi32, #tpu.memory_space<vmem>>
    %dma_start3A_93 = arith.constant 0 : i32
    %dma_start3A_94 = tpu.memref_slice %arg3[%add3A, %dma_start3A_88, %dma_start3A_93] : memref<32x139x72xi32, #tpu.memory_space<hbm>> -> memref<1x1x72xi32, #tpu.memory_space<hbm>>
    %dma_start3A_95 = tpu.memref_squeeze %dma_start3A_94 : memref<1x1x72xi32, #tpu.memory_space<hbm>> -> memref<72xi32, #tpu.memory_space<hbm>>
    %dma_start3A_96 = arith.constant 0 : i32
    %dma_start3A_97 = tpu.memref_slice %arg7[%dma_start3A_89, %dma_start3A_96] : memref<6x72xi32, #tpu.memory_space<vmem>> -> memref<1x72xi32, #tpu.memory_space<vmem>>
    %dma_start3A_98 = tpu.memref_squeeze %dma_start3A_97 : memref<1x72xi32, #tpu.memory_space<vmem>> -> memref<72xi32, #tpu.memory_space<vmem>>
    %dma_start3A_99 = arith.constant 0 : i32
    %dma_start3A_100 = tpu.memref_slice %arg3[%add3A, %dma_start3A_88, %dma_start3A_99] : memref<32x139x72xi32, #tpu.memory_space<hbm>> -> memref<1x1x72xi32, #tpu.memory_space<hbm>>
    %dma_start3A_101 = tpu.memref_squeeze %dma_start3A_100 : memref<1x1x72xi32, #tpu.memory_space<hbm>> -> memref<72xi32, #tpu.memory_space<hbm>>
    tpu.enqueue_dma source(%dma_start3A_101 : memref<72xi32, #tpu.memory_space<hbm>>) target(%dma_start3A_98 : memref<72xi32, #tpu.memory_space<vmem>>) target_semaphore(%arg12 : memref<!tpu.dma_semaphore, #tpu.memory_space<semaphore_mem>>)
    %dma_start3A_102 = arith.constant 3 : i32
    %dma_start3A_103 = arith.constant 3 : i32
    %dma_start3A_104 = arith.constant 0 : i32
    %dma_start3A_105 = tpu.memref_slice %arg8[%dma_start3A_103, %dma_start3A_104] : memref<6x72xi32, #tpu.memory_space<vmem>> -> memref<1x72xi32, #tpu.memory_space<vmem>>
    %dma_start3A_106 = tpu.memref_squeeze %dma_start3A_105 : memref<1x72xi32, #tpu.memory_space<vmem>> -> memref<72xi32, #tpu.memory_space<vmem>>
    %dma_start3A_107 = arith.constant 0 : i32
    %dma_start3A_108 = tpu.memref_slice %arg4[%add3A, %dma_start3A_102, %dma_start3A_107] : memref<32x139x72xi32, #tpu.memory_space<hbm>> -> memref<1x1x72xi32, #tpu.memory_space<hbm>>
    %dma_start3A_109 = tpu.memref_squeeze %dma_start3A_108 : memref<1x1x72xi32, #tpu.memory_space<hbm>> -> memref<72xi32, #tpu.memory_space<hbm>>
    %dma_start3A_110 = arith.constant 0 : i32
    %dma_start3A_111 = tpu.memref_slice %arg8[%dma_start3A_103, %dma_start3A_110] : memref<6x72xi32, #tpu.memory_space<vmem>> -> memref<1x72xi32, #tpu.memory_space<vmem>>
    %dma_start3A_112 = tpu.memref_squeeze %dma_start3A_111 : memref<1x72xi32, #tpu.memory_space<vmem>> -> memref<72xi32, #tpu.memory_space<vmem>>
    %dma_start3A_113 = arith.constant 0 : i32
    %dma_start3A_114 = tpu.memref_slice %arg4[%add3A, %dma_start3A_102, %dma_start3A_113] : memref<32x139x72xi32, #tpu.memory_space<hbm>> -> memref<1x1x72xi32, #tpu.memory_space<hbm>>
    %dma_start3A_115 = tpu.memref_squeeze %dma_start3A_114 : memref<1x1x72xi32, #tpu.memory_space<hbm>> -> memref<72xi32, #tpu.memory_space<hbm>>
    tpu.enqueue_dma source(%dma_start3A_115 : memref<72xi32, #tpu.memory_space<hbm>>) target(%dma_start3A_112 : memref<72xi32, #tpu.memory_space<vmem>>) target_semaphore(%arg13 : memref<!tpu.dma_semaphore, #tpu.memory_space<semaphore_mem>>)
    %dma_start3A_116 = arith.constant 4 : i32
    %dma_start3A_117 = arith.constant 4 : i32
    %dma_start3A_118 = arith.constant 0 : i32
    %dma_start3A_119 = tpu.memref_slice %arg7[%dma_start3A_117, %dma_start3A_118] : memref<6x72xi32, #tpu.memory_space<vmem>> -> memref<1x72xi32, #tpu.memory_space<vmem>>
    %dma_start3A_120 = tpu.memref_squeeze %dma_start3A_119 : memref<1x72xi32, #tpu.memory_space<vmem>> -> memref<72xi32, #tpu.memory_space<vmem>>
    %dma_start3A_121 = arith.constant 0 : i32
    %dma_start3A_122 = tpu.memref_slice %arg3[%add3A, %dma_start3A_116, %dma_start3A_121] : memref<32x139x72xi32, #tpu.memory_space<hbm>> -> memref<1x1x72xi32, #tpu.memory_space<hbm>>
    %dma_start3A_123 = tpu.memref_squeeze %dma_start3A_122 : memref<1x1x72xi32, #tpu.memory_space<hbm>> -> memref<72xi32, #tpu.memory_space<hbm>>
    %dma_start3A_124 = arith.constant 0 : i32
    %dma_start3A_125 = tpu.memref_slice %arg7[%dma_start3A_117, %dma_start3A_124] : memref<6x72xi32, #tpu.memory_space<vmem>> -> memref<1x72xi32, #tpu.memory_space<vmem>>
    %dma_start3A_126 = tpu.memref_squeeze %dma_start3A_125 : memref<1x72xi32, #tpu.memory_space<vmem>> -> memref<72xi32, #tpu.memory_space<vmem>>
    %dma_start3A_127 = arith.constant 0 : i32
    %dma_start3A_128 = tpu.memref_slice %arg3[%add3A, %dma_start3A_116, %dma_start3A_127] : memref<32x139x72xi32, #tpu.memory_space<hbm>> -> memref<1x1x72xi32, #tpu.memory_space<hbm>>
    %dma_start3A_129 = tpu.memref_squeeze %dma_start3A_128 : memref<1x1x72xi32, #tpu.memory_space<hbm>> -> memref<72xi32, #tpu.memory_space<hbm>>
    tpu.enqueue_dma source(%dma_start3A_129 : memref<72xi32, #tpu.memory_space<hbm>>) target(%dma_start3A_126 : memref<72xi32, #tpu.memory_space<vmem>>) target_semaphore(%arg12 : memref<!tpu.dma_semaphore, #tpu.memory_space<semaphore_mem>>)
    %dma_start3A_130 = arith.constant 4 : i32
    %dma_start3A_131 = arith.constant 4 : i32
    %dma_start3A_132 = arith.constant 0 : i32
    %dma_start3A_133 = tpu.memref_slice %arg8[%dma_start3A_131, %dma_start3A_132] : memref<6x72xi32, #tpu.memory_space<vmem>> -> memref<1x72xi32, #tpu.memory_space<vmem>>
    %dma_start3A_134 = tpu.memref_squeeze %dma_start3A_133 : memref<1x72xi32, #tpu.memory_space<vmem>> -> memref<72xi32, #tpu.memory_space<vmem>>
    %dma_start3A_135 = arith.constant 0 : i32
    %dma_start3A_136 = tpu.memref_slice %arg4[%add3A, %dma_start3A_130, %dma_start3A_135] : memref<32x139x72xi32, #tpu.memory_space<hbm>> -> memref<1x1x72xi32, #tpu.memory_space<hbm>>
    %dma_start3A_137 = tpu.memref_squeeze %dma_start3A_136 : memref<1x1x72xi32, #tpu.memory_space<hbm>> -> memref<72xi32, #tpu.memory_space<hbm>>
    %dma_start3A_138 = arith.constant 0 : i32
    %dma_start3A_139 = tpu.memref_slice %arg8[%dma_start3A_131, %dma_start3A_138] : memref<6x72xi32, #tpu.memory_space<vmem>> -> memref<1x72xi32, #tpu.memory_space<vmem>>
    %dma_start3A_140 = tpu.memref_squeeze %dma_start3A_139 : memref<1x72xi32, #tpu.memory_space<vmem>> -> memref<72xi32, #tpu.memory_space<vmem>>
    %dma_start3A_141 = arith.constant 0 : i32
    %dma_start3A_142 = tpu.memref_slice %arg4[%add3A, %dma_start3A_130, %dma_start3A_141] : memref<32x139x72xi32, #tpu.memory_space<hbm>> -> memref<1x1x72xi32, #tpu.memory_space<hbm>>
    %dma_start3A_143 = tpu.memref_squeeze %dma_start3A_142 : memref<1x1x72xi32, #tpu.memory_space<hbm>> -> memref<72xi32, #tpu.memory_space<hbm>>
    tpu.enqueue_dma source(%dma_start3A_143 : memref<72xi32, #tpu.memory_space<hbm>>) target(%dma_start3A_140 : memref<72xi32, #tpu.memory_space<vmem>>) target_semaphore(%arg13 : memref<!tpu.dma_semaphore, #tpu.memory_space<semaphore_mem>>)
    %barrier3A = arith.constant 0 : index
    tpu.barrier barrier_id(%barrier3A)
    %dma_wait3A = arith.constant 0 : i32
    %dma_wait3A_144 = arith.constant 0 : i32
    %dma_wait3A_145 = arith.constant 0 : i32
    %dma_wait3A_146 = tpu.memref_slice %arg7[%dma_wait3A_144, %dma_wait3A_145] : memref<6x72xi32, #tpu.memory_space<vmem>> -> memref<1x72xi32, #tpu.memory_space<vmem>>
    %dma_wait3A_147 = tpu.memref_squeeze %dma_wait3A_146 : memref<1x72xi32, #tpu.memory_space<vmem>> -> memref<72xi32, #tpu.memory_space<vmem>>
    %dma_wait3A_148 = arith.constant 0 : i32
    %dma_wait3A_149 = tpu.memref_slice %arg3[%add3A, %dma_wait3A, %dma_wait3A_148] : memref<32x139x72xi32, #tpu.memory_space<hbm>> -> memref<1x1x72xi32, #tpu.memory_space<hbm>>
    %dma_wait3A_150 = tpu.memref_squeeze %dma_wait3A_149 : memref<1x1x72xi32, #tpu.memory_space<hbm>> -> memref<72xi32, #tpu.memory_space<hbm>>
    %dma_wait3A_151 = arith.constant 0 : i32
    %dma_wait3A_152 = tpu.memref_slice %arg7[%dma_wait3A_144, %dma_wait3A_151] : memref<6x72xi32, #tpu.memory_space<vmem>> -> memref<1x72xi32, #tpu.memory_space<vmem>>
    %dma_wait3A_153 = tpu.memref_squeeze %dma_wait3A_152 : memref<1x72xi32, #tpu.memory_space<vmem>> -> memref<72xi32, #tpu.memory_space<vmem>>
    %dma_wait3A_154 = arith.constant 0 : i32
    %dma_wait3A_155 = tpu.memref_slice %arg3[%add3A, %dma_wait3A, %dma_wait3A_154] : memref<32x139x72xi32, #tpu.memory_space<hbm>> -> memref<1x1x72xi32, #tpu.memory_space<hbm>>
    %dma_wait3A_156 = tpu.memref_squeeze %dma_wait3A_155 : memref<1x1x72xi32, #tpu.memory_space<hbm>> -> memref<72xi32, #tpu.memory_space<hbm>>
    tpu.wait_dma2 semaphore(%arg12 : memref<!tpu.dma_semaphore, #tpu.memory_space<semaphore_mem>>) src(%dma_wait3A_156 : memref<72xi32, #tpu.memory_space<hbm>>) dst(%dma_wait3A_153 : memref<72xi32, #tpu.memory_space<vmem>>)
    %dma_start3A_157 = arith.constant 0 : i32
    %dma_start3A_158 = arith.constant 0 : i32
    %dma_start3A_159 = arith.constant 0 : i32
    %dma_start3A_160 = arith.constant 0 : i32
    %dma_start3A_161 = tpu.memref_slice %arg9[%dma_start3A_158, %dma_start3A_159, %dma_start3A_160] : memref<5x72x128xf32, #tpu.memory_space<vmem>> -> memref<1x72x128xf32, #tpu.memory_space<vmem>>
    %dma_start3A_162 = tpu.memref_squeeze %dma_start3A_161 : memref<1x72x128xf32, #tpu.memory_space<vmem>> -> memref<72x128xf32, #tpu.memory_space<vmem>>
    %dma_start3A_163 = arith.constant 0 : i32
    %dma_start3A_164 = tpu.memref_slice %arg7[%dma_start3A_157, %dma_start3A_163] : memref<6x72xi32, #tpu.memory_space<vmem>> -> memref<1x72xi32, #tpu.memory_space<vmem>>
    %dma_start3A_165 = tpu.memref_squeeze %dma_start3A_164 : memref<1x72xi32, #tpu.memory_space<vmem>> -> memref<72xi32, #tpu.memory_space<vmem>>
    %dma_start3A_166 = arith.constant 0 : i32
    %dma_start3A_167 = arith.constant 0 : i32
    %dma_start3A_168 = tpu.memref_slice %arg2[%dma_start3A_166, %dma_start3A_167] : memref<10240x128xf32, #tpu.memory_space<hbm>> -> memref<10240x128xf32, #tpu.memory_space<hbm>>
    tpu.enqueue_indirect_dma source(%dma_start3A_168 : memref<10240x128xf32, #tpu.memory_space<hbm>>) target(%dma_start3A_162 : memref<72x128xf32, #tpu.memory_space<vmem>>) offsets(%dma_start3A_165 : memref<72xi32, #tpu.memory_space<vmem>>) semaphore(%arg11 : memref<!tpu.dma_semaphore, #tpu.memory_space<semaphore_mem>>)
    %dma_wait3A_169 = arith.constant 0 : i32
    %dma_wait3A_170 = arith.constant 1 : i32
    %dma_wait3A_171 = arith.constant 0 : i32
    %dma_wait3A_172 = tpu.memref_slice %arg7[%dma_wait3A_170, %dma_wait3A_171] : memref<6x72xi32, #tpu.memory_space<vmem>> -> memref<1x72xi32, #tpu.memory_space<vmem>>
    %dma_wait3A_173 = tpu.memref_squeeze %dma_wait3A_172 : memref<1x72xi32, #tpu.memory_space<vmem>> -> memref<72xi32, #tpu.memory_space<vmem>>
    %dma_wait3A_174 = arith.constant 0 : i32
    %dma_wait3A_175 = tpu.memref_slice %arg3[%add3A, %dma_wait3A_169, %dma_wait3A_174] : memref<32x139x72xi32, #tpu.memory_space<hbm>> -> memref<1x1x72xi32, #tpu.memory_space<hbm>>
    %dma_wait3A_176 = tpu.memref_squeeze %dma_wait3A_175 : memref<1x1x72xi32, #tpu.memory_space<hbm>> -> memref<72xi32, #tpu.memory_space<hbm>>
    %dma_wait3A_177 = arith.constant 0 : i32
    %dma_wait3A_178 = tpu.memref_slice %arg7[%dma_wait3A_170, %dma_wait3A_177] : memref<6x72xi32, #tpu.memory_space<vmem>> -> memref<1x72xi32, #tpu.memory_space<vmem>>
    %dma_wait3A_179 = tpu.memref_squeeze %dma_wait3A_178 : memref<1x72xi32, #tpu.memory_space<vmem>> -> memref<72xi32, #tpu.memory_space<vmem>>
    %dma_wait3A_180 = arith.constant 0 : i32
    %dma_wait3A_181 = tpu.memref_slice %arg3[%add3A, %dma_wait3A_169, %dma_wait3A_180] : memref<32x139x72xi32, #tpu.memory_space<hbm>> -> memref<1x1x72xi32, #tpu.memory_space<hbm>>
    %dma_wait3A_182 = tpu.memref_squeeze %dma_wait3A_181 : memref<1x1x72xi32, #tpu.memory_space<hbm>> -> memref<72xi32, #tpu.memory_space<hbm>>
    tpu.wait_dma2 semaphore(%arg12 : memref<!tpu.dma_semaphore, #tpu.memory_space<semaphore_mem>>) src(%dma_wait3A_182 : memref<72xi32, #tpu.memory_space<hbm>>) dst(%dma_wait3A_179 : memref<72xi32, #tpu.memory_space<vmem>>)
    %dma_start3A_183 = arith.constant 1 : i32
    %dma_start3A_184 = arith.constant 1 : i32
    %dma_start3A_185 = arith.constant 0 : i32
    %dma_start3A_186 = arith.constant 0 : i32
    %dma_start3A_187 = tpu.memref_slice %arg9[%dma_start3A_184, %dma_start3A_185, %dma_start3A_186] : memref<5x72x128xf32, #tpu.memory_space<vmem>> -> memref<1x72x128xf32, #tpu.memory_space<vmem>>
    %dma_start3A_188 = tpu.memref_squeeze %dma_start3A_187 : memref<1x72x128xf32, #tpu.memory_space<vmem>> -> memref<72x128xf32, #tpu.memory_space<vmem>>
    %dma_start3A_189 = arith.constant 0 : i32
    %dma_start3A_190 = tpu.memref_slice %arg7[%dma_start3A_183, %dma_start3A_189] : memref<6x72xi32, #tpu.memory_space<vmem>> -> memref<1x72xi32, #tpu.memory_space<vmem>>
    %dma_start3A_191 = tpu.memref_squeeze %dma_start3A_190 : memref<1x72xi32, #tpu.memory_space<vmem>> -> memref<72xi32, #tpu.memory_space<vmem>>
    %dma_start3A_192 = arith.constant 0 : i32
    %dma_start3A_193 = arith.constant 0 : i32
    %dma_start3A_194 = tpu.memref_slice %arg2[%dma_start3A_192, %dma_start3A_193] : memref<10240x128xf32, #tpu.memory_space<hbm>> -> memref<10240x128xf32, #tpu.memory_space<hbm>>
    tpu.enqueue_indirect_dma source(%dma_start3A_194 : memref<10240x128xf32, #tpu.memory_space<hbm>>) target(%dma_start3A_188 : memref<72x128xf32, #tpu.memory_space<vmem>>) offsets(%dma_start3A_191 : memref<72xi32, #tpu.memory_space<vmem>>) semaphore(%arg11 : memref<!tpu.dma_semaphore, #tpu.memory_space<semaphore_mem>>)
    %dma_wait3A_195 = arith.constant 0 : i32
    %dma_wait3A_196 = arith.constant 2 : i32
    %dma_wait3A_197 = arith.constant 0 : i32
    %dma_wait3A_198 = tpu.memref_slice %arg7[%dma_wait3A_196, %dma_wait3A_197] : memref<6x72xi32, #tpu.memory_space<vmem>> -> memref<1x72xi32, #tpu.memory_space<vmem>>
    %dma_wait3A_199 = tpu.memref_squeeze %dma_wait3A_198 : memref<1x72xi32, #tpu.memory_space<vmem>> -> memref<72xi32, #tpu.memory_space<vmem>>
    %dma_wait3A_200 = arith.constant 0 : i32
    %dma_wait3A_201 = tpu.memref_slice %arg3[%add3A, %dma_wait3A_195, %dma_wait3A_200] : memref<32x139x72xi32, #tpu.memory_space<hbm>> -> memref<1x1x72xi32, #tpu.memory_space<hbm>>
    %dma_wait3A_202 = tpu.memref_squeeze %dma_wait3A_201 : memref<1x1x72xi32, #tpu.memory_space<hbm>> -> memref<72xi32, #tpu.memory_space<hbm>>
    %dma_wait3A_203 = arith.constant 0 : i32
    %dma_wait3A_204 = tpu.memref_slice %arg7[%dma_wait3A_196, %dma_wait3A_203] : memref<6x72xi32, #tpu.memory_space<vmem>> -> memref<1x72xi32, #tpu.memory_space<vmem>>
    %dma_wait3A_205 = tpu.memref_squeeze %dma_wait3A_204 : memref<1x72xi32, #tpu.memory_space<vmem>> -> memref<72xi32, #tpu.memory_space<vmem>>
    %dma_wait3A_206 = arith.constant 0 : i32
    %dma_wait3A_207 = tpu.memref_slice %arg3[%add3A, %dma_wait3A_195, %dma_wait3A_206] : memref<32x139x72xi32, #tpu.memory_space<hbm>> -> memref<1x1x72xi32, #tpu.memory_space<hbm>>
    %dma_wait3A_208 = tpu.memref_squeeze %dma_wait3A_207 : memref<1x1x72xi32, #tpu.memory_space<hbm>> -> memref<72xi32, #tpu.memory_space<hbm>>
    tpu.wait_dma2 semaphore(%arg12 : memref<!tpu.dma_semaphore, #tpu.memory_space<semaphore_mem>>) src(%dma_wait3A_208 : memref<72xi32, #tpu.memory_space<hbm>>) dst(%dma_wait3A_205 : memref<72xi32, #tpu.memory_space<vmem>>)
    %dma_start3A_209 = arith.constant 2 : i32
    %dma_start3A_210 = arith.constant 2 : i32
    %dma_start3A_211 = arith.constant 0 : i32
    %dma_start3A_212 = arith.constant 0 : i32
    %dma_start3A_213 = tpu.memref_slice %arg9[%dma_start3A_210, %dma_start3A_211, %dma_start3A_212] : memref<5x72x128xf32, #tpu.memory_space<vmem>> -> memref<1x72x128xf32, #tpu.memory_space<vmem>>
    %dma_start3A_214 = tpu.memref_squeeze %dma_start3A_213 : memref<1x72x128xf32, #tpu.memory_space<vmem>> -> memref<72x128xf32, #tpu.memory_space<vmem>>
    %dma_start3A_215 = arith.constant 0 : i32
    %dma_start3A_216 = tpu.memref_slice %arg7[%dma_start3A_209, %dma_start3A_215] : memref<6x72xi32, #tpu.memory_space<vmem>> -> memref<1x72xi32, #tpu.memory_space<vmem>>
    %dma_start3A_217 = tpu.memref_squeeze %dma_start3A_216 : memref<1x72xi32, #tpu.memory_space<vmem>> -> memref<72xi32, #tpu.memory_space<vmem>>
    %dma_start3A_218 = arith.constant 0 : i32
    %dma_start3A_219 = arith.constant 0 : i32
    %dma_start3A_220 = tpu.memref_slice %arg2[%dma_start3A_218, %dma_start3A_219] : memref<10240x128xf32, #tpu.memory_space<hbm>> -> memref<10240x128xf32, #tpu.memory_space<hbm>>
    tpu.enqueue_indirect_dma source(%dma_start3A_220 : memref<10240x128xf32, #tpu.memory_space<hbm>>) target(%dma_start3A_214 : memref<72x128xf32, #tpu.memory_space<vmem>>) offsets(%dma_start3A_217 : memref<72xi32, #tpu.memory_space<vmem>>) semaphore(%arg11 : memref<!tpu.dma_semaphore, #tpu.memory_space<semaphore_mem>>)
    %dma_wait3A_221 = arith.constant 0 : i32
    %dma_wait3A_222 = arith.constant 3 : i32
    %dma_wait3A_223 = arith.constant 0 : i32
    %dma_wait3A_224 = tpu.memref_slice %arg7[%dma_wait3A_222, %dma_wait3A_223] : memref<6x72xi32, #tpu.memory_space<vmem>> -> memref<1x72xi32, #tpu.memory_space<vmem>>
    %dma_wait3A_225 = tpu.memref_squeeze %dma_wait3A_224 : memref<1x72xi32, #tpu.memory_space<vmem>> -> memref<72xi32, #tpu.memory_space<vmem>>
    %dma_wait3A_226 = arith.constant 0 : i32
    %dma_wait3A_227 = tpu.memref_slice %arg3[%add3A, %dma_wait3A_221, %dma_wait3A_226] : memref<32x139x72xi32, #tpu.memory_space<hbm>> -> memref<1x1x72xi32, #tpu.memory_space<hbm>>
    %dma_wait3A_228 = tpu.memref_squeeze %dma_wait3A_227 : memref<1x1x72xi32, #tpu.memory_space<hbm>> -> memref<72xi32, #tpu.memory_space<hbm>>
    %dma_wait3A_229 = arith.constant 0 : i32
    %dma_wait3A_230 = tpu.memref_slice %arg7[%dma_wait3A_222, %dma_wait3A_229] : memref<6x72xi32, #tpu.memory_space<vmem>> -> memref<1x72xi32, #tpu.memory_space<vmem>>
    %dma_wait3A_231 = tpu.memref_squeeze %dma_wait3A_230 : memref<1x72xi32, #tpu.memory_space<vmem>> -> memref<72xi32, #tpu.memory_space<vmem>>
    %dma_wait3A_232 = arith.constant 0 : i32
    %dma_wait3A_233 = tpu.memref_slice %arg3[%add3A, %dma_wait3A_221, %dma_wait3A_232] : memref<32x139x72xi32, #tpu.memory_space<hbm>> -> memref<1x1x72xi32, #tpu.memory_space<hbm>>
    %dma_wait3A_234 = tpu.memref_squeeze %dma_wait3A_233 : memref<1x1x72xi32, #tpu.memory_space<hbm>> -> memref<72xi32, #tpu.memory_space<hbm>>
    tpu.wait_dma2 semaphore(%arg12 : memref<!tpu.dma_semaphore, #tpu.memory_space<semaphore_mem>>) src(%dma_wait3A_234 : memref<72xi32, #tpu.memory_space<hbm>>) dst(%dma_wait3A_231 : memref<72xi32, #tpu.memory_space<vmem>>)
    %dma_start3A_235 = arith.constant 3 : i32
    %dma_start3A_236 = arith.constant 3 : i32
    %dma_start3A_237 = arith.constant 0 : i32
    %dma_start3A_238 = arith.constant 0 : i32
    %dma_start3A_239 = tpu.memref_slice %arg9[%dma_start3A_236, %dma_start3A_237, %dma_start3A_238] : memref<5x72x128xf32, #tpu.memory_space<vmem>> -> memref<1x72x128xf32, #tpu.memory_space<vmem>>
    %dma_start3A_240 = tpu.memref_squeeze %dma_start3A_239 : memref<1x72x128xf32, #tpu.memory_space<vmem>> -> memref<72x128xf32, #tpu.memory_space<vmem>>
    %dma_start3A_241 = arith.constant 0 : i32
    %dma_start3A_242 = tpu.memref_slice %arg7[%dma_start3A_235, %dma_start3A_241] : memref<6x72xi32, #tpu.memory_space<vmem>> -> memref<1x72xi32, #tpu.memory_space<vmem>>
    %dma_start3A_243 = tpu.memref_squeeze %dma_start3A_242 : memref<1x72xi32, #tpu.memory_space<vmem>> -> memref<72xi32, #tpu.memory_space<vmem>>
    %dma_start3A_244 = arith.constant 0 : i32
    %dma_start3A_245 = arith.constant 0 : i32
    %dma_start3A_246 = tpu.memref_slice %arg2[%dma_start3A_244, %dma_start3A_245] : memref<10240x128xf32, #tpu.memory_space<hbm>> -> memref<10240x128xf32, #tpu.memory_space<hbm>>
    tpu.enqueue_indirect_dma source(%dma_start3A_246 : memref<10240x128xf32, #tpu.memory_space<hbm>>) target(%dma_start3A_240 : memref<72x128xf32, #tpu.memory_space<vmem>>) offsets(%dma_start3A_243 : memref<72xi32, #tpu.memory_space<vmem>>) semaphore(%arg11 : memref<!tpu.dma_semaphore, #tpu.memory_space<semaphore_mem>>)
    %scan3A = arith.constant 0 : i32
    %scan3A_247 = arith.constant 0 : i32
    %scan3A_248 = arith.constant 139 : i32
    %scan3A_249 = arith.addi %scan3A_247, %scan3A_248 : i32
    %scan3A_250 = arith.constant 1 : i32
    scf.for %scan3A_257 = %scan3A_247 to %scan3A_249 step %scan3A_250  : i32 {
      %add3A_258 = arith.constant 5 : i32
      %add3A_259 = arith.addi %scan3A_257, %add3A_258 : i32
      %lt3A = arith.constant 139 : i32
      %lt3A_260 = arith.cmpi slt, %add3A_259, %lt3A : i32
      %convert_element_type3A = arith.extui %lt3A_260 : i1 to i32
      %cond3A = arith.constant 0 : i32
      %cond3A_261 = arith.cmpi ne, %convert_element_type3A, %cond3A : i32
      scf.if %cond3A_261 {
        %add3A_297 = arith.constant 5 : i32
        %add3A_298 = arith.addi %scan3A_257, %add3A_297 : i32
        %rem3A_299 = arith.constant 6 : i32
        %rem3A_300 = arith.remsi %add3A_298, %rem3A_299 : i32
        %add3A_301 = arith.constant 5 : i32
        %add3A_302 = arith.addi %scan3A_257, %add3A_301 : i32
        %dma_start3A_303 = arith.constant 0 : i32
        %dma_start3A_304 = tpu.memref_slice %arg7[%rem3A_300, %dma_start3A_303] : memref<6x72xi32, #tpu.memory_space<vmem>> -> memref<1x72xi32, #tpu.memory_space<vmem>>
        %dma_start3A_305 = tpu.memref_squeeze %dma_start3A_304 : memref<1x72xi32, #tpu.memory_space<vmem>> -> memref<72xi32, #tpu.memory_space<vmem>>
        %dma_start3A_306 = arith.constant 0 : i32
        %dma_start3A_307 = tpu.memref_slice %arg3[%add3A, %add3A_302, %dma_start3A_306] : memref<32x139x72xi32, #tpu.memory_space<hbm>> -> memref<1x1x72xi32, #tpu.memory_space<hbm>>
        %dma_start3A_308 = tpu.memref_squeeze %dma_start3A_307 : memref<1x1x72xi32, #tpu.memory_space<hbm>> -> memref<72xi32, #tpu.memory_space<hbm>>
        %dma_start3A_309 = arith.constant 0 : i32
        %dma_start3A_310 = tpu.memref_slice %arg7[%rem3A_300, %dma_start3A_309] : memref<6x72xi32, #tpu.memory_space<vmem>> -> memref<1x72xi32, #tpu.memory_space<vmem>>
        %dma_start3A_311 = tpu.memref_squeeze %dma_start3A_310 : memref<1x72xi32, #tpu.memory_space<vmem>> -> memref<72xi32, #tpu.memory_space<vmem>>
        %dma_start3A_312 = arith.constant 0 : i32
        %dma_start3A_313 = tpu.memref_slice %arg3[%add3A, %add3A_302, %dma_start3A_312] : memref<32x139x72xi32, #tpu.memory_space<hbm>> -> memref<1x1x72xi32, #tpu.memory_space<hbm>>
        %dma_start3A_314 = tpu.memref_squeeze %dma_start3A_313 : memref<1x1x72xi32, #tpu.memory_space<hbm>> -> memref<72xi32, #tpu.memory_space<hbm>>
        tpu.enqueue_dma source(%dma_start3A_314 : memref<72xi32, #tpu.memory_space<hbm>>) target(%dma_start3A_311 : memref<72xi32, #tpu.memory_space<vmem>>) target_semaphore(%arg12 : memref<!tpu.dma_semaphore, #tpu.memory_space<semaphore_mem>>)
        %add3A_315 = arith.constant 5 : i32
        %add3A_316 = arith.addi %scan3A_257, %add3A_315 : i32
        %dma_start3A_317 = arith.constant 0 : i32
        %dma_start3A_318 = tpu.memref_slice %arg8[%rem3A_300, %dma_start3A_317] : memref<6x72xi32, #tpu.memory_space<vmem>> -> memref<1x72xi32, #tpu.memory_space<vmem>>
        %dma_start3A_319 = tpu.memref_squeeze %dma_start3A_318 : memref<1x72xi32, #tpu.memory_space<vmem>> -> memref<72xi32, #tpu.memory_space<vmem>>
        %dma_start3A_320 = arith.constant 0 : i32
        %dma_start3A_321 = tpu.memref_slice %arg4[%add3A, %add3A_316, %dma_start3A_320] : memref<32x139x72xi32, #tpu.memory_space<hbm>> -> memref<1x1x72xi32, #tpu.memory_space<hbm>>
        %dma_start3A_322 = tpu.memref_squeeze %dma_start3A_321 : memref<1x1x72xi32, #tpu.memory_space<hbm>> -> memref<72xi32, #tpu.memory_space<hbm>>
        %dma_start3A_323 = arith.constant 0 : i32
        %dma_start3A_324 = tpu.memref_slice %arg8[%rem3A_300, %dma_start3A_323] : memref<6x72xi32, #tpu.memory_space<vmem>> -> memref<1x72xi32, #tpu.memory_space<vmem>>
        %dma_start3A_325 = tpu.memref_squeeze %dma_start3A_324 : memref<1x72xi32, #tpu.memory_space<vmem>> -> memref<72xi32, #tpu.memory_space<vmem>>
        %dma_start3A_326 = arith.constant 0 : i32
        %dma_start3A_327 = tpu.memref_slice %arg4[%add3A, %add3A_316, %dma_start3A_326] : memref<32x139x72xi32, #tpu.memory_space<hbm>> -> memref<1x1x72xi32, #tpu.memory_space<hbm>>
        %dma_start3A_328 = tpu.memref_squeeze %dma_start3A_327 : memref<1x1x72xi32, #tpu.memory_space<hbm>> -> memref<72xi32, #tpu.memory_space<hbm>>
        tpu.enqueue_dma source(%dma_start3A_328 : memref<72xi32, #tpu.memory_space<hbm>>) target(%dma_start3A_325 : memref<72xi32, #tpu.memory_space<vmem>>) target_semaphore(%arg13 : memref<!tpu.dma_semaphore, #tpu.memory_space<semaphore_mem>>)
      } else {
      }
      %add3A_262 = arith.constant 4 : i32
      %add3A_263 = arith.addi %scan3A_257, %add3A_262 : i32
      %lt3A_264 = arith.constant 139 : i32
      %lt3A_265 = arith.cmpi slt, %add3A_263, %lt3A_264 : i32
      %convert_element_type3A_266 = arith.extui %lt3A_265 : i1 to i32
      %cond3A_267 = arith.constant 0 : i32
      %cond3A_268 = arith.cmpi ne, %convert_element_type3A_266, %cond3A_267 : i32
      scf.if %cond3A_268 {
        %add3A_297 = arith.constant 4 : i32
        %add3A_298 = arith.addi %scan3A_257, %add3A_297 : i32
        %rem3A_299 = arith.constant 6 : i32
        %rem3A_300 = arith.remsi %add3A_298, %rem3A_299 : i32
        %dma_wait3A_301 = arith.constant 0 : i32
        %dma_wait3A_302 = arith.constant 0 : i32
        %dma_wait3A_303 = tpu.memref_slice %arg7[%rem3A_300, %dma_wait3A_302] : memref<6x72xi32, #tpu.memory_space<vmem>> -> memref<1x72xi32, #tpu.memory_space<vmem>>
        %dma_wait3A_304 = tpu.memref_squeeze %dma_wait3A_303 : memref<1x72xi32, #tpu.memory_space<vmem>> -> memref<72xi32, #tpu.memory_space<vmem>>
        %dma_wait3A_305 = arith.constant 0 : i32
        %dma_wait3A_306 = tpu.memref_slice %arg3[%add3A, %dma_wait3A_301, %dma_wait3A_305] : memref<32x139x72xi32, #tpu.memory_space<hbm>> -> memref<1x1x72xi32, #tpu.memory_space<hbm>>
        %dma_wait3A_307 = tpu.memref_squeeze %dma_wait3A_306 : memref<1x1x72xi32, #tpu.memory_space<hbm>> -> memref<72xi32, #tpu.memory_space<hbm>>
        %dma_wait3A_308 = arith.constant 0 : i32
        %dma_wait3A_309 = tpu.memref_slice %arg7[%rem3A_300, %dma_wait3A_308] : memref<6x72xi32, #tpu.memory_space<vmem>> -> memref<1x72xi32, #tpu.memory_space<vmem>>
        %dma_wait3A_310 = tpu.memref_squeeze %dma_wait3A_309 : memref<1x72xi32, #tpu.memory_space<vmem>> -> memref<72xi32, #tpu.memory_space<vmem>>
        %dma_wait3A_311 = arith.constant 0 : i32
        %dma_wait3A_312 = tpu.memref_slice %arg3[%add3A, %dma_wait3A_301, %dma_wait3A_311] : memref<32x139x72xi32, #tpu.memory_space<hbm>> -> memref<1x1x72xi32, #tpu.memory_space<hbm>>
        %dma_wait3A_313 = tpu.memref_squeeze %dma_wait3A_312 : memref<1x1x72xi32, #tpu.memory_space<hbm>> -> memref<72xi32, #tpu.memory_space<hbm>>
        tpu.wait_dma2 semaphore(%arg12 : memref<!tpu.dma_semaphore, #tpu.memory_space<semaphore_mem>>) src(%dma_wait3A_313 : memref<72xi32, #tpu.memory_space<hbm>>) dst(%dma_wait3A_310 : memref<72xi32, #tpu.memory_space<vmem>>)
        %add3A_314 = arith.constant 4 : i32
        %add3A_315 = arith.addi %scan3A_257, %add3A_314 : i32
        %rem3A_316 = arith.constant 5 : i32
        %rem3A_317 = arith.remsi %add3A_315, %rem3A_316 : i32
        %dma_start3A_318 = arith.constant 0 : i32
        %dma_start3A_319 = arith.constant 0 : i32
        %dma_start3A_320 = tpu.memref_slice %arg9[%rem3A_317, %dma_start3A_318, %dma_start3A_319] : memref<5x72x128xf32, #tpu.memory_space<vmem>> -> memref<1x72x128xf32, #tpu.memory_space<vmem>>
        %dma_start3A_321 = tpu.memref_squeeze %dma_start3A_320 : memref<1x72x128xf32, #tpu.memory_space<vmem>> -> memref<72x128xf32, #tpu.memory_space<vmem>>
        %dma_start3A_322 = arith.constant 0 : i32
        %dma_start3A_323 = tpu.memref_slice %arg7[%rem3A_300, %dma_start3A_322] : memref<6x72xi32, #tpu.memory_space<vmem>> -> memref<1x72xi32, #tpu.memory_space<vmem>>
        %dma_start3A_324 = tpu.memref_squeeze %dma_start3A_323 : memref<1x72xi32, #tpu.memory_space<vmem>> -> memref<72xi32, #tpu.memory_space<vmem>>
        %dma_start3A_325 = arith.constant 0 : i32
        %dma_start3A_326 = arith.constant 0 : i32
        %dma_start3A_327 = tpu.memref_slice %arg2[%dma_start3A_325, %dma_start3A_326] : memref<10240x128xf32, #tpu.memory_space<hbm>> -> memref<10240x128xf32, #tpu.memory_space<hbm>>
        tpu.enqueue_indirect_dma source(%dma_start3A_327 : memref<10240x128xf32, #tpu.memory_space<hbm>>) target(%dma_start3A_321 : memref<72x128xf32, #tpu.memory_space<vmem>>) offsets(%dma_start3A_324 : memref<72xi32, #tpu.memory_space<vmem>>) semaphore(%arg11 : memref<!tpu.dma_semaphore, #tpu.memory_space<semaphore_mem>>)
      } else {
      }
      %rem3A = arith.constant 5 : i32
      %rem3A_269 = arith.remsi %scan3A_257, %rem3A : i32
      %dma_wait3A_270 = arith.constant 0 : i32
      %dma_wait3A_271 = arith.constant 0 : i32
      %dma_wait3A_272 = arith.constant 0 : i32
      %dma_wait3A_273 = tpu.memref_slice %arg9[%rem3A_269, %dma_wait3A_271, %dma_wait3A_272] : memref<5x72x128xf32, #tpu.memory_space<vmem>> -> memref<1x72x128xf32, #tpu.memory_space<vmem>>
      %dma_wait3A_274 = tpu.memref_squeeze %dma_wait3A_273 : memref<1x72x128xf32, #tpu.memory_space<vmem>> -> memref<72x128xf32, #tpu.memory_space<vmem>>
      %dma_wait3A_275 = arith.constant 0 : i32
      %dma_wait3A_276 = tpu.memref_slice %arg7[%dma_wait3A_270, %dma_wait3A_275] : memref<6x72xi32, #tpu.memory_space<vmem>> -> memref<1x72xi32, #tpu.memory_space<vmem>>
      %dma_wait3A_277 = tpu.memref_squeeze %dma_wait3A_276 : memref<1x72xi32, #tpu.memory_space<vmem>> -> memref<72xi32, #tpu.memory_space<vmem>>
      %dma_wait3A_278 = arith.constant 0 : i32
      %dma_wait3A_279 = arith.constant 0 : i32
      %dma_wait3A_280 = tpu.memref_slice %arg2[%dma_wait3A_278, %dma_wait3A_279] : memref<10240x128xf32, #tpu.memory_space<hbm>> -> memref<10240x128xf32, #tpu.memory_space<hbm>>
      tpu.wait_indirect_dma semaphore(%arg11 : memref<!tpu.dma_semaphore, #tpu.memory_space<semaphore_mem>>) src(%dma_wait3A_280 : memref<10240x128xf32, #tpu.memory_space<hbm>>) dst(%dma_wait3A_274 : memref<72x128xf32, #tpu.memory_space<vmem>>)
      %dma_wait3A_281 = arith.constant 0 : i32
      %dma_wait3A_282 = arith.constant 0 : i32
      %dma_wait3A_283 = arith.constant 0 : i32
      %dma_wait3A_284 = tpu.memref_slice %arg8[%dma_wait3A_282, %dma_wait3A_283] : memref<6x72xi32, #tpu.memory_space<vmem>> -> memref<1x72xi32, #tpu.memory_space<vmem>>
      %dma_wait3A_285 = tpu.memref_squeeze %dma_wait3A_284 : memref<1x72xi32, #tpu.memory_space<vmem>> -> memref<72xi32, #tpu.memory_space<vmem>>
      %dma_wait3A_286 = arith.constant 0 : i32
      %dma_wait3A_287 = tpu.memref_slice %arg4[%add3A, %dma_wait3A_281, %dma_wait3A_286] : memref<32x139x72xi32, #tpu.memory_space<hbm>> -> memref<1x1x72xi32, #tpu.memory_space<hbm>>
      %dma_wait3A_288 = tpu.memref_squeeze %dma_wait3A_287 : memref<1x1x72xi32, #tpu.memory_space<hbm>> -> memref<72xi32, #tpu.memory_space<hbm>>
      %dma_wait3A_289 = arith.constant 0 : i32
      %dma_wait3A_290 = tpu.memref_slice %arg8[%dma_wait3A_282, %dma_wait3A_289] : memref<6x72xi32, #tpu.memory_space<vmem>> -> memref<1x72xi32, #tpu.memory_space<vmem>>
      %dma_wait3A_291 = tpu.memref_squeeze %dma_wait3A_290 : memref<1x72xi32, #tpu.memory_space<vmem>> -> memref<72xi32, #tpu.memory_space<vmem>>
      %dma_wait3A_292 = arith.constant 0 : i32
      %dma_wait3A_293 = tpu.memref_slice %arg4[%add3A, %dma_wait3A_281, %dma_wait3A_292] : memref<32x139x72xi32, #tpu.memory_space<hbm>> -> memref<1x1x72xi32, #tpu.memory_space<hbm>>
      %dma_wait3A_294 = tpu.memref_squeeze %dma_wait3A_293 : memref<1x1x72xi32, #tpu.memory_space<hbm>> -> memref<72xi32, #tpu.memory_space<hbm>>
      tpu.wait_dma2 semaphore(%arg13 : memref<!tpu.dma_semaphore, #tpu.memory_space<semaphore_mem>>) src(%dma_wait3A_294 : memref<72xi32, #tpu.memory_space<hbm>>) dst(%dma_wait3A_291 : memref<72xi32, #tpu.memory_space<vmem>>)
      %rem3A_295 = arith.constant 6 : i32
      %rem3A_296 = arith.remsi %scan3A_257, %rem3A_295 : i32
      "tpu.region"() ({
        %run_scoped3A = tpu.sem_alloc : memref<!tpu.dma_semaphore, #tpu.memory_space<semaphore_mem>>
        %dma_start3A_297 = arith.constant 0 : i32
        %dma_start3A_298 = arith.constant 0 : i32
        %dma_start3A_299 = tpu.memref_slice %arg9[%rem3A_269, %dma_start3A_297, %dma_start3A_298] : memref<5x72x128xf32, #tpu.memory_space<vmem>> -> memref<1x72x128xf32, #tpu.memory_space<vmem>>
        %dma_start3A_300 = tpu.memref_squeeze %dma_start3A_299 : memref<1x72x128xf32, #tpu.memory_space<vmem>> -> memref<72x128xf32, #tpu.memory_space<vmem>>
        %dma_start3A_301 = arith.constant 0 : i32
        %dma_start3A_302 = tpu.memref_slice %arg8[%rem3A_296, %dma_start3A_301] : memref<6x72xi32, #tpu.memory_space<vmem>> -> memref<1x72xi32, #tpu.memory_space<vmem>>
        %dma_start3A_303 = tpu.memref_squeeze %dma_start3A_302 : memref<1x72xi32, #tpu.memory_space<vmem>> -> memref<72xi32, #tpu.memory_space<vmem>>
        %dma_start3A_304 = arith.constant 0 : i32
        %dma_start3A_305 = arith.constant 0 : i32
        %dma_start3A_306 = tpu.memref_slice %arg10[%dma_start3A_304, %dma_start3A_305] : memref<10240x128xf32, #tpu.memory_space<vmem_shared>> -> memref<10240x128xf32, #tpu.memory_space<vmem_shared>>
        tpu.enqueue_indirect_dma source(%dma_start3A_300 : memref<72x128xf32, #tpu.memory_space<vmem>>) target(%dma_start3A_306 : memref<10240x128xf32, #tpu.memory_space<vmem_shared>>) offsets(%dma_start3A_303 : memref<72xi32, #tpu.memory_space<vmem>>) semaphore(%run_scoped3A : memref<!tpu.dma_semaphore, #tpu.memory_space<semaphore_mem>>) {add = true}
        %dma_wait3A_307 = arith.constant 0 : i32
        %dma_wait3A_308 = arith.constant 0 : i32
        %dma_wait3A_309 = tpu.memref_slice %arg9[%rem3A_269, %dma_wait3A_307, %dma_wait3A_308] : memref<5x72x128xf32, #tpu.memory_space<vmem>> -> memref<1x72x128xf32, #tpu.memory_space<vmem>>
        %dma_wait3A_310 = tpu.memref_squeeze %dma_wait3A_309 : memref<1x72x128xf32, #tpu.memory_space<vmem>> -> memref<72x128xf32, #tpu.memory_space<vmem>>
        %dma_wait3A_311 = arith.constant 0 : i32
        %dma_wait3A_312 = tpu.memref_slice %arg8[%rem3A_296, %dma_wait3A_311] : memref<6x72xi32, #tpu.memory_space<vmem>> -> memref<1x72xi32, #tpu.memory_space<vmem>>
        %dma_wait3A_313 = tpu.memref_squeeze %dma_wait3A_312 : memref<1x72xi32, #tpu.memory_space<vmem>> -> memref<72xi32, #tpu.memory_space<vmem>>
        %dma_wait3A_314 = arith.constant 0 : i32
        %dma_wait3A_315 = arith.constant 0 : i32
        %dma_wait3A_316 = tpu.memref_slice %arg10[%dma_wait3A_314, %dma_wait3A_315] : memref<10240x128xf32, #tpu.memory_space<vmem_shared>> -> memref<10240x128xf32, #tpu.memory_space<vmem_shared>>
        tpu.wait_indirect_dma semaphore(%run_scoped3A : memref<!tpu.dma_semaphore, #tpu.memory_space<semaphore_mem>>) src(%dma_wait3A_310 : memref<72x128xf32, #tpu.memory_space<vmem>>) dst(%dma_wait3A_316 : memref<10240x128xf32, #tpu.memory_space<vmem_shared>>)
        tpu.yield
      }) : () -> ()
    }
    %scan3A_251 = arith.constant 139 : i32
    %barrier3A_252 = arith.constant 0 : index
    tpu.barrier barrier_id(%barrier3A_252)
    %mul3A_253 = arith.constant 640 : i32
    %mul3A_254 = arith.muli %arg1, %mul3A_253 : i32
    %mul3A_255 = arith.constant 640 : i32
    %mul3A_256 = arith.muli %arg1, %mul3A_255 : i32
    "tpu.region"() ({
      %run_scoped3A = tpu.sem_alloc : memref<!tpu.dma_semaphore, #tpu.memory_space<semaphore_mem>>
      %dma_start3A_257 = arith.constant 0 : i32
      %dma_start3A_258 = tpu.memref_slice %arg6[%arg0, %mul3A_256, %dma_start3A_257] : memref<2x10240x128xf32, #tpu.memory_space<hbm>> -> memref<1x640x128xf32, #tpu.memory_space<hbm>>
      %dma_start3A_259 = tpu.memref_squeeze %dma_start3A_258 : memref<1x640x128xf32, #tpu.memory_space<hbm>> -> memref<640x128xf32, #tpu.memory_space<hbm>>
      %dma_start3A_260 = arith.constant 0 : i32
      %dma_start3A_261 = tpu.memref_slice %arg10[%mul3A_254, %dma_start3A_260] : memref<10240x128xf32, #tpu.memory_space<vmem_shared>> -> memref<640x128xf32, #tpu.memory_space<vmem_shared>>
      tpu.enqueue_dma source(%dma_start3A_261 : memref<640x128xf32, #tpu.memory_space<vmem_shared>>) target(%dma_start3A_259 : memref<640x128xf32, #tpu.memory_space<hbm>>) target_semaphore(%run_scoped3A : memref<!tpu.dma_semaphore, #tpu.memory_space<semaphore_mem>>)
      %dma_wait3A_262 = arith.constant 0 : i32
      %dma_wait3A_263 = tpu.memref_slice %arg6[%arg0, %mul3A_256, %dma_wait3A_262] : memref<2x10240x128xf32, #tpu.memory_space<hbm>> -> memref<1x640x128xf32, #tpu.memory_space<hbm>>
      %dma_wait3A_264 = tpu.memref_squeeze %dma_wait3A_263 : memref<1x640x128xf32, #tpu.memory_space<hbm>> -> memref<640x128xf32, #tpu.memory_space<hbm>>
      %dma_wait3A_265 = arith.constant 0 : i32
      %dma_wait3A_266 = tpu.memref_slice %arg10[%mul3A_254, %dma_wait3A_265] : memref<10240x128xf32, #tpu.memory_space<vmem_shared>> -> memref<640x128xf32, #tpu.memory_space<vmem_shared>>
      tpu.wait_dma2 semaphore(%run_scoped3A : memref<!tpu.dma_semaphore, #tpu.memory_space<semaphore_mem>>) src(%dma_wait3A_266 : memref<640x128xf32, #tpu.memory_space<vmem_shared>>) dst(%dma_wait3A_264 : memref<640x128xf32, #tpu.memory_space<hbm>>)
      tpu.yield
    }) : () -> ()
    return
  }
}

module attributes {stable_mosaic.version = 14 : i64} {
  func.func @_prep_body(%arg0: i32, %arg1: memref<2x512x128xf32, #tpu.memory_space<vmem>>, %arg2: memref<512x128xf32, #tpu.memory_space<vmem>>, %arg3: memref<512x128xf32, #tpu.memory_space<vmem>>, %arg4: memref<512x128xf32, #tpu.memory_space<vmem>>) attributes {dimension_semantics = [#tpu.dimension_semantics<arbitrary>], iteration_bounds = array<i64: 20>, scalar_prefetch = 0 : i64, scratch_operands = 0 : i64, tpu.core_type = #tpu.core_type<tc>, window_params = [{transform_indices = @transform_0, window_bounds = array<i64: 2, 512, 128>}, {transform_indices = @transform_1, window_bounds = array<i64: 512, 128>}, {transform_indices = @transform_2, window_bounds = array<i64: 512, 128>}, {transform_indices = @transform_3, window_bounds = array<i64: 512, 128>}]} {
    %get3A = arith.constant 0 : index
    %get3A_0 = arith.constant 0 : index
    %get3A_1 = arith.constant 0 : index
    %get3A_2 = vector.load %arg1[%get3A, %get3A_0, %get3A_1] : memref<2x512x128xf32, #tpu.memory_space<vmem>>, vector<1x512x128xf32>
    %get3A_3 = vector.shape_cast %get3A_2 : vector<1x512x128xf32> to vector<512x128xf32>
    %slice3A = vector.extract_strided_slice %get3A_3 {offsets = [0, 0], sizes = [512, 1], strides = [1, 1]} : vector<512x128xf32> to vector<512x1xf32>
    %get3A_4 = arith.constant 1 : index
    %get3A_5 = arith.constant 0 : index
    %get3A_6 = arith.constant 0 : index
    %get3A_7 = vector.load %arg1[%get3A_4, %get3A_5, %get3A_6] : memref<2x512x128xf32, #tpu.memory_space<vmem>>, vector<1x512x128xf32>
    %get3A_8 = vector.shape_cast %get3A_7 : vector<1x512x128xf32> to vector<512x128xf32>
    %slice3A_9 = vector.extract_strided_slice %get3A_8 {offsets = [0, 0], sizes = [512, 1], strides = [1, 1]} : vector<512x128xf32> to vector<512x1xf32>
    %add3A = arith.addf %slice3A, %slice3A_9 : vector<512x1xf32>
    %add3A_10 = arith.constant 1.000000e+00 : f32
    %add3A_11 = vector.broadcast %add3A_10 : f32 to vector<512x1xf32>
    %add3A_12 = arith.addf %add3A, %add3A_11 : vector<512x1xf32>
    %rsqrt3A = math.rsqrt %add3A_12 : vector<512x1xf32>
    %broadcast_in_dim3A = vector.shape_cast %rsqrt3A : vector<512x1xf32> to vector<512x1xf32>
    %broadcast_in_dim3A_13 = vector.broadcast %broadcast_in_dim3A : vector<512x1xf32> to vector<512x128xf32>
    %swap3A = arith.constant 0 : index
    %swap3A_14 = arith.constant 0 : index
    %swap3A_15 = vector.load %arg3[%swap3A, %swap3A_14] : memref<512x128xf32, #tpu.memory_space<vmem>>, vector<512x128xf32>
    tpu.vector_store %arg3[%swap3A, %swap3A_14], %broadcast_in_dim3A_13 {strides = array<i32>} : memref<512x128xf32, #tpu.memory_space<vmem>>, vector<512x128xf32>,
    %get3A_16 = arith.constant 0 : index
    %get3A_17 = arith.constant 0 : index
    %get3A_18 = vector.load %arg2[%get3A_16, %get3A_17] : memref<512x128xf32, #tpu.memory_space<vmem>>, vector<512x128xf32>
    %mul3A = arith.mulf %broadcast_in_dim3A_13, %get3A_18 : vector<512x128xf32>
    %swap3A_19 = arith.constant 0 : index
    %swap3A_20 = arith.constant 0 : index
    %swap3A_21 = vector.load %arg4[%swap3A_19, %swap3A_20] : memref<512x128xf32, #tpu.memory_space<vmem>>, vector<512x128xf32>
    tpu.vector_store %arg4[%swap3A_19, %swap3A_20], %mul3A {strides = array<i32>} : memref<512x128xf32, #tpu.memory_space<vmem>>, vector<512x128xf32>,
    return
  }
  func.func @transform_0(%arg0: i32) -> (i32, i32, i32) {
    %c0_i32 = arith.constant 0 : i32
    %c0_i32_0 = arith.constant 0 : i32
    %c0_i32_1 = arith.constant 0 : i32
    return %c0_i32, %arg0, %c0_i32_0 : i32, i32, i32
  }
  func.func @transform_1(%arg0: i32) -> (i32, i32) {
    %c0_i32 = arith.constant 0 : i32
    %c0_i32_0 = arith.constant 0 : i32
    return %arg0, %c0_i32 : i32, i32
  }
  func.func @transform_2(%arg0: i32) -> (i32, i32) {
    %c0_i32 = arith.constant 0 : i32
    %c0_i32_0 = arith.constant 0 : i32
    return %arg0, %c0_i32 : i32, i32
  }
  func.func @transform_3(%arg0: i32) -> (i32, i32) {
    %c0_i32 = arith.constant 0 : i32
    %c0_i32_0 = arith.constant 0 : i32
    return %arg0, %c0_i32 : i32, i32
  }
}

module attributes {stable_mosaic.version = 14 : i64} {
  func.func @_layer_body(%arg0: i32, %arg1: memref<2x512x128xf32, #tpu.memory_space<vmem>>, %arg2: memref<512x128xf32, #tpu.memory_space<vmem>>, %arg3: memref<512x128xf32, #tpu.memory_space<vmem>>, %arg4: memref<128x128xf32, #tpu.memory_space<vmem>>, %arg5: memref<1x128xf32, #tpu.memory_space<vmem>>, %arg6: memref<512x128xf32, #tpu.memory_space<vmem>>, %arg7: memref<512x128xf32, #tpu.memory_space<vmem>>) attributes {dimension_semantics = [#tpu.dimension_semantics<arbitrary>], iteration_bounds = array<i64: 20>, scalar_prefetch = 0 : i64, scratch_operands = 0 : i64, tpu.core_type = #tpu.core_type<tc>, window_params = [{transform_indices = @transform_0, window_bounds = array<i64: 2, 512, 128>}, {transform_indices = @transform_1, window_bounds = array<i64: 512, 128>}, {transform_indices = @transform_2, window_bounds = array<i64: 512, 128>}, {pipeline_mode = #tpu.pipeline_mode<synchronous>, transform_indices = @transform_3, window_bounds = array<i64: 128, 128>}, {pipeline_mode = #tpu.pipeline_mode<synchronous>, transform_indices = @transform_4, window_bounds = array<i64: 1, 128>}, {transform_indices = @transform_5, window_bounds = array<i64: 512, 128>}, {transform_indices = @transform_6, window_bounds = array<i64: 512, 128>}]} {
    %get3A = arith.constant 0 : index
    %get3A_0 = arith.constant 0 : index
    %get3A_1 = vector.load %arg3[%get3A, %get3A_0] : memref<512x128xf32, #tpu.memory_space<vmem>>, vector<512x128xf32>
    %get3A_2 = arith.constant 0 : index
    %get3A_3 = arith.constant 0 : index
    %get3A_4 = arith.constant 0 : index
    %get3A_5 = vector.load %arg1[%get3A_2, %get3A_3, %get3A_4] : memref<2x512x128xf32, #tpu.memory_space<vmem>>, vector<1x512x128xf32>
    %get3A_6 = vector.shape_cast %get3A_5 : vector<1x512x128xf32> to vector<512x128xf32>
    %get3A_7 = arith.constant 1 : index
    %get3A_8 = arith.constant 0 : index
    %get3A_9 = arith.constant 0 : index
    %get3A_10 = vector.load %arg1[%get3A_7, %get3A_8, %get3A_9] : memref<2x512x128xf32, #tpu.memory_space<vmem>>, vector<1x512x128xf32>
    %get3A_11 = vector.shape_cast %get3A_10 : vector<1x512x128xf32> to vector<512x128xf32>
    %add3A = arith.addf %get3A_6, %get3A_11 : vector<512x128xf32>
    %get3A_12 = arith.constant 0 : index
    %get3A_13 = arith.constant 0 : index
    %get3A_14 = vector.load %arg2[%get3A_12, %get3A_13] : memref<512x128xf32, #tpu.memory_space<vmem>>, vector<512x128xf32>
    %add3A_15 = arith.addf %add3A, %get3A_14 : vector<512x128xf32>
    %mul3A = arith.mulf %get3A_1, %add3A_15 : vector<512x128xf32>
    %get3A_16 = arith.constant 0 : index
    %get3A_17 = arith.constant 0 : index
    %get3A_18 = vector.load %arg4[%get3A_16, %get3A_17] : memref<128x128xf32, #tpu.memory_space<vmem>>, vector<128x128xf32>
    %dot_general3A = arith.constant dense<0.000000e+00> : vector<512x128xf32>
    %dot_general3A_19 = tpu.matmul %mul3A, %get3A_18, %dot_general3A {dimension_numbers = #tpu.dot_dimension_numbers<[1], [0], [0], [1], [0, 0, 1, 1], [], []>, precision = #tpu.contract_precision<fp32>, transpose_lhs_hint = false} : vector<512x128xf32>, vector<128x128xf32>, vector<512x128xf32> -> vector<512x128xf32>
    %get3A_20 = arith.constant 0 : index
    %get3A_21 = arith.constant 0 : index
    %get3A_22 = vector.load %arg5[%get3A_20, %get3A_21] : memref<1x128xf32, #tpu.memory_space<vmem>>, vector<1x128xf32>
    %add3A_23 = vector.broadcast %get3A_22 : vector<1x128xf32> to vector<512x128xf32>
    %add3A_24 = arith.addf %dot_general3A_19, %add3A_23 : vector<512x128xf32>
    %max3A = arith.constant 0.000000e+00 : f32
    %max3A_25 = vector.broadcast %max3A : f32 to vector<512x128xf32>
    %max3A_26 = arith.maximumf %add3A_24, %max3A_25 : vector<512x128xf32>
    %swap3A = arith.constant 0 : index
    %swap3A_27 = arith.constant 0 : index
    %swap3A_28 = vector.load %arg6[%swap3A, %swap3A_27] : memref<512x128xf32, #tpu.memory_space<vmem>>, vector<512x128xf32>
    tpu.vector_store %arg6[%swap3A, %swap3A_27], %max3A_26 {strides = array<i32>} : memref<512x128xf32, #tpu.memory_space<vmem>>, vector<512x128xf32>,
    %get3A_29 = arith.constant 0 : index
    %get3A_30 = arith.constant 0 : index
    %get3A_31 = vector.load %arg3[%get3A_29, %get3A_30] : memref<512x128xf32, #tpu.memory_space<vmem>>, vector<512x128xf32>
    %mul3A_32 = arith.mulf %get3A_31, %max3A_26 : vector<512x128xf32>
    %swap3A_33 = arith.constant 0 : index
    %swap3A_34 = arith.constant 0 : index
    %swap3A_35 = vector.load %arg7[%swap3A_33, %swap3A_34] : memref<512x128xf32, #tpu.memory_space<vmem>>, vector<512x128xf32>
    tpu.vector_store %arg7[%swap3A_33, %swap3A_34], %mul3A_32 {strides = array<i32>} : memref<512x128xf32, #tpu.memory_space<vmem>>, vector<512x128xf32>,
    return
  }
  func.func @transform_0(%arg0: i32) -> (i32, i32, i32) {
    %c0_i32 = arith.constant 0 : i32
    %c0_i32_0 = arith.constant 0 : i32
    %c0_i32_1 = arith.constant 0 : i32
    return %c0_i32, %arg0, %c0_i32_0 : i32, i32, i32
  }
  func.func @transform_1(%arg0: i32) -> (i32, i32) {
    %c0_i32 = arith.constant 0 : i32
    %c0_i32_0 = arith.constant 0 : i32
    return %arg0, %c0_i32 : i32, i32
  }
  func.func @transform_2(%arg0: i32) -> (i32, i32) {
    %c0_i32 = arith.constant 0 : i32
    %c0_i32_0 = arith.constant 0 : i32
    return %arg0, %c0_i32 : i32, i32
  }
  func.func @transform_3(%arg0: i32) -> (i32, i32) {
    %c0_i32 = arith.constant 0 : i32
    %c0_i32_0 = arith.constant 0 : i32
    %c0_i32_1 = arith.constant 0 : i32
    return %c0_i32, %c0_i32_0 : i32, i32
  }
  func.func @transform_4(%arg0: i32) -> (i32, i32) {
    %c0_i32 = arith.constant 0 : i32
    %c0_i32_0 = arith.constant 0 : i32
    %c0_i32_1 = arith.constant 0 : i32
    return %c0_i32, %c0_i32_0 : i32, i32
  }
  func.func @transform_5(%arg0: i32) -> (i32, i32) {
    %c0_i32 = arith.constant 0 : i32
    %c0_i32_0 = arith.constant 0 : i32
    return %arg0, %c0_i32 : i32, i32
  }
  func.func @transform_6(%arg0: i32) -> (i32, i32) {
    %c0_i32 = arith.constant 0 : i32
    %c0_i32_0 = arith.constant 0 : i32
    return %arg0, %c0_i32 : i32, i32
  }
}

module attributes {stable_mosaic.version = 14 : i64} {
  func.func @_layer_body(%arg0: i32, %arg1: memref<2x512x128xf32, #tpu.memory_space<vmem>>, %arg2: memref<512x128xf32, #tpu.memory_space<vmem>>, %arg3: memref<512x128xf32, #tpu.memory_space<vmem>>, %arg4: memref<128x128xf32, #tpu.memory_space<vmem>>, %arg5: memref<1x128xf32, #tpu.memory_space<vmem>>, %arg6: memref<512x128xf32, #tpu.memory_space<vmem>>, %arg7: memref<512x128xf32, #tpu.memory_space<vmem>>) attributes {dimension_semantics = [#tpu.dimension_semantics<arbitrary>], iteration_bounds = array<i64: 20>, scalar_prefetch = 0 : i64, scratch_operands = 0 : i64, tpu.core_type = #tpu.core_type<tc>, window_params = [{transform_indices = @transform_0, window_bounds = array<i64: 2, 512, 128>}, {transform_indices = @transform_1, window_bounds = array<i64: 512, 128>}, {transform_indices = @transform_2, window_bounds = array<i64: 512, 128>}, {pipeline_mode = #tpu.pipeline_mode<synchronous>, transform_indices = @transform_3, window_bounds = array<i64: 128, 128>}, {pipeline_mode = #tpu.pipeline_mode<synchronous>, transform_indices = @transform_4, window_bounds = array<i64: 1, 128>}, {transform_indices = @transform_5, window_bounds = array<i64: 512, 128>}, {transform_indices = @transform_6, window_bounds = array<i64: 512, 128>}]} {
    %get3A = arith.constant 0 : index
    %get3A_0 = arith.constant 0 : index
    %get3A_1 = vector.load %arg3[%get3A, %get3A_0] : memref<512x128xf32, #tpu.memory_space<vmem>>, vector<512x128xf32>
    %get3A_2 = arith.constant 0 : index
    %get3A_3 = arith.constant 0 : index
    %get3A_4 = arith.constant 0 : index
    %get3A_5 = vector.load %arg1[%get3A_2, %get3A_3, %get3A_4] : memref<2x512x128xf32, #tpu.memory_space<vmem>>, vector<1x512x128xf32>
    %get3A_6 = vector.shape_cast %get3A_5 : vector<1x512x128xf32> to vector<512x128xf32>
    %get3A_7 = arith.constant 1 : index
    %get3A_8 = arith.constant 0 : index
    %get3A_9 = arith.constant 0 : index
    %get3A_10 = vector.load %arg1[%get3A_7, %get3A_8, %get3A_9] : memref<2x512x128xf32, #tpu.memory_space<vmem>>, vector<1x512x128xf32>
    %get3A_11 = vector.shape_cast %get3A_10 : vector<1x512x128xf32> to vector<512x128xf32>
    %add3A = arith.addf %get3A_6, %get3A_11 : vector<512x128xf32>
    %get3A_12 = arith.constant 0 : index
    %get3A_13 = arith.constant 0 : index
    %get3A_14 = vector.load %arg2[%get3A_12, %get3A_13] : memref<512x128xf32, #tpu.memory_space<vmem>>, vector<512x128xf32>
    %add3A_15 = arith.addf %add3A, %get3A_14 : vector<512x128xf32>
    %mul3A = arith.mulf %get3A_1, %add3A_15 : vector<512x128xf32>
    %get3A_16 = arith.constant 0 : index
    %get3A_17 = arith.constant 0 : index
    %get3A_18 = vector.load %arg4[%get3A_16, %get3A_17] : memref<128x128xf32, #tpu.memory_space<vmem>>, vector<128x128xf32>
    %dot_general3A = arith.constant dense<0.000000e+00> : vector<512x128xf32>
    %dot_general3A_19 = tpu.matmul %mul3A, %get3A_18, %dot_general3A {dimension_numbers = #tpu.dot_dimension_numbers<[1], [0], [0], [1], [0, 0, 1, 1], [], []>, precision = #tpu.contract_precision<fp32>, transpose_lhs_hint = false} : vector<512x128xf32>, vector<128x128xf32>, vector<512x128xf32> -> vector<512x128xf32>
    %get3A_20 = arith.constant 0 : index
    %get3A_21 = arith.constant 0 : index
    %get3A_22 = vector.load %arg5[%get3A_20, %get3A_21] : memref<1x128xf32, #tpu.memory_space<vmem>>, vector<1x128xf32>
    %add3A_23 = vector.broadcast %get3A_22 : vector<1x128xf32> to vector<512x128xf32>
    %add3A_24 = arith.addf %dot_general3A_19, %add3A_23 : vector<512x128xf32>
    %max3A = arith.constant 0.000000e+00 : f32
    %max3A_25 = vector.broadcast %max3A : f32 to vector<512x128xf32>
    %max3A_26 = arith.maximumf %add3A_24, %max3A_25 : vector<512x128xf32>
    %swap3A = arith.constant 0 : index
    %swap3A_27 = arith.constant 0 : index
    %swap3A_28 = vector.load %arg6[%swap3A, %swap3A_27] : memref<512x128xf32, #tpu.memory_space<vmem>>, vector<512x128xf32>
    tpu.vector_store %arg6[%swap3A, %swap3A_27], %max3A_26 {strides = array<i32>} : memref<512x128xf32, #tpu.memory_space<vmem>>, vector<512x128xf32>,
    %get3A_29 = arith.constant 0 : index
    %get3A_30 = arith.constant 0 : index
    %get3A_31 = vector.load %arg3[%get3A_29, %get3A_30] : memref<512x128xf32, #tpu.memory_space<vmem>>, vector<512x128xf32>
    %mul3A_32 = arith.mulf %get3A_31, %max3A_26 : vector<512x128xf32>
    %swap3A_33 = arith.constant 0 : index
    %swap3A_34 = arith.constant 0 : index
    %swap3A_35 = vector.load %arg7[%swap3A_33, %swap3A_34] : memref<512x128xf32, #tpu.memory_space<vmem>>, vector<512x128xf32>
    tpu.vector_store %arg7[%swap3A_33, %swap3A_34], %mul3A_32 {strides = array<i32>} : memref<512x128xf32, #tpu.memory_space<vmem>>, vector<512x128xf32>,
    return
  }
  func.func @transform_0(%arg0: i32) -> (i32, i32, i32) {
    %c0_i32 = arith.constant 0 : i32
    %c0_i32_0 = arith.constant 0 : i32
    %c0_i32_1 = arith.constant 0 : i32
    return %c0_i32, %arg0, %c0_i32_0 : i32, i32, i32
  }
  func.func @transform_1(%arg0: i32) -> (i32, i32) {
    %c0_i32 = arith.constant 0 : i32
    %c0_i32_0 = arith.constant 0 : i32
    return %arg0, %c0_i32 : i32, i32
  }
  func.func @transform_2(%arg0: i32) -> (i32, i32) {
    %c0_i32 = arith.constant 0 : i32
    %c0_i32_0 = arith.constant 0 : i32
    return %arg0, %c0_i32 : i32, i32
  }
  func.func @transform_3(%arg0: i32) -> (i32, i32) {
    %c0_i32 = arith.constant 0 : i32
    %c0_i32_0 = arith.constant 0 : i32
    %c0_i32_1 = arith.constant 0 : i32
    return %c0_i32, %c0_i32_0 : i32, i32
  }
  func.func @transform_4(%arg0: i32) -> (i32, i32) {
    %c0_i32 = arith.constant 0 : i32
    %c0_i32_0 = arith.constant 0 : i32
    %c0_i32_1 = arith.constant 0 : i32
    return %c0_i32, %c0_i32_0 : i32, i32
  }
  func.func @transform_5(%arg0: i32) -> (i32, i32) {
    %c0_i32 = arith.constant 0 : i32
    %c0_i32_0 = arith.constant 0 : i32
    return %arg0, %c0_i32 : i32, i32
  }
  func.func @transform_6(%arg0: i32) -> (i32, i32) {
    %c0_i32 = arith.constant 0 : i32
    %c0_i32_0 = arith.constant 0 : i32
    return %arg0, %c0_i32 : i32, i32
  }
}

module attributes {stable_mosaic.version = 14 : i64} {
  func.func @_layer_body(%arg0: i32, %arg1: memref<2x512x128xf32, #tpu.memory_space<vmem>>, %arg2: memref<512x128xf32, #tpu.memory_space<vmem>>, %arg3: memref<512x128xf32, #tpu.memory_space<vmem>>, %arg4: memref<128x40xf32, #tpu.memory_space<vmem>>, %arg5: memref<1x40xf32, #tpu.memory_space<vmem>>, %arg6: memref<512x40xf32, #tpu.memory_space<vmem>>) attributes {dimension_semantics = [#tpu.dimension_semantics<arbitrary>], iteration_bounds = array<i64: 20>, scalar_prefetch = 0 : i64, scratch_operands = 0 : i64, tpu.core_type = #tpu.core_type<tc>, window_params = [{transform_indices = @transform_0, window_bounds = array<i64: 2, 512, 128>}, {transform_indices = @transform_1, window_bounds = array<i64: 512, 128>}, {transform_indices = @transform_2, window_bounds = array<i64: 512, 128>}, {pipeline_mode = #tpu.pipeline_mode<synchronous>, transform_indices = @transform_3, window_bounds = array<i64: 128, 40>}, {pipeline_mode = #tpu.pipeline_mode<synchronous>, transform_indices = @transform_4, window_bounds = array<i64: 1, 40>}, {transform_indices = @transform_5, window_bounds = array<i64: 512, 40>}]} {
    %get3A = arith.constant 0 : index
    %get3A_0 = arith.constant 0 : index
    %get3A_1 = vector.load %arg3[%get3A, %get3A_0] : memref<512x128xf32, #tpu.memory_space<vmem>>, vector<512x128xf32>
    %get3A_2 = arith.constant 0 : index
    %get3A_3 = arith.constant 0 : index
    %get3A_4 = arith.constant 0 : index
    %get3A_5 = vector.load %arg1[%get3A_2, %get3A_3, %get3A_4] : memref<2x512x128xf32, #tpu.memory_space<vmem>>, vector<1x512x128xf32>
    %get3A_6 = vector.shape_cast %get3A_5 : vector<1x512x128xf32> to vector<512x128xf32>
    %get3A_7 = arith.constant 1 : index
    %get3A_8 = arith.constant 0 : index
    %get3A_9 = arith.constant 0 : index
    %get3A_10 = vector.load %arg1[%get3A_7, %get3A_8, %get3A_9] : memref<2x512x128xf32, #tpu.memory_space<vmem>>, vector<1x512x128xf32>
    %get3A_11 = vector.shape_cast %get3A_10 : vector<1x512x128xf32> to vector<512x128xf32>
    %add3A = arith.addf %get3A_6, %get3A_11 : vector<512x128xf32>
    %get3A_12 = arith.constant 0 : index
    %get3A_13 = arith.constant 0 : index
    %get3A_14 = vector.load %arg2[%get3A_12, %get3A_13] : memref<512x128xf32, #tpu.memory_space<vmem>>, vector<512x128xf32>
    %add3A_15 = arith.addf %add3A, %get3A_14 : vector<512x128xf32>
    %mul3A = arith.mulf %get3A_1, %add3A_15 : vector<512x128xf32>
    %get3A_16 = arith.constant 0 : index
    %get3A_17 = arith.constant 0 : index
    %get3A_18 = vector.load %arg4[%get3A_16, %get3A_17] : memref<128x40xf32, #tpu.memory_space<vmem>>, vector<128x40xf32>
    %dot_general3A = arith.constant dense<0.000000e+00> : vector<512x40xf32>
    %dot_general3A_19 = tpu.matmul %mul3A, %get3A_18, %dot_general3A {dimension_numbers = #tpu.dot_dimension_numbers<[1], [0], [0], [1], [0, 0, 1, 1], [], []>, precision = #tpu.contract_precision<fp32>, transpose_lhs_hint = false} : vector<512x128xf32>, vector<128x40xf32>, vector<512x40xf32> -> vector<512x40xf32>
    %get3A_20 = arith.constant 0 : index
    %get3A_21 = arith.constant 0 : index
    %get3A_22 = vector.load %arg5[%get3A_20, %get3A_21] : memref<1x40xf32, #tpu.memory_space<vmem>>, vector<1x40xf32>
    %add3A_23 = vector.broadcast %get3A_22 : vector<1x40xf32> to vector<512x40xf32>
    %add3A_24 = arith.addf %dot_general3A_19, %add3A_23 : vector<512x40xf32>
    %swap3A = arith.constant 0 : index
    %swap3A_25 = arith.constant 0 : index
    %swap3A_26 = vector.load %arg6[%swap3A, %swap3A_25] : memref<512x40xf32, #tpu.memory_space<vmem>>, vector<512x40xf32>
    tpu.vector_store %arg6[%swap3A, %swap3A_25], %add3A_24 {strides = array<i32>} : memref<512x40xf32, #tpu.memory_space<vmem>>, vector<512x40xf32>,
    return
  }
  func.func @transform_0(%arg0: i32) -> (i32, i32, i32) {
    %c0_i32 = arith.constant 0 : i32
    %c0_i32_0 = arith.constant 0 : i32
    %c0_i32_1 = arith.constant 0 : i32
    return %c0_i32, %arg0, %c0_i32_0 : i32, i32, i32
  }
  func.func @transform_1(%arg0: i32) -> (i32, i32) {
    %c0_i32 = arith.constant 0 : i32
    %c0_i32_0 = arith.constant 0 : i32
    return %arg0, %c0_i32 : i32, i32
  }
  func.func @transform_2(%arg0: i32) -> (i32, i32) {
    %c0_i32 = arith.constant 0 : i32
    %c0_i32_0 = arith.constant 0 : i32
    return %arg0, %c0_i32 : i32, i32
  }
  func.func @transform_3(%arg0: i32) -> (i32, i32) {
    %c0_i32 = arith.constant 0 : i32
    %c0_i32_0 = arith.constant 0 : i32
    %c0_i32_1 = arith.constant 0 : i32
    return %c0_i32, %c0_i32_0 : i32, i32
  }
  func.func @transform_4(%arg0: i32) -> (i32, i32) {
    %c0_i32 = arith.constant 0 : i32
    %c0_i32_0 = arith.constant 0 : i32
    %c0_i32_1 = arith.constant 0 : i32
    return %c0_i32, %c0_i32_0 : i32, i32
  }
  func.func @transform_5(%arg0: i32) -> (i32, i32) {
    %c0_i32 = arith.constant 0 : i32
    %c0_i32_0 = arith.constant 0 : i32
    return %arg0, %c0_i32 : i32, i32
  }
}

</mosaic_0001>

<sc_bundles>
// kernel: kernel.10.cloned.1.call-start
scs
__scs_entry_jumppad:
0x0: {  	(pc) =	sbr.rel $0x88, $3  }
0x1: {  	(tag) =	ssettag $0x0;
	lr =	simm.s32 $0x1  }
0x2: {  	[smem:$0x3F99] =	sst lr;
	_ =	strace $0xD0000000  }
0x3: {  	_ = 	snop  }
0x4: {  	_ = 	snop  }
0x5: {  	_ = 	snop  }
0x6: {  	_ = 	snop  }
0x7: {  	_ = 	snop  }
__scs_overlays_trampoline_lowered:
0x8: {  	[smem:$0x3FA8] =	sst s0  }
0x9: {  	[smem:$0x3FA9] =	sst s1  }
0xa: {  	[smem:$0x3FAA] =	sst s2  }
0xb: {  	[smem:$0x3FAB] =	sst s3  }
0xc: {  	[smem:$0x3FAC] =	sst s4  }
0xd: {  	[smem:$0x3FAD] =	sst s5  }
0xe: {  	[smem:$0x3FAE] =	sst s6  }
0xf: {  	[smem:$0x3FAF] =	sst s7  }
0x10: {  	[smem:$0x3FB0] =	sst s8  }
0x11: {  	[smem:$0x3FB1] =	sst s9;
	s0 =	simm.s32 @!p0 $0x0  }
0x12: {  	s1 =	sld [smem:$0x3F97];
	s0 =	simm.s32 @p0 $0x1  }
0x13: {  	[smem:$0x3FB2] =	sst s0;
	s0 =	simm.s32 @!p1 $0x0  }
0x14: {  	s2 =	sld [smem:$0x3F96];
	s0 =	simm.s32 @p1 $0x1  }
0x15: {  	[smem:$0x3FB3] =	sst s0;
	s0 =	simm.s32 @!p2 $0x0  }
0x16: {  	s3 =	sld [smem:$0x3FDB];
	s0 =	simm.s32 @p2 $0x1  }
0x17: {  	s4 =	simm.s32 $0x1BF5;
	[smem:$0x3FB5] =	sst s0  }
0x18: {  	s0 =	sld [smem:$0x3F98];
	_ =	swait.ge [sflag:s4], $0x0  }
0x19: {  	s7 =	sld [smem:$0x3F99]  }
0x1a: {  	s8 =	sadd.s32 $0xFFFFE003, lr  }
0x1b: {  	s9 =	sadd.s32 $0xFFFFFEF7, lr;
	s5 =	simm.s32 $0xFFFFFFFF;
	p2 =	slt.u32 s8, $0xFFFFF086  }
0x1c: {  	p1 =	slt.u32 s9, $0xF7A;
	s5 =	simm.s32 @!p2 $0x0  }
0x1d: {  	s5 =	simm.s32 @p1 $0x1;
	p0 =	seq.s32 s7, s2  }
0x1e: {  	s7 =	smul.u32 @!p0 $0xF7A, s2;
	p2 =	seq.s32 @!p0 s5, $0x0  }
0x1f: {  	s9 =	smul.u32 $0xF7A, s1;
	s8 =	simm.s32 @!p0 $0x1BF5;
	p2 =	por !p2, p0  }
0x20: {  	[sflag:s8] =	ssyncset.s32 @!p0 $0xFFFFF086;
	s6 =	sadd.s32 @!p0 s3, s7;
	s7 =	simm.s32 @!p0 $0x108  }
0x21: {  	s3 =	sadd.s32 s3, s9;
	s6 =	sadd.s32 @!p0 $0x88, s6;
	s7 =	simm.s32 @p2 $0x1082  }
0x22: {  	[simem:s7], [sflag:s8] =	dma.local @!p0 [hbm:s6], $0xF7A  }
0x23: {  	s9 =	sor.u32 $0xD0000000, s2;
	s6 =	simm.s32 $0x108;
	_ =	swait.ge @!p0 [sflag:s8], $0x0  }
0x24: {  	s3 =	sadd.s32 $0x88, s3;
	s6 =	simm.s32 @!p1 $0x1082;
	[sflag:s4] =	ssyncset.s32 $0xFFFFF086  }
0x25: {  	[simem:s6], [sflag:s4] =	dma.local [hbm:s3], $0xF7A  }
0x26: {  	[smem:$0x3F99] =	sst s1;
	(tag) =	ssettag s2;
	_ =	strace s9  }
0x27: {  	s1 =	sld [smem:$0x3FA9]  }
0x28: {  	s2 =	sld [smem:$0x3FAA]  }
0x29: {  	s4 =	sld [smem:$0x3FAC]  }
0x2a: {  	p0 =	seq.s32 s5, $0x0;
	s5 =	sld [smem:$0x3FAD]  }
0x2b: {  	s6 =	sld [smem:$0x3FAE]  }
0x2c: {  	s7 =	sld [smem:$0x3FAF]  }
0x2d: {  	s3 =	simm.s32 $0x108;
	s8 =	sld [smem:$0x3FB0]  }
0x2e: {  	s3 =	simm.s32 @!p0 $0x1082;
	s9 =	sld [smem:$0x3FB1]  }
0x2f: {  	lr =	sadd.s32 s0, s3;
	s0 =	sld [smem:$0x3FA8]  }
0x30: {  	s3 =	sld [smem:$0x3FAB]  }
0x31: {  	[smem:$0x3FB4] =	sst s10  }
0x32: {  	s10 =	sld [smem:$0x3FB2];
	_ =	sdelay $0x3  }
0x33: {  	p0 =	seq.s32 s10, $0x1;
	s10 =	sld [smem:$0x3FB4];
	_ =	sdelay $0x3  }
0x34: {  	[smem:$0x3FB4] =	sst s10  }
0x35: {  	s10 =	sld [smem:$0x3FB3];
	_ =	sdelay $0x3  }
0x36: {  	p1 =	seq.s32 s10, $0x1;
	s10 =	sld [smem:$0x3FB4];
	_ =	sdelay $0x3  }
0x37: {  	[smem:$0x3FB4] =	sst s10  }
0x38: {  	s10 =	sld [smem:$0x3FB5]  }
0x39: {  	_ = 	snop;
	(pc) =	sbr.ind lr, $3  }
0x3a: {  	_ = 	snop  }
0x3b: {  	_ = 	snop  }
0x3c: {  	p2 =	seq.s32 s10, $0x1;
	s10 =	sld [smem:$0x3FB4]  }
0x3d: {  	_ =	shalt  }
0x3e: {  	_ =	shalt  }
0x3f: {  	_ =	shalt  }
0x40: {  	_ =	shalt  }
0x41: {  	_ =	shalt  }
0x42: {  	_ =	shalt  }
0x43: {  	_ =	shalt  }
0x44: {  	_ =	shalt  }
0x45: {  	_ =	shalt  }
0x46: {  	_ =	shalt  }
0x47: {  	_ =	shalt  }
0x48: {  	_ =	shalt  }
0x49: {  	_ =	shalt  }
0x4a: {  	_ =	shalt  }
0x4b: {  	_ =	shalt  }
0x4c: {  	_ =	shalt  }
0x4d: {  	_ =	shalt  }
0x4e: {  	_ =	shalt  }
0x4f: {  	_ =	shalt  }
0x50: {  	_ =	shalt  }
0x51: {  	_ =	shalt  }
0x52: {  	_ =	shalt  }
0x53: {  	_ =	shalt  }
0x54: {  	_ =	shalt  }
0x55: {  	_ =	shalt  }
0x56: {  	_ =	shalt  }
0x57: {  	_ =	shalt  }
0x58: {  	_ =	shalt  }
0x59: {  	_ =	shalt  }
0x5a: {  	_ =	shalt  }
0x5b: {  	_ =	shalt  }
0x5c: {  	_ =	shalt  }
0x5d: {  	_ =	shalt  }
0x5e: {  	_ =	shalt  }
0x5f: {  	_ =	shalt  }
0x60: {  	_ =	shalt  }
0x61: {  	_ =	shalt  }
0x62: {  	_ =	shalt  }
0x63: {  	_ =	shalt  }
0x64: {  	_ =	shalt  }
0x65: {  	_ =	shalt  }
0x66: {  	_ =	shalt  }
0x67: {  	_ =	shalt  }
0x68: {  	_ =	shalt  }
0x69: {  	_ =	shalt  }
0x6a: {  	_ =	shalt  }
0x6b: {  	_ =	shalt  }
0x6c: {  	_ =	shalt  }
0x6d: {  	_ =	shalt  }
0x6e: {  	_ =	shalt  }
0x6f: {  	_ =	shalt  }
0x70: {  	_ =	shalt  }
0x71: {  	_ =	shalt  }
0x72: {  	_ =	shalt  }
0x73: {  	_ =	shalt  }
0x74: {  	_ =	shalt  }
0x75: {  	_ =	shalt  }
0x76: {  	_ =	shalt  }
0x77: {  	_ =	shalt  }
0x78: {  	_ =	shalt  }
0x79: {  	_ =	shalt  }
0x7a: {  	_ =	shalt  }
0x7b: {  	_ =	shalt  }
0x7c: {  	_ =	shalt  }
0x7d: {  	_ =	shalt  }
0x7e: {  	_ =	shalt  }
0x7f: {  	_ =	shalt  }
0x80: {  	_ =	shalt  }
0x81: {  	_ =	shalt  }
0x82: {  	_ =	shalt  }
0x83: {  	_ =	shalt  }
0x84: {  	_ =	shalt  }
0x85: {  	_ =	shalt  }
0x86: {  	_ =	shalt  }
0x87: {  	_ =	shalt  }
.Lfunc_end0:
.L_simem_size_0:
called_computation_lowered:
.L_overlay_start_0:
0x88: {  	s2 =	sld [smem:$0x3FD9]  }
0x89: {  	s3 =	sld [smem:$0x3FFE];
	_ =	sdelay $0x1  }
0x8a: {  	s1 =	srdreg.scid  }
0x8b: {  	s0 =	sand.u32 $0x1, s1  }
0x8c: {  	s14 =	sshll.u32 s0, $0xA;
	s2 =	sadd.s32 s3, s2  }
0x8d: {  	s2 =	sadd.s32 s2, s14  }
0x8e: {  	[smem:$0x3FC0] =	sst s2  }
0x8f: {  	_ = 	snop  }
0x90: {  	s2 =	sld [smem:$0x3FD0];
	_ =	sdelay $0x2  }
0x91: {  	s15 =	simm.s32 $0xA;
	s4 =	simm.s32 $0x10  }
0x92: {  	[smem:s4], [sflag:s15] =	dma.local [hbm:s2], $0x1  }
0x93: {  	_ =	swait.eq [sflag:s15], $0x1  }
0x94: {  	[sflag:s15] =	ssyncset.done $0x0  }
0x95: {  	[sflag:s15] =	ssyncadd.s32 $0xFFFFFFFF  }
0x96: {  	s16 =	sld [smem:$0x11];
	(tm) =	ssettm $0x1  }
0x97: {  	s17 =	sld [smem:$0x3FFB];
	_ =	sdelay $0x3  }
0x98: {  	_ =	strace s17  }
0x99: {  	s3 =	sld [smem:$0x3FFC];
	_ =	sdelay $0x3  }
0x9a: {  	_ =	strace s3  }
0x9b: {  	s3 =	sld [smem:$0x3FFD];
	_ =	sdelay $0x3  }
0x9c: {  	_ =	strace s3  }
0x9d: {  	_ =	strace $0x8FFFFFFF  }
0x9e: {  	s18 =	sld [smem:$0x3FDB];
	_ =	sdelay $0x1  }
0x9f: {  	s19 =	simm.s32 $_scs_section_size  }
0xa0: {  	s5 =	simm.s32 $_size__tile_overlayer_lowered;
	s6 =	simm.s32 $_tile_overlayer_lowered  }
0xa1: {  	s22 =	simm.s32 $0x1BFF;
	s21 =	sshll.u32 s6, $0x1;
	s3 =	sadd.s32 s19, s18  }
0xa2: {  	s7 =	simm.s32 $0x0;
	s20 =	sshll.u32 s5, $0x1;
	s5 =	sadd.s32 s21, s3  }
0xa3: {  	[timem:s7], [sflag:s22] =	dma.local [hbm:s5], s20  }
0xa4: {  	_ =	swait.ge [sflag:s22], s20  }
0xa5: {  	s4 =	ssub.s32 $0x0, s20;
	[sflag:s22] =	ssyncset.done $0x0  }
0xa6: {  	[sflag:s22] =	ssyncadd.s32 s4;
	_ =	sdelay $0x1  }
0xa7: {  	s23 =	simm.s32 $0x1B8B  }
0xa8: {  	_ =	swait.ge [sflag:s23], $0x1  }
0xa9: {  	[sflag:s23] =	ssyncset.done $0x0  }
0xaa: {  	s25 =	simm.s32 $0x1B8E;
	s24 =	sld [smem:$0x3FFE];
	[sflag:s23] =	ssyncadd.s32 $0xFFFFFFFF  }
0xab: {  	s26 =	simm.s32 $execute0_lowered;
	[smem:$0x3FD2] =	sst s25  }
0xac: {  	s5 =	sshll.u32 s26, $0x1;
	_ =	strace $0x80000046;
	[dreg:$0x1] =	wrdreg $0xFFFFFFFF  }
0xad: {  	s28 =	simm.s32 $_size_execute0_lowered;
	s3 =	sadd.s32 s3, s5;
	[dreg:$0x0] =	wrdreg $0x0  }
0xae: {  	s5 =	sshll.u32 s28, $0x1;
	[dreg:$0x2] =	wrdreg s3  }
0xaf: {  	[dreg:$0x3] =	wrdreg s5  }
0xb0: {  	[dreg:$0x4] =	wrdreg $0xC0  }
0xb1: {  	_ =	task [dreg:s7], $0x5FFFF  }
0xb2: {  	[dreg:$0x1] =	wrdreg $0xFFFFFFFF  }
0xb3: {  	[dreg:$0x0] =	wrdreg $0x60  }
0xb4: {  	[dreg:$0x2] =	wrdreg s24  }
0xb5: {  	[dreg:$0x3] =	wrdreg s16  }
0xb6: {  	[dreg:$0x4] =	wrdreg $0x6C000  }
0xb7: {  	[dreg:$0x5] =	wrdreg $0x9  }
0xb8: {  	_ =	task.clear_ibuf [dreg:s7], $0x6FFFF;
	_ =	strace $0x90000046  }
0xb9: {  	s29 =	simm.s32 $0x9;
	_ =	strace $0x80000048  }
0xba: {  	_ =	swait.ge [sflag:s29], $0x1  }
0xbb: {  	[sflag:s29] =	ssyncadd.s32 $0xFFFFFFFF  }
0xbc: {  	_ =	strace $0x90000048  }
0xbd: {  	_ =	sfence  }
0xbe: {  	s30 =	sld [smem:$0x0];
	_ =	sdelay $0x2  }
0xbf: {  	s31 =	sshll.u32 s1, $0xD;
	s1 =	sshrl.u32 s1, $0x2  }
0xc0: {  	s3 =	sand.u32 $0x4000, s31;
	s1 =	sadd.s32 s1, s30  }
0xc1: {  	s0 =	sor.u32 s3, s0;
	s1 =	sshll.u32 s1, $0x11  }
0xc2: {  	s0 =	sor.u32 s1, s0  }
0xc3: {  	s0 =	sadd.s32 $0x8F2B, s0  }
0xc4: {  	[sflag:s0] =	ssyncadd.remote.s32 $0x1  }
0xc5: {  	_ =	sfence.sel $0xFFFF  }
0xc6: {  	[dreg:$0x0] =	wrdreg $0xFFFFFFFF;
	(pc) =	sbr.abs _section_cstart, $3  }
0xc7: {  	[dreg:$0x1] =	wrdreg $0xFFFFFFFF  }
0xc8: {  	_ =	task.clear_ibuf [dreg:s7], $0x2FFFF;
	_ =	strace $0x9FFFFFFF  }
0xc9: {  	(tm) =	ssettm $0x7FFFFFFF  }
tec
execute0_lowered:
.L_overlay_start_1:
0x0: {  	(tag) =	ssettag $0x1  }
0x1: {  	s6 =	rddreg [dreg:$0x0]  }
0x2: {  	s2 =	rddreg [dreg:$0x1]  }
0x3: {  	s0 =	srdreg.scid;
	s3 =	rddreg [dreg:$0x2];
	s4 =	simm.s32 $0x0  }
0x4: {  	s13 =	simm.s32 $0x48;
	s5 =	sand.u32 $0x1, s0;
	s0 =	stileid.u32  }
0x5: {  	s14 =	simm.s32 $0x0;
	[smem:$0x7FF] =	sst s4;
	s8 =	smul.u32 $0x14000, s0  }
0x6: {  	s1 =	sshll.u32 s5, $0x4;
	s9 =	smul.u32 $0x140000, s5;
	s5 =	ssub.s32 $0x2, s5  }
0x7: {  	s29 =	smul.u32 $0x50000, s0;
	s31 =	sshll.u32 s0, $0x6;
	s1 =	sor.u32 s0, s1  }
0x8: {  	s11 =	sshrl.u32 s5, $0x1;
	s7 =	smul.u32 $0x900, s1;
	s1 =	rddreg [dreg:$0x3]  }
0x9: {  	_ =	strace $0x80000047;
	s10 =	sshrl.u32 s8, $0x3;
	s8 =	sadd.s32 s8, s9  }
0xa: {  	s11 =	ssub.s32 s5, s11;
	s30 =	sshrl.u32 s29, $0x2;
	s9 =	simm.s32 $0x1  }
0xb: {  	s10 =	sadd.s32 s10, s6;
	s8 =	sshrl.u32 s8, $0x3;
	s12 =	sadd.s32 s30, s3  }
0xc: {  	s7 =	sadd.s32 s7, s6;
	s8 =	sadd.s32 s8, s6;
	s6 =	sadd.s32 $0x14E00, s10  }
0xd: {  	s10 =	simm.s32 $0x4800;
	s12 =	sshrl.u32 s12, $0x3;
	s5 =	sadd.s32 $0x2E00, s7  }
0xe: {  	s7 =	sadd.s32 $0x3CE00, s8;
	s8 =	smax.u32 s11, $0x1;
	s11 =	sor.u32 $0x1C01, s31  }
.LBB2_1:
0xf: {  	[tilespmem:s4], [sflag:$0x1] =	stream.linear.gather [hbm4b:s5+s4], $0x4580, $0x38;
	[tilespmem:$0x1AC00] =	vst v63  }
0x10: {  	_ =	swait.ge [sflag:s9], $0x4580  }
0x11: {  	[sflag:s9] =	ssyncset.done $0x0  }
0x12: {  	[sflag:s9] =	ssyncadd.s32 $0xFFFFBA80  }
0x13: {  	[tilespmem:s10], [sflag:$0x1] =	stream.linear.gather [hbm4b:s2+s4], $0x2400, $0x38;
	[tilespmem:$0x1AC00] =	vst v63  }
0x14: {  	_ =	swait.ge [sflag:s9], $0x2400  }
0x15: {  	[sflag:s9] =	ssyncset.done $0x0  }
0x16: {  	[sflag:s9] =	ssyncadd.s32 $0xFFFFDC00  }
0x17: {  	[spmem:s12], [sflag:s11] =	dma.local [hbm:s6], $0x2800  }
0x18: {  	_ =	swait.ge [sflag:s9], $0x2800  }
0x19: {  	[sflag:s9] =	ssyncset.done $0x0  }
0x1a: {  	[sflag:s9] =	ssyncadd.s32 $0xFFFFD800  }
0x1b: {  	s15 =	simm.s32 $0x0;
	[bflag:$0x0] =	sbarrier.arrive $0xFFFF  }
0x1c: {  	[spmem:s3] =	stream.indirect.scatter.add.f32 [tilespmem:s10], [sflag:$0x1], $0x80, s15, s13, $0xb8;
	[tilespmem:$0x1AC00] =	vst v63  }
0x1d: {  	_ =	swait.ge [sflag:s9], $0x2400  }
0x1e: {  	s15 =	simm.s32 $0x200;
	[sflag:s9] =	ssyncset.done $0x0  }
.LBB2_2:
0x1f: {  	s16 =	sshra.s32 s15, $0x2;
	[sflag:s9] =	ssyncadd.s32 $0xFFFFDC00;
	p0 =	sne.s32 s15, $0x11400  }
0x20: {  	[spmem:s3] =	stream.indirect.scatter.add.f32 [tilespmem:s10], [sflag:$0x1], $0x80, s16, s13, $0xb8;
	[tilespmem:$0x1AC00] =	vst v63  }
.Ltmp0:
0x21: {  	_ = 	snop;
	(pc) =	sbr.rel @p0 .LBB2_2-.Ltmp0, $4  }
0x22: {  	_ = 	snop  }
0x23: {  	s15 =	sadd.s32 $0x200, s15  }
0x24: {  	_ =	swait.ge [sflag:s9], $0x2400  }
0x25: {  	[sflag:s9] =	ssyncset.done $0x0  }
0x26: {  	s14 =	sadd.s32 $0x1, s14  }
0x27: {  	[sflag:s9] =	ssyncadd.s32 $0xFFFFDC00;
	p0 =	sne.s32 s14, s8  }
.Ltmp1:
0x28: {  	[bflag:$0x0] =	sbarrier.arrive $0xFFFF;
	(pc) =	sbr.rel @p0 .LBB2_1-.Ltmp1, $4  }
0x29: {  	[hbm:s7], [sflag:s11] =	dma.local [spmem:s12], $0x2800  }
0x2a: {  	_ =	swait.ge [sflag:s9], $0x2800  }
0x2b: {  	[sflag:s9] =	ssyncset.done $0x0  }
0x2c: {  	[sflag:s9] =	ssyncadd.s32 $0xFFFFD800  }
0x2d: {  	_ =	sfence.sel $0x180000  }
0x2e: {  	[bflag:$0x0] =	sbarrier.arrive $0xFFFF  }
0x2f: {  	p0 =	sne.s32 s0, $0x0;
	_ =	strace $0x90000047  }
0x30: {  	s0 =	sadd.s32 @!p0 $0x100000, s1;
	[bflag:$0x2] =	sbarrier.arrive $0xFFFF  }
0x31: {  	[sflag:s0] =	ssyncadd.tile.s32 @!p0 $0x1;
	_ =	shalt  }
.Lfunc_end2:
_tile_overlayer_lowered:
.L_overlay_start_2:
0x32: {  	(tag) =	ssettag $0x2  }
0x33: {  	s0 =	rddreg [dreg:$0x0];
	s2 =	stileid.u32  }
0x34: {  	s1 =	rddreg [dreg:$0x1];
	p0 =	sne.s32 s2, $0x0  }
0x35: {  	s3 =	rddreg [dreg:$0x2];
	[bflag:$0x3] =	sbarrier.arrive $0xFFFF;
	s2 =	simm.s32 @!p0 $0x1C01  }
0x36: {  	[timem:s3], [sflag:s2] =	dma.local @!p0 [hbm:s0], s1  }
0x37: {  	s0 =	simm.s32 @!p0 $0x1  }
0x38: {  	_ =	swait.ge @!p0 [sflag:s0], s1  }
0x39: {  	s1 =	ssub.s32 @!p0 $0x0, s1;
	[sflag:s0] =	ssyncset.done @!p0 $0x0  }
0x3a: {  	[sflag:s0] =	ssyncadd.s32 @!p0 s1  }
0x3b: {  	[bflag:$0x3] =	sbarrier.arrive $0xFFFF  }
0x3c: {  	_ =	shalt  }

// kernel: kernel.13.cloned.1.call-start
scs
__scs_entry_jumppad:
0x0: {  	(pc) =	sbr.rel $0x88, $3  }
0x1: {  	(tag) =	ssettag $0x0;
	lr =	simm.s32 $0x1  }
0x2: {  	[smem:$0x3F99] =	sst lr;
	_ =	strace $0xD0000000  }
0x3: {  	_ = 	snop  }
0x4: {  	_ = 	snop  }
0x5: {  	_ = 	snop  }
0x6: {  	_ = 	snop  }
0x7: {  	_ = 	snop  }
__scs_overlays_trampoline_lowered:
0x8: {  	[smem:$0x3FA8] =	sst s0  }
0x9: {  	[smem:$0x3FA9] =	sst s1  }
0xa: {  	[smem:$0x3FAA] =	sst s2  }
0xb: {  	[smem:$0x3FAB] =	sst s3  }
0xc: {  	[smem:$0x3FAC] =	sst s4  }
0xd: {  	[smem:$0x3FAD] =	sst s5  }
0xe: {  	[smem:$0x3FAE] =	sst s6  }
0xf: {  	[smem:$0x3FAF] =	sst s7  }
0x10: {  	[smem:$0x3FB0] =	sst s8  }
0x11: {  	[smem:$0x3FB1] =	sst s9;
	s0 =	simm.s32 @!p0 $0x0  }
0x12: {  	s1 =	sld [smem:$0x3F97];
	s0 =	simm.s32 @p0 $0x1  }
0x13: {  	[smem:$0x3FB2] =	sst s0;
	s0 =	simm.s32 @!p1 $0x0  }
0x14: {  	s2 =	sld [smem:$0x3F96];
	s0 =	simm.s32 @p1 $0x1  }
0x15: {  	[smem:$0x3FB3] =	sst s0;
	s0 =	simm.s32 @!p2 $0x0  }
0x16: {  	s3 =	sld [smem:$0x3FDB];
	s0 =	simm.s32 @p2 $0x1  }
0x17: {  	s4 =	simm.s32 $0x1BF5;
	[smem:$0x3FB5] =	sst s0  }
0x18: {  	s0 =	sld [smem:$0x3F98];
	_ =	swait.ge [sflag:s4], $0x0  }
0x19: {  	s7 =	sld [smem:$0x3F99]  }
0x1a: {  	s8 =	sadd.s32 $0xFFFFE003, lr  }
0x1b: {  	s9 =	sadd.s32 $0xFFFFFEF7, lr;
	s5 =	simm.s32 $0xFFFFFFFF;
	p2 =	slt.u32 s8, $0xFFFFF086  }
0x1c: {  	p1 =	slt.u32 s9, $0xF7A;
	s5 =	simm.s32 @!p2 $0x0  }
0x1d: {  	s5 =	simm.s32 @p1 $0x1;
	p0 =	seq.s32 s7, s2  }
0x1e: {  	s7 =	smul.u32 @!p0 $0xF7A, s2;
	p2 =	seq.s32 @!p0 s5, $0x0  }
0x1f: {  	s9 =	smul.u32 $0xF7A, s1;
	s8 =	simm.s32 @!p0 $0x1BF5;
	p2 =	por !p2, p0  }
0x20: {  	[sflag:s8] =	ssyncset.s32 @!p0 $0xFFFFF086;
	s6 =	sadd.s32 @!p0 s3, s7;
	s7 =	simm.s32 @!p0 $0x108  }
0x21: {  	s3 =	sadd.s32 s3, s9;
	s6 =	sadd.s32 @!p0 $0x88, s6;
	s7 =	simm.s32 @p2 $0x1082  }
0x22: {  	[simem:s7], [sflag:s8] =	dma.local @!p0 [hbm:s6], $0xF7A  }
0x23: {  	s9 =	sor.u32 $0xD0000000, s2;
	s6 =	simm.s32 $0x108;
	_ =	swait.ge @!p0 [sflag:s8], $0x0  }
0x24: {  	s3 =	sadd.s32 $0x88, s3;
	s6 =	simm.s32 @!p1 $0x1082;
	[sflag:s4] =	ssyncset.s32 $0xFFFFF086  }
0x25: {  	[simem:s6], [sflag:s4] =	dma.local [hbm:s3], $0xF7A  }
0x26: {  	[smem:$0x3F99] =	sst s1;
	(tag) =	ssettag s2;
	_ =	strace s9  }
0x27: {  	s1 =	sld [smem:$0x3FA9]  }
0x28: {  	s2 =	sld [smem:$0x3FAA]  }
0x29: {  	s4 =	sld [smem:$0x3FAC]  }
0x2a: {  	p0 =	seq.s32 s5, $0x0;
	s5 =	sld [smem:$0x3FAD]  }
0x2b: {  	s6 =	sld [smem:$0x3FAE]  }
0x2c: {  	s7 =	sld [smem:$0x3FAF]  }
0x2d: {  	s3 =	simm.s32 $0x108;
	s8 =	sld [smem:$0x3FB0]  }
0x2e: {  	s3 =	simm.s32 @!p0 $0x1082;
	s9 =	sld [smem:$0x3FB1]  }
0x2f: {  	lr =	sadd.s32 s0, s3;
	s0 =	sld [smem:$0x3FA8]  }
0x30: {  	s3 =	sld [smem:$0x3FAB]  }
0x31: {  	[smem:$0x3FB4] =	sst s10  }
0x32: {  	s10 =	sld [smem:$0x3FB2];
	_ =	sdelay $0x3  }
0x33: {  	p0 =	seq.s32 s10, $0x1;
	s10 =	sld [smem:$0x3FB4];
	_ =	sdelay $0x3  }
0x34: {  	[smem:$0x3FB4] =	sst s10  }
0x35: {  	s10 =	sld [smem:$0x3FB3];
	_ =	sdelay $0x3  }
0x36: {  	p1 =	seq.s32 s10, $0x1;
	s10 =	sld [smem:$0x3FB4];
	_ =	sdelay $0x3  }
0x37: {  	[smem:$0x3FB4] =	sst s10  }
0x38: {  	s10 =	sld [smem:$0x3FB5]  }
0x39: {  	_ = 	snop;
	(pc) =	sbr.ind lr, $3  }
0x3a: {  	_ = 	snop  }
0x3b: {  	_ = 	snop  }
0x3c: {  	p2 =	seq.s32 s10, $0x1;
	s10 =	sld [smem:$0x3FB4]  }
0x3d: {  	_ =	shalt  }
0x3e: {  	_ =	shalt  }
0x3f: {  	_ =	shalt  }
0x40: {  	_ =	shalt  }
0x41: {  	_ =	shalt  }
0x42: {  	_ =	shalt  }
0x43: {  	_ =	shalt  }
0x44: {  	_ =	shalt  }
0x45: {  	_ =	shalt  }
0x46: {  	_ =	shalt  }
0x47: {  	_ =	shalt  }
0x48: {  	_ =	shalt  }
0x49: {  	_ =	shalt  }
0x4a: {  	_ =	shalt  }
0x4b: {  	_ =	shalt  }
0x4c: {  	_ =	shalt  }
0x4d: {  	_ =	shalt  }
0x4e: {  	_ =	shalt  }
0x4f: {  	_ =	shalt  }
0x50: {  	_ =	shalt  }
0x51: {  	_ =	shalt  }
0x52: {  	_ =	shalt  }
0x53: {  	_ =	shalt  }
0x54: {  	_ =	shalt  }
0x55: {  	_ =	shalt  }
0x56: {  	_ =	shalt  }
0x57: {  	_ =	shalt  }
0x58: {  	_ =	shalt  }
0x59: {  	_ =	shalt  }
0x5a: {  	_ =	shalt  }
0x5b: {  	_ =	shalt  }
0x5c: {  	_ =	shalt  }
0x5d: {  	_ =	shalt  }
0x5e: {  	_ =	shalt  }
0x5f: {  	_ =	shalt  }
0x60: {  	_ =	shalt  }
0x61: {  	_ =	shalt  }
0x62: {  	_ =	shalt  }
0x63: {  	_ =	shalt  }
0x64: {  	_ =	shalt  }
0x65: {  	_ =	shalt  }
0x66: {  	_ =	shalt  }
0x67: {  	_ =	shalt  }
0x68: {  	_ =	shalt  }
0x69: {  	_ =	shalt  }
0x6a: {  	_ =	shalt  }
0x6b: {  	_ =	shalt  }
0x6c: {  	_ =	shalt  }
0x6d: {  	_ =	shalt  }
0x6e: {  	_ =	shalt  }
0x6f: {  	_ =	shalt  }
0x70: {  	_ =	shalt  }
0x71: {  	_ =	shalt  }
0x72: {  	_ =	shalt  }
0x73: {  	_ =	shalt  }
0x74: {  	_ =	shalt  }
0x75: {  	_ =	shalt  }
0x76: {  	_ =	shalt  }
0x77: {  	_ =	shalt  }
0x78: {  	_ =	shalt  }
0x79: {  	_ =	shalt  }
0x7a: {  	_ =	shalt  }
0x7b: {  	_ =	shalt  }
0x7c: {  	_ =	shalt  }
0x7d: {  	_ =	shalt  }
0x7e: {  	_ =	shalt  }
0x7f: {  	_ =	shalt  }
0x80: {  	_ =	shalt  }
0x81: {  	_ =	shalt  }
0x82: {  	_ =	shalt  }
0x83: {  	_ =	shalt  }
0x84: {  	_ =	shalt  }
0x85: {  	_ =	shalt  }
0x86: {  	_ =	shalt  }
0x87: {  	_ =	shalt  }
.Lfunc_end0:
.L_simem_size_0:
called_computation.1_lowered:
.L_overlay_start_0:
0x88: {  	s2 =	sld [smem:$0x3FD9]  }
0x89: {  	s3 =	sld [smem:$0x3FFE];
	_ =	sdelay $0x1  }
0x8a: {  	s1 =	srdreg.scid  }
0x8b: {  	s0 =	sand.u32 $0x1, s1  }
0x8c: {  	s16 =	sshll.u32 s0, $0xA;
	s2 =	sadd.s32 s3, s2  }
0x8d: {  	s2 =	sadd.s32 s2, s16  }
0x8e: {  	[smem:$0x3FC0] =	sst s2  }
0x8f: {  	_ = 	snop  }
0x90: {  	(tm) =	ssettm $0x1  }
0x91: {  	s17 =	sld [smem:$0x3FFB];
	_ =	sdelay $0x3  }
0x92: {  	_ =	strace s17  }
0x93: {  	s2 =	sld [smem:$0x3FFC];
	_ =	sdelay $0x3  }
0x94: {  	_ =	strace s2  }
0x95: {  	s2 =	sld [smem:$0x3FFD];
	_ =	sdelay $0x3  }
0x96: {  	_ =	strace s2  }
0x97: {  	_ =	strace $0x8FFFFFFF  }
0x98: {  	s18 =	sld [smem:$0x3FDB];
	_ =	sdelay $0x1  }
0x99: {  	s19 =	simm.s32 $_scs_section_size  }
0x9a: {  	s4 =	simm.s32 $_size__tile_overlayer_lowered;
	s5 =	simm.s32 $_tile_overlayer_lowered  }
0x9b: {  	s22 =	simm.s32 $0x1BFF;
	s21 =	sshll.u32 s5, $0x1;
	s2 =	sadd.s32 s19, s18  }
0x9c: {  	s6 =	simm.s32 $0x0;
	s20 =	sshll.u32 s4, $0x1;
	s4 =	sadd.s32 s21, s2  }
0x9d: {  	[timem:s6], [sflag:s22] =	dma.local [hbm:s4], s20  }
0x9e: {  	_ =	swait.ge [sflag:s22], s20  }
0x9f: {  	s3 =	ssub.s32 $0x0, s20;
	[sflag:s22] =	ssyncset.done $0x0  }
0xa0: {  	[sflag:s22] =	ssyncadd.s32 s3;
	_ =	sdelay $0x1  }
0xa1: {  	s23 =	simm.s32 $0x1B8B  }
0xa2: {  	_ =	swait.ge [sflag:s23], $0x1  }
0xa3: {  	[sflag:s23] =	ssyncset.done $0x0  }
0xa4: {  	s25 =	simm.s32 $0x1B8E;
	s24 =	sld [smem:$0x3FFE];
	[sflag:s23] =	ssyncadd.s32 $0xFFFFFFFF  }
0xa5: {  	s26 =	simm.s32 $execute0_lowered;
	[smem:$0x3FD2] =	sst s25  }
0xa6: {  	s4 =	sshll.u32 s26, $0x1;
	_ =	strace $0x80000049;
	[dreg:$0x1] =	wrdreg $0xFFFFFFFF  }
0xa7: {  	s28 =	simm.s32 $_size_execute0_lowered;
	s2 =	sadd.s32 s2, s4;
	[dreg:$0x0] =	wrdreg $0x0  }
0xa8: {  	s4 =	sshll.u32 s28, $0x1;
	[dreg:$0x2] =	wrdreg s2  }
0xa9: {  	[dreg:$0x3] =	wrdreg s4  }
0xaa: {  	[dreg:$0x4] =	wrdreg $0xC0  }
0xab: {  	_ =	task [dreg:s6], $0x5FFFF  }
0xac: {  	[dreg:$0x1] =	wrdreg $0xFFFFFFFF  }
0xad: {  	[dreg:$0x0] =	wrdreg $0x60  }
0xae: {  	[dreg:$0x2] =	wrdreg s24  }
0xaf: {  	[dreg:$0x3] =	wrdreg $0xBC000  }
0xb0: {  	[dreg:$0x4] =	wrdreg $0x9  }
0xb1: {  	_ =	task.clear_ibuf [dreg:s6], $0x5FFFF;
	_ =	strace $0x90000049  }
0xb2: {  	s29 =	simm.s32 $0x9;
	_ =	strace $0x8000004B  }
0xb3: {  	_ =	swait.ge [sflag:s29], $0x1  }
0xb4: {  	[sflag:s29] =	ssyncadd.s32 $0xFFFFFFFF  }
0xb5: {  	_ =	strace $0x9000004B  }
0xb6: {  	_ =	sfence  }
0xb7: {  	s30 =	sld [smem:$0x0];
	_ =	sdelay $0x2  }
0xb8: {  	s31 =	sshll.u32 s1, $0xD;
	s1 =	sshrl.u32 s1, $0x2  }
0xb9: {  	s3 =	sand.u32 $0x4000, s31;
	s1 =	sadd.s32 s1, s30  }
0xba: {  	s0 =	sor.u32 s3, s0;
	s1 =	sshll.u32 s1, $0x11  }
0xbb: {  	s0 =	sor.u32 s1, s0  }
0xbc: {  	s0 =	sadd.s32 $0x8F2B, s0  }
0xbd: {  	[sflag:s0] =	ssyncadd.remote.s32 $0x1  }
0xbe: {  	_ =	sfence.sel $0xFFFF  }
0xbf: {  	[dreg:$0x0] =	wrdreg $0xFFFFFFFF;
	(pc) =	sbr.abs _section_cstart, $3  }
0xc0: {  	[dreg:$0x1] =	wrdreg $0xFFFFFFFF  }
0xc1: {  	_ =	task.clear_ibuf [dreg:s6], $0x2FFFF;
	_ =	strace $0x9FFFFFFF  }
0xc2: {  	(tm) =	ssettm $0x7FFFFFFF  }
0xc3: {  	_ =	shalt  }
tec
execute0_lowered:
.L_overlay_start_1:
0x0: {  	(tag) =	ssettag $0x1  }
0x1: {  	s0 =	rddreg [dreg:$0x0]  }
0x2: {  	s2 =	rddreg [dreg:$0x1];
	s3 =	simm.s32 $0x0  }
0x3: {  	s12 =	stileid.u32;
	s4 =	srdreg.scid;
	s28 =	simm.s32 $0x100  }
0x4: {  	s30 =	simm.s32 $0x180;
	s29 =	simm.s32 $0x1;
	s31 =	simm.s32 $0x3  }
0x5: {  	[smem:$0x7FF] =	sst s3;
	s1 =	smul.u32 $0x14000, s12;
	s7 =	sand.u32 $0x1, s4  }
0x6: {  	s4 =	sadd.s32 $0x3CE00, s0;
	s5 =	sadd.s32 $0x8CE00, s0;
	s6 =	sadd.s32 $0x2E00, s0  }
0x7: {  	s26 =	smul.u32 $0x50000, s12;
	s20 =	sshll.u32 s12, $0x6;
	_ =	strace $0x8000004A  }
0x8: {  	s9 =	smul.u32 $0x140000, s7;
	s10 =	sshll.u32 s7, $0x4;
	s11 =	ssub.s32 $0x2, s7  }
0x9: {  	s8 =	sshrl.u32 s1, $0x3;
	s10 =	sor.u32 s12, s10;
	s13 =	sshrl.u32 s11, $0x1  }
0xa: {  	s8 =	sadd.s32 s8, s0;
	s1 =	sadd.s32 s1, s9;
	s9 =	sshrl.u32 s26, $0x2  }
0xb: {  	s7 =	smul.u32 $0x4800, s10;
	s14 =	ssub.s32 s11, s13;
	s10 =	sor.u32 $0x1C04, s20  }
0xc: {  	s1 =	sshrl.u32 s1, $0x3;
	s9 =	sadd.s32 s9, s2;
	s8 =	sadd.s32 $0x14E00, s8  }
0xd: {  	s0 =	sadd.s32 s1, s0;
	[dreg:$0x3] =	wrdreg s9;
	s21 =	sshrl.u32 s7, $0x3  }
0xe: {  	[dreg:$0x4] =	wrdreg s8;
	s22 =	sadd.s32 s5, s21;
	s23 =	sor.u32 $0x10, s21  }
0xf: {  	s24 =	sadd.s32 s6, s21;
	s16 =	sor.u32 $0x20, s21;
	s26 =	sor.u32 $0x30, s21  }
0x10: {  	s9 =	sor.u32 $0x40, s21;
	s21 =	sadd.s32 $0x9EE00, s0;
	[dreg:$0x5] =	wrdreg s22  }
0x11: {  	s0 =	simm.s32 $0x0;
	[dreg:$0x6] =	wrdreg s24;
	s25 =	sadd.s32 s5, s23  }
.Ltmp0:
0x12: {  	s8 =	sadd.s32 s6, s23;
	s15 =	sadd.s32 s5, s16;
	(pc) =	sbr.rel .LBB2_1-.Ltmp0, $4  }
0x13: {  	s16 =	sadd.s32 s6, s16;
	s17 =	sadd.s32 s5, s26;
	s18 =	sadd.s32 s6, s26  }
0x14: {  	s19 =	sadd.s32 s5, s9;
	s20 =	sadd.s32 s6, s9;
	s22 =	smax.u32 s14, $0x1  }
0x15: {  	s23 =	simm.s32 $0x4;
	s24 =	simm.s32 $0x2;
	[dreg:$0x7] =	wrdreg s25  }
0x16: {  	s26 =	simm.s32 $0x48;
	[dreg:$0x8] =	wrdreg s8;
	s25 =	simm.s32 $0x80  }
.LBB2_7:
0x17: {  	s0 =	sadd.s32 $0x1, s0  }
0x18: {  	p0 =	sne.s32 s0, s22  }
.Ltmp1:
0x19: {  	[bflag:$0x0] =	sbarrier.arrive $0xFFFF;
	(pc) =	sbr.rel @!p0 .LBB2_8-.Ltmp1, $4  }
0x1a: {  	[hbm:s21], [sflag:s10] =	dma.local [spmem:s1], $0x2800  }
0x1b: {  	_ =	swait.ge [sflag:s23], $0x2800  }
0x1c: {  	[sflag:s23] =	ssyncset.done $0x0  }
0x1d: {  	[sflag:s23] =	ssyncadd.s32 $0xFFFFD800  }
.LBB2_1:
0x1e: {  	s1 =	rddreg [dreg:$0x3]  }
0x1f: {  	s8 =	rddreg [dreg:$0x4];
	s1 =	sshrl.u32 s1, $0x3  }
0x20: {  	[spmem:s1], [sflag:s10] =	dma.local [hbm:s8], $0x2800  }
0x21: {  	_ =	swait.ge [sflag:s23], $0x2800  }
0x22: {  	[sflag:s23] =	ssyncset.done $0x0  }
0x23: {  	s12 =	rddreg [dreg:$0x5];
	[sflag:s23] =	ssyncadd.s32 $0xFFFFD800  }
0x24: {  	[tilespmem:s3], [sflag:$0x2] =	stream.linear.gather [hbm4b:s12+s3], $0x80, $0x38;
	[tilespmem:$0x1FC00] =	vst v63  }
0x25: {  	s9 =	simm.s32 $0x400;
	s13 =	rddreg [dreg:$0x6]  }
0x26: {  	[tilespmem:s9], [sflag:$0x3] =	stream.linear.gather [hbm4b:s13+s3], $0x80, $0x38;
	[tilespmem:$0x1FC00] =	vst v63  }
0x27: {  	s14 =	rddreg [dreg:$0x7]  }
0x28: {  	[tilespmem:s25], [sflag:$0x2] =	stream.linear.gather [hbm4b:s14+s3], $0x80, $0x38;
	[tilespmem:$0x1FC00] =	vst v63  }
0x29: {  	s11 =	simm.s32 $0x480;
	s9 =	rddreg [dreg:$0x8]  }
0x2a: {  	[tilespmem:s11], [sflag:$0x3] =	stream.linear.gather [hbm4b:s9+s3], $0x80, $0x38;
	[tilespmem:$0x1FC00] =	vst v63  }
0x2b: {  	_ = 	snop  }
0x2c: {  	[tilespmem:s28], [sflag:$0x2] =	stream.linear.gather [hbm4b:s15+s3], $0x80, $0x38;
	[tilespmem:$0x1FC00] =	vst v63  }
0x2d: {  	s12 =	simm.s32 $0x500  }
0x2e: {  	[tilespmem:s12], [sflag:$0x3] =	stream.linear.gather [hbm4b:s16+s3], $0x80, $0x38;
	[tilespmem:$0x1FC00] =	vst v63  }
0x2f: {  	_ = 	snop  }
0x30: {  	[tilespmem:s30], [sflag:$0x2] =	stream.linear.gather [hbm4b:s17+s3], $0x80, $0x38;
	[tilespmem:$0x1FC00] =	vst v63  }
0x31: {  	s13 =	simm.s32 $0x580  }
0x32: {  	[tilespmem:s13], [sflag:$0x3] =	stream.linear.gather [hbm4b:s18+s3], $0x80, $0x38;
	[tilespmem:$0x1FC00] =	vst v63  }
0x33: {  	s14 =	simm.s32 $0x200  }
0x34: {  	[tilespmem:s14], [sflag:$0x2] =	stream.linear.gather [hbm4b:s19+s3], $0x80, $0x38;
	[tilespmem:$0x1FC00] =	vst v63  }
0x35: {  	s9 =	simm.s32 $0x600  }
0x36: {  	[tilespmem:s9], [sflag:$0x3] =	stream.linear.gather [hbm4b:s20+s3], $0x80, $0x38;
	[tilespmem:$0x1FC00] =	vst v63  }
0x37: {  	[bflag:$0x0] =	sbarrier.arrive $0xFFFF  }
0x38: {  	_ =	swait.ge [sflag:s24], $0x80  }
0x39: {  	[sflag:s24] =	ssyncset.done $0x0  }
0x3a: {  	s11 =	simm.s32 $0x800;
	[sflag:s24] =	ssyncadd.s32 $0xFFFFFF80  }
0x3b: {  	[tilespmem:s11], [sflag:$0x1] =	stream.indirect.gather [hbm4b:s4+s26], $0x80, s3, s26, $0xb8;
	[tilespmem:$0x1FC00] =	vst v63  }
0x3c: {  	_ =	swait.ge [sflag:s24], $0x80  }
0x3d: {  	[sflag:s24] =	ssyncset.done $0x0  }
0x3e: {  	s12 =	simm.s32 $0x2C00;
	[sflag:s24] =	ssyncadd.s32 $0xFFFFFF80  }
0x3f: {  	[tilespmem:s12], [sflag:$0x1] =	stream.indirect.gather [hbm4b:s4+s26], $0x80, s25, s26, $0xb8;
	[tilespmem:$0x1FC00] =	vst v63  }
0x40: {  	_ =	swait.ge [sflag:s24], $0x80  }
0x41: {  	[sflag:s24] =	ssyncset.done $0x0  }
0x42: {  	s13 =	simm.s32 $0x5000;
	[sflag:s24] =	ssyncadd.s32 $0xFFFFFF80  }
0x43: {  	[tilespmem:s13], [sflag:$0x1] =	stream.indirect.gather [hbm4b:s4+s26], $0x80, s28, s26, $0xb8;
	[tilespmem:$0x1FC00] =	vst v63  }
.Ltmp2:
0x44: {  	_ = 	snop;
	(pc) =	sbr.rel .LBB2_2-.Ltmp2, $4  }
0x45: {  	_ =	swait.ge [sflag:s24], $0x80  }
0x46: {  	s8 =	simm.s32 $0x280;
	[sflag:s24] =	ssyncset.done $0x0  }
0x47: {  	s14 =	simm.s32 $0x7400;
	s9 =	simm.s32 $0x0;
	[sflag:s24] =	ssyncadd.s32 $0xFFFFFF80  }
0x48: {  	[tilespmem:s14], [sflag:$0x1] =	stream.indirect.gather [hbm4b:s4+s26], $0x80, s30, s26, $0xb8;
	[tilespmem:$0x1FC00] =	vst v63  }
.LBB2_3:
0x49: {  	s11 =	sadd.s32 $0x5, s9  }
0x4a: {  	s12 =	smul.u32 $0xAB, s11;
	_ =	sdelay $0x1  }
0x4b: {  	s12 =	sshrl.u32 s12, $0xA  }
0x4c: {  	s12 =	sand.u32 $0x3F, s12  }
0x4d: {  	s13 =	sand.u32 $0xFC00, s8;
	s12 =	smul.u32 $0x6, s12  }
0x4e: {  	s14 =	sand.u32 $0x380, s8;
	s13 =	sadd.s32 s7, s13  }
0x4f: {  	s13 =	sor.u32 s14, s13;
	s11 =	ssub.s32 s11, s12  }
0x50: {  	s14 =	sshrl.u32 s13, $0x3;
	s11 =	sand.u32 $0xFF, s11  }
0x51: {  	s13 =	sadd.s32 s5, s14;
	s11 =	sshll.u32 s11, $0x7  }
0x52: {  	[tilespmem:s11], [sflag:$0x2] =	stream.linear.gather [hbm4b:s13+s3], $0x80, $0x38;
	[tilespmem:$0x1FC00] =	vst v63  }
0x53: {  	s12 =	sadd.s32 s6, s14;
	s11 =	sor.u32 $0x400, s11  }
0x54: {  	[tilespmem:s11], [sflag:$0x3] =	stream.linear.gather [hbm4b:s12+s3], $0x80, $0x38;
	[tilespmem:$0x1FC00] =	vst v63  }
.LBB2_5:
0x55: {  	s11 =	sadd.s32 $0x4, s9  }
0x56: {  	s12 =	sand.u32 $0xFF, s11  }
0x57: {  	s13 =	smul.u32 $0xCD, s12;
	_ =	sdelay $0x1  }
0x58: {  	s12 =	smul.u32 $0xAB, s12;
	s13 =	sshrl.u32 s13, $0xA  }
0x59: {  	s13 =	smul.u32 $0x5, s13;
	_ =	sdelay $0x1  }
0x5a: {  	s12 =	sshrl.u32 s12, $0xA;
	s13 =	ssub.s32 s11, s13  }
0x5b: {  	s12 =	smul.u32 $0x6, s12;
	s13 =	sand.u32 $0xFF, s13  }
0x5c: {  	s13 =	smul.u32 $0x9000, s13  }
0x5d: {  	_ =	swait.ge [sflag:s24], $0x80;
	s11 =	ssub.s32 s11, s12  }
0x5e: {  	[sflag:s24] =	ssyncset.done $0x0;
	s11 =	sand.u32 $0xFF, s11;
	s14 =	sshrl.u32 s13, $0x2  }
0x5f: {  	[sflag:s24] =	ssyncadd.s32 $0xFFFFFF80;
	s11 =	sshll.u32 s11, $0x7;
	s12 =	sadd.s32 $0x800, s14  }
0x60: {  	[tilespmem:s12], [sflag:$0x1] =	stream.indirect.gather [hbm4b:s4+s26], $0x80, s11, s26, $0xb8;
	[tilespmem:$0x1FC00] =	vst v63  }
.LBB2_6:
0x61: {  	s11 =	smul.u32 $0xCD, s9;
	_ =	sdelay $0x1  }
0x62: {  	s12 =	smul.u32 $0xAB, s9;
	s11 =	sshrl.u32 s11, $0xA  }
0x63: {  	s11 =	sand.u32 $0x3F, s11  }
0x64: {  	_ =	swait.ge [sflag:s29], $0x2400;
	s12 =	sshrl.u32 s12, $0xA;
	s11 =	smul.u32 $0x5, s11  }
0x65: {  	[sflag:s29] =	ssyncset.done $0x0;
	s12 =	sand.u32 $0x3F, s12  }
0x66: {  	[sflag:s29] =	ssyncadd.s32 $0xFFFFDC00;
	s12 =	smul.u32 $0x6, s12;
	s11 =	ssub.s32 s9, s11  }
0x67: {  	_ =	swait.ge [sflag:s31], $0x80;
	s11 =	sand.u32 $0xFF, s11  }
0x68: {  	[sflag:s31] =	ssyncset.done $0x0;
	s12 =	ssub.s32 s9, s12;
	s11 =	smul.u32 $0x9000, s11  }
0x69: {  	[sflag:s31] =	ssyncadd.s32 $0xFFFFFF80;
	s9 =	sadd.s32 $0x1, s9;
	s12 =	sand.u32 $0xF7, s12  }
0x6a: {  	p0 =	sne.s32 s9, $0x8B;
	s12 =	sshll.u32 s12, $0x7;
	s11 =	sshrl.u32 s11, $0x2  }
.Ltmp3:
0x6b: {  	s12 =	sor.u32 $0x400, s12;
	s11 =	sadd.s32 $0x800, s11;
	(pc) =	sbr.rel @!p0 .LBB2_7-.Ltmp3, $4  }
0x6c: {  	[spmem:s2] =	stream.indirect.scatter.add.f32 [tilespmem:s11], [sflag:$0x4], $0x80, s12, s26, $0xb8;
	[tilespmem:$0x1FC00] =	vst v63  }
0x6d: {  	_ =	swait.ge [sflag:s23], $0x2400  }
0x6e: {  	[sflag:s23] =	ssyncset.done $0x0  }
0x6f: {  	s8 =	sadd.s32 $0x80, s8;
	[sflag:s23] =	ssyncadd.s32 $0xFFFFDC00  }
.LBB2_2:
0x70: {  	p0 =	sgt.u32 s9, $0x85  }
.Ltmp4:
0x71: {  	_ = 	snop;
	(pc) =	sbr.rel @!p0 .LBB2_3-.Ltmp4, $1  }
0x72: {  	_ =	sdelay $0x3  }
0x73: {  	p0 =	sne.s32 s9, $0x86  }
.Ltmp5:
0x74: {  	_ = 	snop;
	(pc) =	sbr.rel @p0 .LBB2_6-.Ltmp5, $4  }
.Ltmp6:
0x75: {  	_ = 	snop;
	(pc) =	sbr.rel @!p0 .LBB2_5-.Ltmp6, $4  }
0x76: {  	_ = 	snop  }
0x77: {  	_ = 	snop  }
0x78: {  	_ = 	snop  }
0x79: {  	_ = 	snop  }
.LBB2_8:
0x7a: {  	_ =	sfence.sel $0x180000  }
0x7b: {  	[bflag:$0x0] =	sbarrier.arrive $0xFFFF  }
0x7c: {  	_ =	strace $0x9000004A  }
0x7d: {  	s0 =	stileid.u32;
	[bflag:$0x2] =	sbarrier.arrive $0xFFFF  }
0x7e: {  	p0 =	sne.s32 s0, $0x0;
	s0 =	rddreg [dreg:$0x2]  }
0x7f: {  	s0 =	sadd.s32 @!p0 $0x100000, s0  }
0x80: {  	[sflag:s0] =	ssyncadd.tile.s32 @!p0 $0x1;
	_ =	shalt  }
.Lfunc_end2:
_tile_overlayer_lowered:
.L_overlay_start_2:
0x81: {  	(tag) =	ssettag $0x2  }
0x82: {  	s0 =	rddreg [dreg:$0x0];
	s2 =	stileid.u32  }
0x83: {  	s1 =	rddreg [dreg:$0x1];
	p0 =	sne.s32 s2, $0x0  }
0x84: {  	s3 =	rddreg [dreg:$0x2];
	[bflag:$0x3] =	sbarrier.arrive $0xFFFF;
	s2 =	simm.s32 @!p0 $0x1C04  }
0x85: {  	[timem:s3], [sflag:s2] =	dma.local @!p0 [hbm:s0], s1  }
0x86: {  	s0 =	simm.s32 @!p0 $0x4  }
0x87: {  	_ =	swait.ge @!p0 [sflag:s0], s1  }
0x88: {  	s1 =	ssub.s32 @!p0 $0x0, s1;
	[sflag:s0] =	ssyncset.done @!p0 $0x0  }
0x89: {  	[sflag:s0] =	ssyncadd.s32 @!p0 s1  }
0x8a: {  	[bflag:$0x3] =	sbarrier.arrive $0xFFFF  }
0x8b: {  	_ =	shalt  }

// kernel: kernel.16.cloned.1.call-start
scs
__scs_entry_jumppad:
0x0: {  	(pc) =	sbr.rel $0x88, $3  }
0x1: {  	(tag) =	ssettag $0x0;
	lr =	simm.s32 $0x1  }
0x2: {  	[smem:$0x3F99] =	sst lr;
	_ =	strace $0xD0000000  }
0x3: {  	_ = 	snop  }
0x4: {  	_ = 	snop  }
0x5: {  	_ = 	snop  }
0x6: {  	_ = 	snop  }
0x7: {  	_ = 	snop  }
__scs_overlays_trampoline_lowered:
0x8: {  	[smem:$0x3FA8] =	sst s0  }
0x9: {  	[smem:$0x3FA9] =	sst s1  }
0xa: {  	[smem:$0x3FAA] =	sst s2  }
0xb: {  	[smem:$0x3FAB] =	sst s3  }
0xc: {  	[smem:$0x3FAC] =	sst s4  }
0xd: {  	[smem:$0x3FAD] =	sst s5  }
0xe: {  	[smem:$0x3FAE] =	sst s6  }
0xf: {  	[smem:$0x3FAF] =	sst s7  }
0x10: {  	[smem:$0x3FB0] =	sst s8  }
0x11: {  	[smem:$0x3FB1] =	sst s9;
	s0 =	simm.s32 @!p0 $0x0  }
0x12: {  	s1 =	sld [smem:$0x3F97];
	s0 =	simm.s32 @p0 $0x1  }
0x13: {  	[smem:$0x3FB2] =	sst s0;
	s0 =	simm.s32 @!p1 $0x0  }
0x14: {  	s2 =	sld [smem:$0x3F96];
	s0 =	simm.s32 @p1 $0x1  }
0x15: {  	[smem:$0x3FB3] =	sst s0;
	s0 =	simm.s32 @!p2 $0x0  }
0x16: {  	s3 =	sld [smem:$0x3FDB];
	s0 =	simm.s32 @p2 $0x1  }
0x17: {  	s4 =	simm.s32 $0x1BF5;
	[smem:$0x3FB5] =	sst s0  }
0x18: {  	s0 =	sld [smem:$0x3F98];
	_ =	swait.ge [sflag:s4], $0x0  }
0x19: {  	s7 =	sld [smem:$0x3F99]  }
0x1a: {  	s8 =	sadd.s32 $0xFFFFE003, lr  }
0x1b: {  	s9 =	sadd.s32 $0xFFFFFEF7, lr;
	s5 =	simm.s32 $0xFFFFFFFF;
	p2 =	slt.u32 s8, $0xFFFFF086  }
0x1c: {  	p1 =	slt.u32 s9, $0xF7A;
	s5 =	simm.s32 @!p2 $0x0  }
0x1d: {  	s5 =	simm.s32 @p1 $0x1;
	p0 =	seq.s32 s7, s2  }
0x1e: {  	s7 =	smul.u32 @!p0 $0xF7A, s2;
	p2 =	seq.s32 @!p0 s5, $0x0  }
0x1f: {  	s9 =	smul.u32 $0xF7A, s1;
	s8 =	simm.s32 @!p0 $0x1BF5;
	p2 =	por !p2, p0  }
0x20: {  	[sflag:s8] =	ssyncset.s32 @!p0 $0xFFFFF086;
	s6 =	sadd.s32 @!p0 s3, s7;
	s7 =	simm.s32 @!p0 $0x108  }
0x21: {  	s3 =	sadd.s32 s3, s9;
	s6 =	sadd.s32 @!p0 $0x88, s6;
	s7 =	simm.s32 @p2 $0x1082  }
0x22: {  	[simem:s7], [sflag:s8] =	dma.local @!p0 [hbm:s6], $0xF7A  }
0x23: {  	s9 =	sor.u32 $0xD0000000, s2;
	s6 =	simm.s32 $0x108;
	_ =	swait.ge @!p0 [sflag:s8], $0x0  }
0x24: {  	s3 =	sadd.s32 $0x88, s3;
	s6 =	simm.s32 @!p1 $0x1082;
	[sflag:s4] =	ssyncset.s32 $0xFFFFF086  }
0x25: {  	[simem:s6], [sflag:s4] =	dma.local [hbm:s3], $0xF7A  }
0x26: {  	[smem:$0x3F99] =	sst s1;
	(tag) =	ssettag s2;
	_ =	strace s9  }
0x27: {  	s1 =	sld [smem:$0x3FA9]  }
0x28: {  	s2 =	sld [smem:$0x3FAA]  }
0x29: {  	s4 =	sld [smem:$0x3FAC]  }
0x2a: {  	p0 =	seq.s32 s5, $0x0;
	s5 =	sld [smem:$0x3FAD]  }
0x2b: {  	s6 =	sld [smem:$0x3FAE]  }
0x2c: {  	s7 =	sld [smem:$0x3FAF]  }
0x2d: {  	s3 =	simm.s32 $0x108;
	s8 =	sld [smem:$0x3FB0]  }
0x2e: {  	s3 =	simm.s32 @!p0 $0x1082;
	s9 =	sld [smem:$0x3FB1]  }
0x2f: {  	lr =	sadd.s32 s0, s3;
	s0 =	sld [smem:$0x3FA8]  }
0x30: {  	s3 =	sld [smem:$0x3FAB]  }
0x31: {  	[smem:$0x3FB4] =	sst s10  }
0x32: {  	s10 =	sld [smem:$0x3FB2];
	_ =	sdelay $0x3  }
0x33: {  	p0 =	seq.s32 s10, $0x1;
	s10 =	sld [smem:$0x3FB4];
	_ =	sdelay $0x3  }
0x34: {  	[smem:$0x3FB4] =	sst s10  }
0x35: {  	s10 =	sld [smem:$0x3FB3];
	_ =	sdelay $0x3  }
0x36: {  	p1 =	seq.s32 s10, $0x1;
	s10 =	sld [smem:$0x3FB4];
	_ =	sdelay $0x3  }
0x37: {  	[smem:$0x3FB4] =	sst s10  }
0x38: {  	s10 =	sld [smem:$0x3FB5]  }
0x39: {  	_ = 	snop;
	(pc) =	sbr.ind lr, $3  }
0x3a: {  	_ = 	snop  }
0x3b: {  	_ = 	snop  }
0x3c: {  	p2 =	seq.s32 s10, $0x1;
	s10 =	sld [smem:$0x3FB4]  }
0x3d: {  	_ =	shalt  }
0x3e: {  	_ =	shalt  }
0x3f: {  	_ =	shalt  }
0x40: {  	_ =	shalt  }
0x41: {  	_ =	shalt  }
0x42: {  	_ =	shalt  }
0x43: {  	_ =	shalt  }
0x44: {  	_ =	shalt  }
0x45: {  	_ =	shalt  }
0x46: {  	_ =	shalt  }
0x47: {  	_ =	shalt  }
0x48: {  	_ =	shalt  }
0x49: {  	_ =	shalt  }
0x4a: {  	_ =	shalt  }
0x4b: {  	_ =	shalt  }
0x4c: {  	_ =	shalt  }
0x4d: {  	_ =	shalt  }
0x4e: {  	_ =	shalt  }
0x4f: {  	_ =	shalt  }
0x50: {  	_ =	shalt  }
0x51: {  	_ =	shalt  }
0x52: {  	_ =	shalt  }
0x53: {  	_ =	shalt  }
0x54: {  	_ =	shalt  }
0x55: {  	_ =	shalt  }
0x56: {  	_ =	shalt  }
0x57: {  	_ =	shalt  }
0x58: {  	_ =	shalt  }
0x59: {  	_ =	shalt  }
0x5a: {  	_ =	shalt  }
0x5b: {  	_ =	shalt  }
0x5c: {  	_ =	shalt  }
0x5d: {  	_ =	shalt  }
0x5e: {  	_ =	shalt  }
0x5f: {  	_ =	shalt  }
0x60: {  	_ =	shalt  }
0x61: {  	_ =	shalt  }
0x62: {  	_ =	shalt  }
0x63: {  	_ =	shalt  }
0x64: {  	_ =	shalt  }
0x65: {  	_ =	shalt  }
0x66: {  	_ =	shalt  }
0x67: {  	_ =	shalt  }
0x68: {  	_ =	shalt  }
0x69: {  	_ =	shalt  }
0x6a: {  	_ =	shalt  }
0x6b: {  	_ =	shalt  }
0x6c: {  	_ =	shalt  }
0x6d: {  	_ =	shalt  }
0x6e: {  	_ =	shalt  }
0x6f: {  	_ =	shalt  }
0x70: {  	_ =	shalt  }
0x71: {  	_ =	shalt  }
0x72: {  	_ =	shalt  }
0x73: {  	_ =	shalt  }
0x74: {  	_ =	shalt  }
0x75: {  	_ =	shalt  }
0x76: {  	_ =	shalt  }
0x77: {  	_ =	shalt  }
0x78: {  	_ =	shalt  }
0x79: {  	_ =	shalt  }
0x7a: {  	_ =	shalt  }
0x7b: {  	_ =	shalt  }
0x7c: {  	_ =	shalt  }
0x7d: {  	_ =	shalt  }
0x7e: {  	_ =	shalt  }
0x7f: {  	_ =	shalt  }
0x80: {  	_ =	shalt  }
0x81: {  	_ =	shalt  }
0x82: {  	_ =	shalt  }
0x83: {  	_ =	shalt  }
0x84: {  	_ =	shalt  }
0x85: {  	_ =	shalt  }
0x86: {  	_ =	shalt  }
0x87: {  	_ =	shalt  }
.Lfunc_end0:
.L_simem_size_0:
called_computation.2_lowered:
.L_overlay_start_0:
0x88: {  	s2 =	sld [smem:$0x3FD9]  }
0x89: {  	s3 =	sld [smem:$0x3FFE];
	_ =	sdelay $0x1  }
0x8a: {  	s1 =	srdreg.scid  }
0x8b: {  	s0 =	sand.u32 $0x1, s1  }
0x8c: {  	s16 =	sshll.u32 s0, $0xA;
	s2 =	sadd.s32 s3, s2  }
0x8d: {  	s2 =	sadd.s32 s2, s16  }
0x8e: {  	[smem:$0x3FC0] =	sst s2  }
0x8f: {  	_ = 	snop  }
0x90: {  	(tm) =	ssettm $0x1  }
0x91: {  	s17 =	sld [smem:$0x3FFB];
	_ =	sdelay $0x3  }
0x92: {  	_ =	strace s17  }
0x93: {  	s2 =	sld [smem:$0x3FFC];
	_ =	sdelay $0x3  }
0x94: {  	_ =	strace s2  }
0x95: {  	s2 =	sld [smem:$0x3FFD];
	_ =	sdelay $0x3  }
0x96: {  	_ =	strace s2  }
0x97: {  	_ =	strace $0x8FFFFFFF  }
0x98: {  	s18 =	sld [smem:$0x3FDB];
	_ =	sdelay $0x1  }
0x99: {  	s19 =	simm.s32 $_scs_section_size  }
0x9a: {  	s4 =	simm.s32 $_size__tile_overlayer_lowered;
	s5 =	simm.s32 $_tile_overlayer_lowered  }
0x9b: {  	s22 =	simm.s32 $0x1BFF;
	s21 =	sshll.u32 s5, $0x1;
	s2 =	sadd.s32 s19, s18  }
0x9c: {  	s6 =	simm.s32 $0x0;
	s20 =	sshll.u32 s4, $0x1;
	s4 =	sadd.s32 s21, s2  }
0x9d: {  	[timem:s6], [sflag:s22] =	dma.local [hbm:s4], s20  }
0x9e: {  	_ =	swait.ge [sflag:s22], s20  }
0x9f: {  	s3 =	ssub.s32 $0x0, s20;
	[sflag:s22] =	ssyncset.done $0x0  }
0xa0: {  	[sflag:s22] =	ssyncadd.s32 s3;
	_ =	sdelay $0x1  }
0xa1: {  	s23 =	simm.s32 $0x1B8B  }
0xa2: {  	_ =	swait.ge [sflag:s23], $0x1  }
0xa3: {  	[sflag:s23] =	ssyncset.done $0x0  }
0xa4: {  	s25 =	simm.s32 $0x1B8E;
	s24 =	sld [smem:$0x3FFE];
	[sflag:s23] =	ssyncadd.s32 $0xFFFFFFFF  }
0xa5: {  	s26 =	simm.s32 $execute0_lowered;
	[smem:$0x3FD2] =	sst s25  }
0xa6: {  	s4 =	sshll.u32 s26, $0x1;
	_ =	strace $0x8000004C;
	[dreg:$0x1] =	wrdreg $0xFFFFFFFF  }
0xa7: {  	s28 =	simm.s32 $_size_execute0_lowered;
	s2 =	sadd.s32 s2, s4;
	[dreg:$0x0] =	wrdreg $0x0  }
0xa8: {  	s4 =	sshll.u32 s28, $0x1;
	[dreg:$0x2] =	wrdreg s2  }
0xa9: {  	[dreg:$0x3] =	wrdreg s4  }
0xaa: {  	[dreg:$0x4] =	wrdreg $0xC0  }
0xab: {  	_ =	task [dreg:s6], $0x5FFFF  }
0xac: {  	[dreg:$0x1] =	wrdreg $0xFFFFFFFF  }
0xad: {  	[dreg:$0x0] =	wrdreg $0x60  }
0xae: {  	[dreg:$0x2] =	wrdreg s24  }
0xaf: {  	[dreg:$0x3] =	wrdreg $0xBC000  }
0xb0: {  	[dreg:$0x4] =	wrdreg $0x9  }
0xb1: {  	_ =	task.clear_ibuf [dreg:s6], $0x5FFFF;
	_ =	strace $0x9000004C  }
0xb2: {  	s29 =	simm.s32 $0x9;
	_ =	strace $0x8000004E  }
0xb3: {  	_ =	swait.ge [sflag:s29], $0x1  }
0xb4: {  	[sflag:s29] =	ssyncadd.s32 $0xFFFFFFFF  }
0xb5: {  	_ =	strace $0x9000004E  }
0xb6: {  	_ =	sfence  }
0xb7: {  	s30 =	sld [smem:$0x0];
	_ =	sdelay $0x2  }
0xb8: {  	s31 =	sshll.u32 s1, $0xD;
	s1 =	sshrl.u32 s1, $0x2  }
0xb9: {  	s3 =	sand.u32 $0x4000, s31;
	s1 =	sadd.s32 s1, s30  }
0xba: {  	s0 =	sor.u32 s3, s0;
	s1 =	sshll.u32 s1, $0x11  }
0xbb: {  	s0 =	sor.u32 s1, s0  }
0xbc: {  	s0 =	sadd.s32 $0x8F2B, s0  }
0xbd: {  	[sflag:s0] =	ssyncadd.remote.s32 $0x1  }
0xbe: {  	_ =	sfence.sel $0xFFFF  }
0xbf: {  	[dreg:$0x0] =	wrdreg $0xFFFFFFFF;
	(pc) =	sbr.abs _section_cstart, $3  }
0xc0: {  	[dreg:$0x1] =	wrdreg $0xFFFFFFFF  }
0xc1: {  	_ =	task.clear_ibuf [dreg:s6], $0x2FFFF;
	_ =	strace $0x9FFFFFFF  }
0xc2: {  	(tm) =	ssettm $0x7FFFFFFF  }
0xc3: {  	_ =	shalt  }
tec
execute0_lowered:
.L_overlay_start_1:
0x0: {  	(tag) =	ssettag $0x1  }
0x1: {  	s0 =	rddreg [dreg:$0x0]  }
0x2: {  	s2 =	rddreg [dreg:$0x1];
	s3 =	simm.s32 $0x0  }
0x3: {  	s12 =	stileid.u32;
	s4 =	srdreg.scid;
	s28 =	simm.s32 $0x100  }
0x4: {  	s30 =	simm.s32 $0x180;
	s29 =	simm.s32 $0x1;
	s31 =	simm.s32 $0x3  }
0x5: {  	[smem:$0x7FF] =	sst s3;
	s1 =	smul.u32 $0x14000, s12;
	s7 =	sand.u32 $0x1, s4  }
0x6: {  	s4 =	sadd.s32 $0x3CE00, s0;
	s5 =	sadd.s32 $0x8CE00, s0;
	s6 =	sadd.s32 $0x2E00, s0  }
0x7: {  	s26 =	smul.u32 $0x50000, s12;
	s20 =	sshll.u32 s12, $0x6;
	_ =	strace $0x8000004D  }
0x8: {  	s9 =	smul.u32 $0x140000, s7;
	s10 =	sshll.u32 s7, $0x4;
	s11 =	ssub.s32 $0x2, s7  }
0x9: {  	s8 =	sshrl.u32 s1, $0x3;
	s10 =	sor.u32 s12, s10;
	s13 =	sshrl.u32 s11, $0x1  }
0xa: {  	s8 =	sadd.s32 s8, s0;
	s1 =	sadd.s32 s1, s9;
	s9 =	sshrl.u32 s26, $0x2  }
0xb: {  	s7 =	smul.u32 $0x4800, s10;
	s14 =	ssub.s32 s11, s13;
	s10 =	sor.u32 $0x1C04, s20  }
0xc: {  	s1 =	sshrl.u32 s1, $0x3;
	s9 =	sadd.s32 s9, s2;
	s8 =	sadd.s32 $0x14E00, s8  }
0xd: {  	s0 =	sadd.s32 s1, s0;
	[dreg:$0x3] =	wrdreg s9;
	s21 =	sshrl.u32 s7, $0x3  }
0xe: {  	[dreg:$0x4] =	wrdreg s8;
	s22 =	sadd.s32 s5, s21;
	s23 =	sor.u32 $0x10, s21  }
0xf: {  	s24 =	sadd.s32 s6, s21;
	s16 =	sor.u32 $0x20, s21;
	s26 =	sor.u32 $0x30, s21  }
0x10: {  	s9 =	sor.u32 $0x40, s21;
	s21 =	sadd.s32 $0x9EE00, s0;
	[dreg:$0x5] =	wrdreg s22  }
0x11: {  	s0 =	simm.s32 $0x0;
	[dreg:$0x6] =	wrdreg s24;
	s25 =	sadd.s32 s5, s23  }
.Ltmp0:
0x12: {  	s8 =	sadd.s32 s6, s23;
	s15 =	sadd.s32 s5, s16;
	(pc) =	sbr.rel .LBB2_1-.Ltmp0, $4  }
0x13: {  	s16 =	sadd.s32 s6, s16;
	s17 =	sadd.s32 s5, s26;
	s18 =	sadd.s32 s6, s26  }
0x14: {  	s19 =	sadd.s32 s5, s9;
	s20 =	sadd.s32 s6, s9;
	s22 =	smax.u32 s14, $0x1  }
0x15: {  	s23 =	simm.s32 $0x4;
	s24 =	simm.s32 $0x2;
	[dreg:$0x7] =	wrdreg s25  }
0x16: {  	s26 =	simm.s32 $0x48;
	[dreg:$0x8] =	wrdreg s8;
	s25 =	simm.s32 $0x80  }
.LBB2_7:
0x17: {  	s0 =	sadd.s32 $0x1, s0  }
0x18: {  	p0 =	sne.s32 s0, s22  }
.Ltmp1:
0x19: {  	[bflag:$0x0] =	sbarrier.arrive $0xFFFF;
	(pc) =	sbr.rel @!p0 .LBB2_8-.Ltmp1, $4  }
0x1a: {  	[hbm:s21], [sflag:s10] =	dma.local [spmem:s1], $0x2800  }
0x1b: {  	_ =	swait.ge [sflag:s23], $0x2800  }
0x1c: {  	[sflag:s23] =	ssyncset.done $0x0  }
0x1d: {  	[sflag:s23] =	ssyncadd.s32 $0xFFFFD800  }
.LBB2_1:
0x1e: {  	s1 =	rddreg [dreg:$0x3]  }
0x1f: {  	s8 =	rddreg [dreg:$0x4];
	s1 =	sshrl.u32 s1, $0x3  }
0x20: {  	[spmem:s1], [sflag:s10] =	dma.local [hbm:s8], $0x2800  }
0x21: {  	_ =	swait.ge [sflag:s23], $0x2800  }
0x22: {  	[sflag:s23] =	ssyncset.done $0x0  }
0x23: {  	s12 =	rddreg [dreg:$0x5];
	[sflag:s23] =	ssyncadd.s32 $0xFFFFD800  }
0x24: {  	[tilespmem:s3], [sflag:$0x2] =	stream.linear.gather [hbm4b:s12+s3], $0x80, $0x38;
	[tilespmem:$0x1FC00] =	vst v63  }
0x25: {  	s9 =	simm.s32 $0x400;
	s13 =	rddreg [dreg:$0x6]  }
0x26: {  	[tilespmem:s9], [sflag:$0x3] =	stream.linear.gather [hbm4b:s13+s3], $0x80, $0x38;
	[tilespmem:$0x1FC00] =	vst v63  }
0x27: {  	s14 =	rddreg [dreg:$0x7]  }
0x28: {  	[tilespmem:s25], [sflag:$0x2] =	stream.linear.gather [hbm4b:s14+s3], $0x80, $0x38;
	[tilespmem:$0x1FC00] =	vst v63  }
0x29: {  	s11 =	simm.s32 $0x480;
	s9 =	rddreg [dreg:$0x8]  }
0x2a: {  	[tilespmem:s11], [sflag:$0x3] =	stream.linear.gather [hbm4b:s9+s3], $0x80, $0x38;
	[tilespmem:$0x1FC00] =	vst v63  }
0x2b: {  	_ = 	snop  }
0x2c: {  	[tilespmem:s28], [sflag:$0x2] =	stream.linear.gather [hbm4b:s15+s3], $0x80, $0x38;
	[tilespmem:$0x1FC00] =	vst v63  }
0x2d: {  	s12 =	simm.s32 $0x500  }
0x2e: {  	[tilespmem:s12], [sflag:$0x3] =	stream.linear.gather [hbm4b:s16+s3], $0x80, $0x38;
	[tilespmem:$0x1FC00] =	vst v63  }
0x2f: {  	_ = 	snop  }
0x30: {  	[tilespmem:s30], [sflag:$0x2] =	stream.linear.gather [hbm4b:s17+s3], $0x80, $0x38;
	[tilespmem:$0x1FC00] =	vst v63  }
0x31: {  	s13 =	simm.s32 $0x580  }
0x32: {  	[tilespmem:s13], [sflag:$0x3] =	stream.linear.gather [hbm4b:s18+s3], $0x80, $0x38;
	[tilespmem:$0x1FC00] =	vst v63  }
0x33: {  	s14 =	simm.s32 $0x200  }
0x34: {  	[tilespmem:s14], [sflag:$0x2] =	stream.linear.gather [hbm4b:s19+s3], $0x80, $0x38;
	[tilespmem:$0x1FC00] =	vst v63  }
0x35: {  	s9 =	simm.s32 $0x600  }
0x36: {  	[tilespmem:s9], [sflag:$0x3] =	stream.linear.gather [hbm4b:s20+s3], $0x80, $0x38;
	[tilespmem:$0x1FC00] =	vst v63  }
0x37: {  	[bflag:$0x0] =	sbarrier.arrive $0xFFFF  }
0x38: {  	_ =	swait.ge [sflag:s24], $0x80  }
0x39: {  	[sflag:s24] =	ssyncset.done $0x0  }
0x3a: {  	s11 =	simm.s32 $0x800;
	[sflag:s24] =	ssyncadd.s32 $0xFFFFFF80  }
0x3b: {  	[tilespmem:s11], [sflag:$0x1] =	stream.indirect.gather [hbm4b:s4+s26], $0x80, s3, s26, $0xb8;
	[tilespmem:$0x1FC00] =	vst v63  }
0x3c: {  	_ =	swait.ge [sflag:s24], $0x80  }
0x3d: {  	[sflag:s24] =	ssyncset.done $0x0  }
0x3e: {  	s12 =	simm.s32 $0x2C00;
	[sflag:s24] =	ssyncadd.s32 $0xFFFFFF80  }
0x3f: {  	[tilespmem:s12], [sflag:$0x1] =	stream.indirect.gather [hbm4b:s4+s26], $0x80, s25, s26, $0xb8;
	[tilespmem:$0x1FC00] =	vst v63  }
0x40: {  	_ =	swait.ge [sflag:s24], $0x80  }
0x41: {  	[sflag:s24] =	ssyncset.done $0x0  }
0x42: {  	s13 =	simm.s32 $0x5000;
	[sflag:s24] =	ssyncadd.s32 $0xFFFFFF80  }
0x43: {  	[tilespmem:s13], [sflag:$0x1] =	stream.indirect.gather [hbm4b:s4+s26], $0x80, s28, s26, $0xb8;
	[tilespmem:$0x1FC00] =	vst v63  }
.Ltmp2:
0x44: {  	_ = 	snop;
	(pc) =	sbr.rel .LBB2_2-.Ltmp2, $4  }
0x45: {  	_ =	swait.ge [sflag:s24], $0x80  }
0x46: {  	s8 =	simm.s32 $0x280;
	[sflag:s24] =	ssyncset.done $0x0  }
0x47: {  	s14 =	simm.s32 $0x7400;
	s9 =	simm.s32 $0x0;
	[sflag:s24] =	ssyncadd.s32 $0xFFFFFF80  }
0x48: {  	[tilespmem:s14], [sflag:$0x1] =	stream.indirect.gather [hbm4b:s4+s26], $0x80, s30, s26, $0xb8;
	[tilespmem:$0x1FC00] =	vst v63  }
.LBB2_3:
0x49: {  	s11 =	sadd.s32 $0x5, s9  }
0x4a: {  	s12 =	smul.u32 $0xAB, s11;
	_ =	sdelay $0x1  }
0x4b: {  	s12 =	sshrl.u32 s12, $0xA  }
0x4c: {  	s12 =	sand.u32 $0x3F, s12  }
0x4d: {  	s13 =	sand.u32 $0xFC00, s8;
	s12 =	smul.u32 $0x6, s12  }
0x4e: {  	s14 =	sand.u32 $0x380, s8;
	s13 =	sadd.s32 s7, s13  }
0x4f: {  	s13 =	sor.u32 s14, s13;
	s11 =	ssub.s32 s11, s12  }
0x50: {  	s14 =	sshrl.u32 s13, $0x3;
	s11 =	sand.u32 $0xFF, s11  }
0x51: {  	s13 =	sadd.s32 s5, s14;
	s11 =	sshll.u32 s11, $0x7  }
0x52: {  	[tilespmem:s11], [sflag:$0x2] =	stream.linear.gather [hbm4b:s13+s3], $0x80, $0x38;
	[tilespmem:$0x1FC00] =	vst v63  }
0x53: {  	s12 =	sadd.s32 s6, s14;
	s11 =	sor.u32 $0x400, s11  }
0x54: {  	[tilespmem:s11], [sflag:$0x3] =	stream.linear.gather [hbm4b:s12+s3], $0x80, $0x38;
	[tilespmem:$0x1FC00] =	vst v63  }
.LBB2_5:
0x55: {  	s11 =	sadd.s32 $0x4, s9  }
0x56: {  	s12 =	sand.u32 $0xFF, s11  }
0x57: {  	s13 =	smul.u32 $0xCD, s12;
	_ =	sdelay $0x1  }
0x58: {  	s12 =	smul.u32 $0xAB, s12;
	s13 =	sshrl.u32 s13, $0xA  }
0x59: {  	s13 =	smul.u32 $0x5, s13;
	_ =	sdelay $0x1  }
0x5a: {  	s12 =	sshrl.u32 s12, $0xA;
	s13 =	ssub.s32 s11, s13  }
0x5b: {  	s12 =	smul.u32 $0x6, s12;
	s13 =	sand.u32 $0xFF, s13  }
0x5c: {  	s13 =	smul.u32 $0x9000, s13  }
0x5d: {  	_ =	swait.ge [sflag:s24], $0x80;
	s11 =	ssub.s32 s11, s12  }
0x5e: {  	[sflag:s24] =	ssyncset.done $0x0;
	s11 =	sand.u32 $0xFF, s11;
	s14 =	sshrl.u32 s13, $0x2  }
0x5f: {  	[sflag:s24] =	ssyncadd.s32 $0xFFFFFF80;
	s11 =	sshll.u32 s11, $0x7;
	s12 =	sadd.s32 $0x800, s14  }
0x60: {  	[tilespmem:s12], [sflag:$0x1] =	stream.indirect.gather [hbm4b:s4+s26], $0x80, s11, s26, $0xb8;
	[tilespmem:$0x1FC00] =	vst v63  }
.LBB2_6:
0x61: {  	s11 =	smul.u32 $0xCD, s9;
	_ =	sdelay $0x1  }
0x62: {  	s12 =	smul.u32 $0xAB, s9;
	s11 =	sshrl.u32 s11, $0xA  }
0x63: {  	s11 =	sand.u32 $0x3F, s11  }
0x64: {  	_ =	swait.ge [sflag:s29], $0x2400;
	s12 =	sshrl.u32 s12, $0xA;
	s11 =	smul.u32 $0x5, s11  }
0x65: {  	[sflag:s29] =	ssyncset.done $0x0;
	s12 =	sand.u32 $0x3F, s12  }
0x66: {  	[sflag:s29] =	ssyncadd.s32 $0xFFFFDC00;
	s12 =	smul.u32 $0x6, s12;
	s11 =	ssub.s32 s9, s11  }
0x67: {  	_ =	swait.ge [sflag:s31], $0x80;
	s11 =	sand.u32 $0xFF, s11  }
0x68: {  	[sflag:s31] =	ssyncset.done $0x0;
	s12 =	ssub.s32 s9, s12;
	s11 =	smul.u32 $0x9000, s11  }
0x69: {  	[sflag:s31] =	ssyncadd.s32 $0xFFFFFF80;
	s9 =	sadd.s32 $0x1, s9;
	s12 =	sand.u32 $0xF7, s12  }
0x6a: {  	p0 =	sne.s32 s9, $0x8B;
	s12 =	sshll.u32 s12, $0x7;
	s11 =	sshrl.u32 s11, $0x2  }
.Ltmp3:
0x6b: {  	s12 =	sor.u32 $0x400, s12;
	s11 =	sadd.s32 $0x800, s11;
	(pc) =	sbr.rel @!p0 .LBB2_7-.Ltmp3, $4  }
0x6c: {  	[spmem:s2] =	stream.indirect.scatter.add.f32 [tilespmem:s11], [sflag:$0x4], $0x80, s12, s26, $0xb8;
	[tilespmem:$0x1FC00] =	vst v63  }
0x6d: {  	_ =	swait.ge [sflag:s23], $0x2400  }
0x6e: {  	[sflag:s23] =	ssyncset.done $0x0  }
0x6f: {  	s8 =	sadd.s32 $0x80, s8;
	[sflag:s23] =	ssyncadd.s32 $0xFFFFDC00  }
.LBB2_2:
0x70: {  	p0 =	sgt.u32 s9, $0x85  }
.Ltmp4:
0x71: {  	_ = 	snop;
	(pc) =	sbr.rel @!p0 .LBB2_3-.Ltmp4, $1  }
0x72: {  	_ =	sdelay $0x3  }
0x73: {  	p0 =	sne.s32 s9, $0x86  }
.Ltmp5:
0x74: {  	_ = 	snop;
	(pc) =	sbr.rel @p0 .LBB2_6-.Ltmp5, $4  }
.Ltmp6:
0x75: {  	_ = 	snop;
	(pc) =	sbr.rel @!p0 .LBB2_5-.Ltmp6, $4  }
0x76: {  	_ = 	snop  }
0x77: {  	_ = 	snop  }
0x78: {  	_ = 	snop  }
0x79: {  	_ = 	snop  }
.LBB2_8:
0x7a: {  	_ =	sfence.sel $0x180000  }
0x7b: {  	[bflag:$0x0] =	sbarrier.arrive $0xFFFF  }
0x7c: {  	_ =	strace $0x9000004D  }
0x7d: {  	s0 =	stileid.u32;
	[bflag:$0x2] =	sbarrier.arrive $0xFFFF  }
0x7e: {  	p0 =	sne.s32 s0, $0x0;
	s0 =	rddreg [dreg:$0x2]  }
0x7f: {  	s0 =	sadd.s32 @!p0 $0x100000, s0  }
0x80: {  	[sflag:s0] =	ssyncadd.tile.s32 @!p0 $0x1;
	_ =	shalt  }
.Lfunc_end2:
_tile_overlayer_lowered:
.L_overlay_start_2:
0x81: {  	(tag) =	ssettag $0x2  }
0x82: {  	s0 =	rddreg [dreg:$0x0];
	s2 =	stileid.u32  }
0x83: {  	s1 =	rddreg [dreg:$0x1];
	p0 =	sne.s32 s2, $0x0  }
0x84: {  	s3 =	rddreg [dreg:$0x2];
	[bflag:$0x3] =	sbarrier.arrive $0xFFFF;
	s2 =	simm.s32 @!p0 $0x1C04  }
0x85: {  	[timem:s3], [sflag:s2] =	dma.local @!p0 [hbm:s0], s1  }
0x86: {  	s0 =	simm.s32 @!p0 $0x4  }
0x87: {  	_ =	swait.ge @!p0 [sflag:s0], s1  }
0x88: {  	s1 =	ssub.s32 @!p0 $0x0, s1;
	[sflag:s0] =	ssyncset.done @!p0 $0x0  }
0x89: {  	[sflag:s0] =	ssyncadd.s32 @!p0 s1  }
0x8a: {  	[bflag:$0x3] =	sbarrier.arrive $0xFFFF  }
0x8b: {  	_ =	shalt  }

// kernel: kernel.19.cloned.1.call-start
scs
__scs_entry_jumppad:
0x0: {  	(pc) =	sbr.rel $0x88, $3  }
0x1: {  	(tag) =	ssettag $0x0;
	lr =	simm.s32 $0x1  }
0x2: {  	[smem:$0x3F99] =	sst lr;
	_ =	strace $0xD0000000  }
0x3: {  	_ = 	snop  }
0x4: {  	_ = 	snop  }
0x5: {  	_ = 	snop  }
0x6: {  	_ = 	snop  }
0x7: {  	_ = 	snop  }
__scs_overlays_trampoline_lowered:
0x8: {  	[smem:$0x3FA8] =	sst s0  }
0x9: {  	[smem:$0x3FA9] =	sst s1  }
0xa: {  	[smem:$0x3FAA] =	sst s2  }
0xb: {  	[smem:$0x3FAB] =	sst s3  }
0xc: {  	[smem:$0x3FAC] =	sst s4  }
0xd: {  	[smem:$0x3FAD] =	sst s5  }
0xe: {  	[smem:$0x3FAE] =	sst s6  }
0xf: {  	[smem:$0x3FAF] =	sst s7  }
0x10: {  	[smem:$0x3FB0] =	sst s8  }
0x11: {  	[smem:$0x3FB1] =	sst s9;
	s0 =	simm.s32 @!p0 $0x0  }
0x12: {  	s1 =	sld [smem:$0x3F97];
	s0 =	simm.s32 @p0 $0x1  }
0x13: {  	[smem:$0x3FB2] =	sst s0;
	s0 =	simm.s32 @!p1 $0x0  }
0x14: {  	s2 =	sld [smem:$0x3F96];
	s0 =	simm.s32 @p1 $0x1  }
0x15: {  	[smem:$0x3FB3] =	sst s0;
	s0 =	simm.s32 @!p2 $0x0  }
0x16: {  	s3 =	sld [smem:$0x3FDB];
	s0 =	simm.s32 @p2 $0x1  }
0x17: {  	s4 =	simm.s32 $0x1BF5;
	[smem:$0x3FB5] =	sst s0  }
0x18: {  	s0 =	sld [smem:$0x3F98];
	_ =	swait.ge [sflag:s4], $0x0  }
0x19: {  	s7 =	sld [smem:$0x3F99]  }
0x1a: {  	s8 =	sadd.s32 $0xFFFFE003, lr  }
0x1b: {  	s9 =	sadd.s32 $0xFFFFFEF7, lr;
	s5 =	simm.s32 $0xFFFFFFFF;
	p2 =	slt.u32 s8, $0xFFFFF086  }
0x1c: {  	p1 =	slt.u32 s9, $0xF7A;
	s5 =	simm.s32 @!p2 $0x0  }
0x1d: {  	s5 =	simm.s32 @p1 $0x1;
	p0 =	seq.s32 s7, s2  }
0x1e: {  	s7 =	smul.u32 @!p0 $0xF7A, s2;
	p2 =	seq.s32 @!p0 s5, $0x0  }
0x1f: {  	s9 =	smul.u32 $0xF7A, s1;
	s8 =	simm.s32 @!p0 $0x1BF5;
	p2 =	por !p2, p0  }
0x20: {  	[sflag:s8] =	ssyncset.s32 @!p0 $0xFFFFF086;
	s6 =	sadd.s32 @!p0 s3, s7;
	s7 =	simm.s32 @!p0 $0x108  }
0x21: {  	s3 =	sadd.s32 s3, s9;
	s6 =	sadd.s32 @!p0 $0x88, s6;
	s7 =	simm.s32 @p2 $0x1082  }
0x22: {  	[simem:s7], [sflag:s8] =	dma.local @!p0 [hbm:s6], $0xF7A  }
0x23: {  	s9 =	sor.u32 $0xD0000000, s2;
	s6 =	simm.s32 $0x108;
	_ =	swait.ge @!p0 [sflag:s8], $0x0  }
0x24: {  	s3 =	sadd.s32 $0x88, s3;
	s6 =	simm.s32 @!p1 $0x1082;
	[sflag:s4] =	ssyncset.s32 $0xFFFFF086  }
0x25: {  	[simem:s6], [sflag:s4] =	dma.local [hbm:s3], $0xF7A  }
0x26: {  	[smem:$0x3F99] =	sst s1;
	(tag) =	ssettag s2;
	_ =	strace s9  }
0x27: {  	s1 =	sld [smem:$0x3FA9]  }
0x28: {  	s2 =	sld [smem:$0x3FAA]  }
0x29: {  	s4 =	sld [smem:$0x3FAC]  }
0x2a: {  	p0 =	seq.s32 s5, $0x0;
	s5 =	sld [smem:$0x3FAD]  }
0x2b: {  	s6 =	sld [smem:$0x3FAE]  }
0x2c: {  	s7 =	sld [smem:$0x3FAF]  }
0x2d: {  	s3 =	simm.s32 $0x108;
	s8 =	sld [smem:$0x3FB0]  }
0x2e: {  	s3 =	simm.s32 @!p0 $0x1082;
	s9 =	sld [smem:$0x3FB1]  }
0x2f: {  	lr =	sadd.s32 s0, s3;
	s0 =	sld [smem:$0x3FA8]  }
0x30: {  	s3 =	sld [smem:$0x3FAB]  }
0x31: {  	[smem:$0x3FB4] =	sst s10  }
0x32: {  	s10 =	sld [smem:$0x3FB2];
	_ =	sdelay $0x3  }
0x33: {  	p0 =	seq.s32 s10, $0x1;
	s10 =	sld [smem:$0x3FB4];
	_ =	sdelay $0x3  }
0x34: {  	[smem:$0x3FB4] =	sst s10  }
0x35: {  	s10 =	sld [smem:$0x3FB3];
	_ =	sdelay $0x3  }
0x36: {  	p1 =	seq.s32 s10, $0x1;
	s10 =	sld [smem:$0x3FB4];
	_ =	sdelay $0x3  }
0x37: {  	[smem:$0x3FB4] =	sst s10  }
0x38: {  	s10 =	sld [smem:$0x3FB5]  }
0x39: {  	_ = 	snop;
	(pc) =	sbr.ind lr, $3  }
0x3a: {  	_ = 	snop  }
0x3b: {  	_ = 	snop  }
0x3c: {  	p2 =	seq.s32 s10, $0x1;
	s10 =	sld [smem:$0x3FB4]  }
0x3d: {  	_ =	shalt  }
0x3e: {  	_ =	shalt  }
0x3f: {  	_ =	shalt  }
0x40: {  	_ =	shalt  }
0x41: {  	_ =	shalt  }
0x42: {  	_ =	shalt  }
0x43: {  	_ =	shalt  }
0x44: {  	_ =	shalt  }
0x45: {  	_ =	shalt  }
0x46: {  	_ =	shalt  }
0x47: {  	_ =	shalt  }
0x48: {  	_ =	shalt  }
0x49: {  	_ =	shalt  }
0x4a: {  	_ =	shalt  }
0x4b: {  	_ =	shalt  }
0x4c: {  	_ =	shalt  }
0x4d: {  	_ =	shalt  }
0x4e: {  	_ =	shalt  }
0x4f: {  	_ =	shalt  }
0x50: {  	_ =	shalt  }
0x51: {  	_ =	shalt  }
0x52: {  	_ =	shalt  }
0x53: {  	_ =	shalt  }
0x54: {  	_ =	shalt  }
0x55: {  	_ =	shalt  }
0x56: {  	_ =	shalt  }
0x57: {  	_ =	shalt  }
0x58: {  	_ =	shalt  }
0x59: {  	_ =	shalt  }
0x5a: {  	_ =	shalt  }
0x5b: {  	_ =	shalt  }
0x5c: {  	_ =	shalt  }
0x5d: {  	_ =	shalt  }
0x5e: {  	_ =	shalt  }
0x5f: {  	_ =	shalt  }
0x60: {  	_ =	shalt  }
0x61: {  	_ =	shalt  }
0x62: {  	_ =	shalt  }
0x63: {  	_ =	shalt  }
0x64: {  	_ =	shalt  }
0x65: {  	_ =	shalt  }
0x66: {  	_ =	shalt  }
0x67: {  	_ =	shalt  }
0x68: {  	_ =	shalt  }
0x69: {  	_ =	shalt  }
0x6a: {  	_ =	shalt  }
0x6b: {  	_ =	shalt  }
0x6c: {  	_ =	shalt  }
0x6d: {  	_ =	shalt  }
0x6e: {  	_ =	shalt  }
0x6f: {  	_ =	shalt  }
0x70: {  	_ =	shalt  }
0x71: {  	_ =	shalt  }
0x72: {  	_ =	shalt  }
0x73: {  	_ =	shalt  }
0x74: {  	_ =	shalt  }
0x75: {  	_ =	shalt  }
0x76: {  	_ =	shalt  }
0x77: {  	_ =	shalt  }
0x78: {  	_ =	shalt  }
0x79: {  	_ =	shalt  }
0x7a: {  	_ =	shalt  }
0x7b: {  	_ =	shalt  }
0x7c: {  	_ =	shalt  }
0x7d: {  	_ =	shalt  }
0x7e: {  	_ =	shalt  }
0x7f: {  	_ =	shalt  }
0x80: {  	_ =	shalt  }
0x81: {  	_ =	shalt  }
0x82: {  	_ =	shalt  }
0x83: {  	_ =	shalt  }
0x84: {  	_ =	shalt  }
0x85: {  	_ =	shalt  }
0x86: {  	_ =	shalt  }
0x87: {  	_ =	shalt  }
.Lfunc_end0:
.L_simem_size_0:
called_computation.3_lowered:
.L_overlay_start_0:
0x88: {  	s2 =	sld [smem:$0x3FD9]  }
0x89: {  	s3 =	sld [smem:$0x3FFE];
	_ =	sdelay $0x1  }
0x8a: {  	s1 =	srdreg.scid  }
0x8b: {  	s0 =	sand.u32 $0x1, s1  }
0x8c: {  	s16 =	sshll.u32 s0, $0xA;
	s2 =	sadd.s32 s3, s2  }
0x8d: {  	s2 =	sadd.s32 s2, s16  }
0x8e: {  	[smem:$0x3FC0] =	sst s2  }
0x8f: {  	_ = 	snop  }
0x90: {  	(tm) =	ssettm $0x1  }
0x91: {  	s17 =	sld [smem:$0x3FFB];
	_ =	sdelay $0x3  }
0x92: {  	_ =	strace s17  }
0x93: {  	s2 =	sld [smem:$0x3FFC];
	_ =	sdelay $0x3  }
0x94: {  	_ =	strace s2  }
0x95: {  	s2 =	sld [smem:$0x3FFD];
	_ =	sdelay $0x3  }
0x96: {  	_ =	strace s2  }
0x97: {  	_ =	strace $0x8FFFFFFF  }
0x98: {  	s18 =	sld [smem:$0x3FDB];
	_ =	sdelay $0x1  }
0x99: {  	s19 =	simm.s32 $_scs_section_size  }
0x9a: {  	s4 =	simm.s32 $_size__tile_overlayer_lowered;
	s5 =	simm.s32 $_tile_overlayer_lowered  }
0x9b: {  	s22 =	simm.s32 $0x1BFF;
	s21 =	sshll.u32 s5, $0x1;
	s2 =	sadd.s32 s19, s18  }
0x9c: {  	s6 =	simm.s32 $0x0;
	s20 =	sshll.u32 s4, $0x1;
	s4 =	sadd.s32 s21, s2  }
0x9d: {  	[timem:s6], [sflag:s22] =	dma.local [hbm:s4], s20  }
0x9e: {  	_ =	swait.ge [sflag:s22], s20  }
0x9f: {  	s3 =	ssub.s32 $0x0, s20;
	[sflag:s22] =	ssyncset.done $0x0  }
0xa0: {  	[sflag:s22] =	ssyncadd.s32 s3;
	_ =	sdelay $0x1  }
0xa1: {  	s23 =	simm.s32 $0x1B8B  }
0xa2: {  	_ =	swait.ge [sflag:s23], $0x1  }
0xa3: {  	[sflag:s23] =	ssyncset.done $0x0  }
0xa4: {  	s25 =	simm.s32 $0x1B8E;
	s24 =	sld [smem:$0x3FFE];
	[sflag:s23] =	ssyncadd.s32 $0xFFFFFFFF  }
0xa5: {  	s26 =	simm.s32 $execute0_lowered;
	[smem:$0x3FD2] =	sst s25  }
0xa6: {  	s4 =	sshll.u32 s26, $0x1;
	_ =	strace $0x8000004F;
	[dreg:$0x1] =	wrdreg $0xFFFFFFFF  }
0xa7: {  	s28 =	simm.s32 $_size_execute0_lowered;
	s2 =	sadd.s32 s2, s4;
	[dreg:$0x0] =	wrdreg $0x0  }
0xa8: {  	s4 =	sshll.u32 s28, $0x1;
	[dreg:$0x2] =	wrdreg s2  }
0xa9: {  	[dreg:$0x3] =	wrdreg s4  }
0xaa: {  	[dreg:$0x4] =	wrdreg $0xC0  }
0xab: {  	_ =	task [dreg:s6], $0x5FFFF  }
0xac: {  	[dreg:$0x1] =	wrdreg $0xFFFFFFFF  }
0xad: {  	[dreg:$0x0] =	wrdreg $0x60  }
0xae: {  	[dreg:$0x2] =	wrdreg s24  }
0xaf: {  	[dreg:$0x3] =	wrdreg $0xBC000  }
0xb0: {  	[dreg:$0x4] =	wrdreg $0x9  }
0xb1: {  	_ =	task.clear_ibuf [dreg:s6], $0x5FFFF;
	_ =	strace $0x9000004F  }
0xb2: {  	s29 =	simm.s32 $0x9;
	_ =	strace $0x80000051  }
0xb3: {  	_ =	swait.ge [sflag:s29], $0x1  }
0xb4: {  	[sflag:s29] =	ssyncadd.s32 $0xFFFFFFFF  }
0xb5: {  	_ =	strace $0x90000051  }
0xb6: {  	_ =	sfence  }
0xb7: {  	s30 =	sld [smem:$0x0];
	_ =	sdelay $0x2  }
0xb8: {  	s31 =	sshll.u32 s1, $0xD;
	s1 =	sshrl.u32 s1, $0x2  }
0xb9: {  	s3 =	sand.u32 $0x4000, s31;
	s1 =	sadd.s32 s1, s30  }
0xba: {  	s0 =	sor.u32 s3, s0;
	s1 =	sshll.u32 s1, $0x11  }
0xbb: {  	s0 =	sor.u32 s1, s0  }
0xbc: {  	s0 =	sadd.s32 $0x8F2B, s0  }
0xbd: {  	[sflag:s0] =	ssyncadd.remote.s32 $0x1  }
0xbe: {  	_ =	sfence.sel $0xFFFF  }
0xbf: {  	[dreg:$0x0] =	wrdreg $0xFFFFFFFF;
	(pc) =	sbr.abs _section_cstart, $3  }
0xc0: {  	[dreg:$0x1] =	wrdreg $0xFFFFFFFF  }
0xc1: {  	_ =	task.clear_ibuf [dreg:s6], $0x2FFFF;
	_ =	strace $0x9FFFFFFF  }
0xc2: {  	(tm) =	ssettm $0x7FFFFFFF  }
0xc3: {  	_ =	shalt  }
tec
execute0_lowered:
.L_overlay_start_1:
0x0: {  	(tag) =	ssettag $0x1  }
0x1: {  	s0 =	rddreg [dreg:$0x0]  }
0x2: {  	s2 =	rddreg [dreg:$0x1];
	s3 =	simm.s32 $0x0  }
0x3: {  	s12 =	stileid.u32;
	s4 =	srdreg.scid;
	s28 =	simm.s32 $0x100  }
0x4: {  	s30 =	simm.s32 $0x180;
	s29 =	simm.s32 $0x1;
	s31 =	simm.s32 $0x3  }
0x5: {  	[smem:$0x7FF] =	sst s3;
	s1 =	smul.u32 $0x14000, s12;
	s7 =	sand.u32 $0x1, s4  }
0x6: {  	s4 =	sadd.s32 $0x3CE00, s0;
	s5 =	sadd.s32 $0x8CE00, s0;
	s6 =	sadd.s32 $0x2E00, s0  }
0x7: {  	s26 =	smul.u32 $0x50000, s12;
	s20 =	sshll.u32 s12, $0x6;
	_ =	strace $0x80000050  }
0x8: {  	s9 =	smul.u32 $0x140000, s7;
	s10 =	sshll.u32 s7, $0x4;
	s11 =	ssub.s32 $0x2, s7  }
0x9: {  	s8 =	sshrl.u32 s1, $0x3;
	s10 =	sor.u32 s12, s10;
	s13 =	sshrl.u32 s11, $0x1  }
0xa: {  	s8 =	sadd.s32 s8, s0;
	s1 =	sadd.s32 s1, s9;
	s9 =	sshrl.u32 s26, $0x2  }
0xb: {  	s7 =	smul.u32 $0x4800, s10;
	s14 =	ssub.s32 s11, s13;
	s10 =	sor.u32 $0x1C04, s20  }
0xc: {  	s1 =	sshrl.u32 s1, $0x3;
	s9 =	sadd.s32 s9, s2;
	s8 =	sadd.s32 $0x14E00, s8  }
0xd: {  	s0 =	sadd.s32 s1, s0;
	[dreg:$0x3] =	wrdreg s9;
	s21 =	sshrl.u32 s7, $0x3  }
0xe: {  	[dreg:$0x4] =	wrdreg s8;
	s22 =	sadd.s32 s5, s21;
	s23 =	sor.u32 $0x10, s21  }
0xf: {  	s24 =	sadd.s32 s6, s21;
	s16 =	sor.u32 $0x20, s21;
	s26 =	sor.u32 $0x30, s21  }
0x10: {  	s9 =	sor.u32 $0x40, s21;
	s21 =	sadd.s32 $0x9EE00, s0;
	[dreg:$0x5] =	wrdreg s22  }
0x11: {  	s0 =	simm.s32 $0x0;
	[dreg:$0x6] =	wrdreg s24;
	s25 =	sadd.s32 s5, s23  }
.Ltmp0:
0x12: {  	s8 =	sadd.s32 s6, s23;
	s15 =	sadd.s32 s5, s16;
	(pc) =	sbr.rel .LBB2_1-.Ltmp0, $4  }
0x13: {  	s16 =	sadd.s32 s6, s16;
	s17 =	sadd.s32 s5, s26;
	s18 =	sadd.s32 s6, s26  }
0x14: {  	s19 =	sadd.s32 s5, s9;
	s20 =	sadd.s32 s6, s9;
	s22 =	smax.u32 s14, $0x1  }
0x15: {  	s23 =	simm.s32 $0x4;
	s24 =	simm.s32 $0x2;
	[dreg:$0x7] =	wrdreg s25  }
0x16: {  	s26 =	simm.s32 $0x48;
	[dreg:$0x8] =	wrdreg s8;
	s25 =	simm.s32 $0x80  }
.LBB2_7:
0x17: {  	s0 =	sadd.s32 $0x1, s0  }
0x18: {  	p0 =	sne.s32 s0, s22  }
.Ltmp1:
0x19: {  	[bflag:$0x0] =	sbarrier.arrive $0xFFFF;
	(pc) =	sbr.rel @!p0 .LBB2_8-.Ltmp1, $4  }
0x1a: {  	[hbm:s21], [sflag:s10] =	dma.local [spmem:s1], $0x2800  }
0x1b: {  	_ =	swait.ge [sflag:s23], $0x2800  }
0x1c: {  	[sflag:s23] =	ssyncset.done $0x0  }
0x1d: {  	[sflag:s23] =	ssyncadd.s32 $0xFFFFD800  }
.LBB2_1:
0x1e: {  	s1 =	rddreg [dreg:$0x3]  }
0x1f: {  	s8 =	rddreg [dreg:$0x4];
	s1 =	sshrl.u32 s1, $0x3  }
0x20: {  	[spmem:s1], [sflag:s10] =	dma.local [hbm:s8], $0x2800  }
0x21: {  	_ =	swait.ge [sflag:s23], $0x2800  }
0x22: {  	[sflag:s23] =	ssyncset.done $0x0  }
0x23: {  	s12 =	rddreg [dreg:$0x5];
	[sflag:s23] =	ssyncadd.s32 $0xFFFFD800  }
0x24: {  	[tilespmem:s3], [sflag:$0x2] =	stream.linear.gather [hbm4b:s12+s3], $0x80, $0x38;
	[tilespmem:$0x1FC00] =	vst v63  }
0x25: {  	s9 =	simm.s32 $0x400;
	s13 =	rddreg [dreg:$0x6]  }
0x26: {  	[tilespmem:s9], [sflag:$0x3] =	stream.linear.gather [hbm4b:s13+s3], $0x80, $0x38;
	[tilespmem:$0x1FC00] =	vst v63  }
0x27: {  	s14 =	rddreg [dreg:$0x7]  }
0x28: {  	[tilespmem:s25], [sflag:$0x2] =	stream.linear.gather [hbm4b:s14+s3], $0x80, $0x38;
	[tilespmem:$0x1FC00] =	vst v63  }
0x29: {  	s11 =	simm.s32 $0x480;
	s9 =	rddreg [dreg:$0x8]  }
0x2a: {  	[tilespmem:s11], [sflag:$0x3] =	stream.linear.gather [hbm4b:s9+s3], $0x80, $0x38;
	[tilespmem:$0x1FC00] =	vst v63  }
0x2b: {  	_ = 	snop  }
0x2c: {  	[tilespmem:s28], [sflag:$0x2] =	stream.linear.gather [hbm4b:s15+s3], $0x80, $0x38;
	[tilespmem:$0x1FC00] =	vst v63  }
0x2d: {  	s12 =	simm.s32 $0x500  }
0x2e: {  	[tilespmem:s12], [sflag:$0x3] =	stream.linear.gather [hbm4b:s16+s3], $0x80, $0x38;
	[tilespmem:$0x1FC00] =	vst v63  }
0x2f: {  	_ = 	snop  }
0x30: {  	[tilespmem:s30], [sflag:$0x2] =	stream.linear.gather [hbm4b:s17+s3], $0x80, $0x38;
	[tilespmem:$0x1FC00] =	vst v63  }
0x31: {  	s13 =	simm.s32 $0x580  }
0x32: {  	[tilespmem:s13], [sflag:$0x3] =	stream.linear.gather [hbm4b:s18+s3], $0x80, $0x38;
	[tilespmem:$0x1FC00] =	vst v63  }
0x33: {  	s14 =	simm.s32 $0x200  }
0x34: {  	[tilespmem:s14], [sflag:$0x2] =	stream.linear.gather [hbm4b:s19+s3], $0x80, $0x38;
	[tilespmem:$0x1FC00] =	vst v63  }
0x35: {  	s9 =	simm.s32 $0x600  }
0x36: {  	[tilespmem:s9], [sflag:$0x3] =	stream.linear.gather [hbm4b:s20+s3], $0x80, $0x38;
	[tilespmem:$0x1FC00] =	vst v63  }
0x37: {  	[bflag:$0x0] =	sbarrier.arrive $0xFFFF  }
0x38: {  	_ =	swait.ge [sflag:s24], $0x80  }
0x39: {  	[sflag:s24] =	ssyncset.done $0x0  }
0x3a: {  	s11 =	simm.s32 $0x800;
	[sflag:s24] =	ssyncadd.s32 $0xFFFFFF80  }
0x3b: {  	[tilespmem:s11], [sflag:$0x1] =	stream.indirect.gather [hbm4b:s4+s26], $0x80, s3, s26, $0xb8;
	[tilespmem:$0x1FC00] =	vst v63  }
0x3c: {  	_ =	swait.ge [sflag:s24], $0x80  }
0x3d: {  	[sflag:s24] =	ssyncset.done $0x0  }
0x3e: {  	s12 =	simm.s32 $0x2C00;
	[sflag:s24] =	ssyncadd.s32 $0xFFFFFF80  }
0x3f: {  	[tilespmem:s12], [sflag:$0x1] =	stream.indirect.gather [hbm4b:s4+s26], $0x80, s25, s26, $0xb8;
	[tilespmem:$0x1FC00] =	vst v63  }
0x40: {  	_ =	swait.ge [sflag:s24], $0x80  }
0x41: {  	[sflag:s24] =	ssyncset.done $0x0  }
0x42: {  	s13 =	simm.s32 $0x5000;
	[sflag:s24] =	ssyncadd.s32 $0xFFFFFF80  }
0x43: {  	[tilespmem:s13], [sflag:$0x1] =	stream.indirect.gather [hbm4b:s4+s26], $0x80, s28, s26, $0xb8;
	[tilespmem:$0x1FC00] =	vst v63  }
.Ltmp2:
0x44: {  	_ = 	snop;
	(pc) =	sbr.rel .LBB2_2-.Ltmp2, $4  }
0x45: {  	_ =	swait.ge [sflag:s24], $0x80  }
0x46: {  	s8 =	simm.s32 $0x280;
	[sflag:s24] =	ssyncset.done $0x0  }
0x47: {  	s14 =	simm.s32 $0x7400;
	s9 =	simm.s32 $0x0;
	[sflag:s24] =	ssyncadd.s32 $0xFFFFFF80  }
0x48: {  	[tilespmem:s14], [sflag:$0x1] =	stream.indirect.gather [hbm4b:s4+s26], $0x80, s30, s26, $0xb8;
	[tilespmem:$0x1FC00] =	vst v63  }
.LBB2_3:
0x49: {  	s11 =	sadd.s32 $0x5, s9  }
0x4a: {  	s12 =	smul.u32 $0xAB, s11;
	_ =	sdelay $0x1  }
0x4b: {  	s12 =	sshrl.u32 s12, $0xA  }
0x4c: {  	s12 =	sand.u32 $0x3F, s12  }
0x4d: {  	s13 =	sand.u32 $0xFC00, s8;
	s12 =	smul.u32 $0x6, s12  }
0x4e: {  	s14 =	sand.u32 $0x380, s8;
	s13 =	sadd.s32 s7, s13  }
0x4f: {  	s13 =	sor.u32 s14, s13;
	s11 =	ssub.s32 s11, s12  }
0x50: {  	s14 =	sshrl.u32 s13, $0x3;
	s11 =	sand.u32 $0xFF, s11  }
0x51: {  	s13 =	sadd.s32 s5, s14;
	s11 =	sshll.u32 s11, $0x7  }
0x52: {  	[tilespmem:s11], [sflag:$0x2] =	stream.linear.gather [hbm4b:s13+s3], $0x80, $0x38;
	[tilespmem:$0x1FC00] =	vst v63  }
0x53: {  	s12 =	sadd.s32 s6, s14;
	s11 =	sor.u32 $0x400, s11  }
0x54: {  	[tilespmem:s11], [sflag:$0x3] =	stream.linear.gather [hbm4b:s12+s3], $0x80, $0x38;
	[tilespmem:$0x1FC00] =	vst v63  }
.LBB2_5:
0x55: {  	s11 =	sadd.s32 $0x4, s9  }
0x56: {  	s12 =	sand.u32 $0xFF, s11  }
0x57: {  	s13 =	smul.u32 $0xCD, s12;
	_ =	sdelay $0x1  }
0x58: {  	s12 =	smul.u32 $0xAB, s12;
	s13 =	sshrl.u32 s13, $0xA  }
0x59: {  	s13 =	smul.u32 $0x5, s13;
	_ =	sdelay $0x1  }
0x5a: {  	s12 =	sshrl.u32 s12, $0xA;
	s13 =	ssub.s32 s11, s13  }
0x5b: {  	s12 =	smul.u32 $0x6, s12;
	s13 =	sand.u32 $0xFF, s13  }
0x5c: {  	s13 =	smul.u32 $0x9000, s13  }
0x5d: {  	_ =	swait.ge [sflag:s24], $0x80;
	s11 =	ssub.s32 s11, s12  }
0x5e: {  	[sflag:s24] =	ssyncset.done $0x0;
	s11 =	sand.u32 $0xFF, s11;
	s14 =	sshrl.u32 s13, $0x2  }
0x5f: {  	[sflag:s24] =	ssyncadd.s32 $0xFFFFFF80;
	s11 =	sshll.u32 s11, $0x7;
	s12 =	sadd.s32 $0x800, s14  }
0x60: {  	[tilespmem:s12], [sflag:$0x1] =	stream.indirect.gather [hbm4b:s4+s26], $0x80, s11, s26, $0xb8;
	[tilespmem:$0x1FC00] =	vst v63  }
.LBB2_6:
0x61: {  	s11 =	smul.u32 $0xCD, s9;
	_ =	sdelay $0x1  }
0x62: {  	s12 =	smul.u32 $0xAB, s9;
	s11 =	sshrl.u32 s11, $0xA  }
0x63: {  	s11 =	sand.u32 $0x3F, s11  }
0x64: {  	_ =	swait.ge [sflag:s29], $0x2400;
	s12 =	sshrl.u32 s12, $0xA;
	s11 =	smul.u32 $0x5, s11  }
0x65: {  	[sflag:s29] =	ssyncset.done $0x0;
	s12 =	sand.u32 $0x3F, s12  }
0x66: {  	[sflag:s29] =	ssyncadd.s32 $0xFFFFDC00;
	s12 =	smul.u32 $0x6, s12;
	s11 =	ssub.s32 s9, s11  }
0x67: {  	_ =	swait.ge [sflag:s31], $0x80;
	s11 =	sand.u32 $0xFF, s11  }
0x68: {  	[sflag:s31] =	ssyncset.done $0x0;
	s12 =	ssub.s32 s9, s12;
	s11 =	smul.u32 $0x9000, s11  }
0x69: {  	[sflag:s31] =	ssyncadd.s32 $0xFFFFFF80;
	s9 =	sadd.s32 $0x1, s9;
	s12 =	sand.u32 $0xF7, s12  }
0x6a: {  	p0 =	sne.s32 s9, $0x8B;
	s12 =	sshll.u32 s12, $0x7;
	s11 =	sshrl.u32 s11, $0x2  }
.Ltmp3:
0x6b: {  	s12 =	sor.u32 $0x400, s12;
	s11 =	sadd.s32 $0x800, s11;
	(pc) =	sbr.rel @!p0 .LBB2_7-.Ltmp3, $4  }
0x6c: {  	[spmem:s2] =	stream.indirect.scatter.add.f32 [tilespmem:s11], [sflag:$0x4], $0x80, s12, s26, $0xb8;
	[tilespmem:$0x1FC00] =	vst v63  }
0x6d: {  	_ =	swait.ge [sflag:s23], $0x2400  }
0x6e: {  	[sflag:s23] =	ssyncset.done $0x0  }
0x6f: {  	s8 =	sadd.s32 $0x80, s8;
	[sflag:s23] =	ssyncadd.s32 $0xFFFFDC00  }
.LBB2_2:
0x70: {  	p0 =	sgt.u32 s9, $0x85  }
.Ltmp4:
0x71: {  	_ = 	snop;
	(pc) =	sbr.rel @!p0 .LBB2_3-.Ltmp4, $1  }
0x72: {  	_ =	sdelay $0x3  }
0x73: {  	p0 =	sne.s32 s9, $0x86  }
.Ltmp5:
0x74: {  	_ = 	snop;
	(pc) =	sbr.rel @p0 .LBB2_6-.Ltmp5, $4  }
.Ltmp6:
0x75: {  	_ = 	snop;
	(pc) =	sbr.rel @!p0 .LBB2_5-.Ltmp6, $4  }
0x76: {  	_ = 	snop  }
0x77: {  	_ = 	snop  }
0x78: {  	_ = 	snop  }
0x79: {  	_ = 	snop  }
.LBB2_8:
0x7a: {  	_ =	sfence.sel $0x180000  }
0x7b: {  	[bflag:$0x0] =	sbarrier.arrive $0xFFFF  }
0x7c: {  	_ =	strace $0x90000050  }
0x7d: {  	s0 =	stileid.u32;
	[bflag:$0x2] =	sbarrier.arrive $0xFFFF  }
0x7e: {  	p0 =	sne.s32 s0, $0x0;
	s0 =	rddreg [dreg:$0x2]  }
0x7f: {  	s0 =	sadd.s32 @!p0 $0x100000, s0  }
0x80: {  	[sflag:s0] =	ssyncadd.tile.s32 @!p0 $0x1;
	_ =	shalt  }
.Lfunc_end2:
_tile_overlayer_lowered:
.L_overlay_start_2:
0x81: {  	(tag) =	ssettag $0x2  }
0x82: {  	s0 =	rddreg [dreg:$0x0];
	s2 =	stileid.u32  }
0x83: {  	s1 =	rddreg [dreg:$0x1];
	p0 =	sne.s32 s2, $0x0  }
0x84: {  	s3 =	rddreg [dreg:$0x2];
	[bflag:$0x3] =	sbarrier.arrive $0xFFFF;
	s2 =	simm.s32 @!p0 $0x1C04  }
0x85: {  	[timem:s3], [sflag:s2] =	dma.local @!p0 [hbm:s0], s1  }
0x86: {  	s0 =	simm.s32 @!p0 $0x4  }
0x87: {  	_ =	swait.ge @!p0 [sflag:s0], s1  }
0x88: {  	s1 =	ssub.s32 @!p0 $0x0, s1;
	[sflag:s0] =	ssyncset.done @!p0 $0x0  }
0x89: {  	[sflag:s0] =	ssyncadd.s32 @!p0 s1  }
0x8a: {  	[bflag:$0x3] =	sbarrier.arrive $0xFFFF  }
0x8b: {  	_ =	shalt  }

</sc_bundles>
